<compile_context>
chip_gen: v7x
topology: tpu7x:2x2x1
jax: 0.10.2.dev20260603
libtpu: 0.0.44.dev20260713+nightly
codegen_flags: <defaults>
</compile_context>

<pallas_src>
import functools

import jax
import jax.numpy as jnp
from jax import lax
from jax.experimental import pallas as pl
from jax.experimental.pallas import tpu as pltpu
from jax.experimental.pallas import tpu_sc as plsc

_NC = 2
_NS = 16
_C = 80


def _npad_for(n):
  return ((n + _C * _NS - 1) // (_C * _NS)) * (_C * _NS)


def _mesh():
  return plsc.VectorSubcoreMesh(core_axis_name="c", subcore_axis_name="s")


_LINEAR = pltpu.CompilerParams(use_tc_tiling_on_sc=False)


def _sc_feat_deg_sums(feat2, eidx3, n, de):
  dh = feat2.shape[-1]
  e_total = eidx3.shape[-1]
  ept = e_total // _NS
  nch = ept // _C
  npad = _npad_for(n)
  rpt = npad // _NS
  nef = nch // _NC

  @functools.partial(
      pl.kernel,
      out_type=[
          jax.ShapeDtypeStruct((_NC, npad, dh), jnp.float32),
          jax.ShapeDtypeStruct((_NC, npad, de), jnp.float32),
      ],
      mesh=_mesh(),
      scratch_types=[
          pltpu.VMEM((ept,), jnp.int32),
          pltpu.VMEM((ept,), jnp.int32),
          pltpu.VMEM((_C, dh), jnp.float32),
          pltpu.VMEM((_C, dh), jnp.float32),
          pltpu.VMEM((_C, dh), jnp.float32),
          pltpu.VMEM((_C, dh), jnp.float32),
          pltpu.VMEM((_C, dh), jnp.float32),
          pltpu.VMEM((_C, de), jnp.float32),
          pltpu.VMEM_SHARED((npad, dh), jnp.float32),
          pltpu.VMEM_SHARED((npad, de), jnp.float32),
          pltpu.SemaphoreType.DMA,
          pltpu.SemaphoreType.DMA,
          pltpu.SemaphoreType.DMA,
          pltpu.SemaphoreType.DMA,
      ],
      compiler_params=_LINEAR,
  )
  def k(eidx_h, feat2_h, psum_h, pdeg_h,
        sidx, didx, r0b, r1b, r2b, r3b, zb, onesb, acc, dacc,
        g0, g1, g2, g3):
    cid = lax.axis_index("c")
    sid = lax.axis_index("s")
    base = sid * ept

    pltpu.sync_copy(eidx_h.at[cid, pl.ds(base, ept)], sidx)
    pltpu.sync_copy(eidx_h.at[2, pl.ds(base, ept)], didx)

    def gsrc(ci):
      return feat2_h.at[sidx.at[pl.ds(ci * _C, _C)]]

    def dst_at(ci):
      return didx.at[pl.ds(ci * _C, _C)]

    ring = ((r0b, g0), (r1b, g1), (r2b, g2), (r3b, g3))

    pltpu.async_copy(gsrc(0), r0b, g0)
    pltpu.async_copy(gsrc(1), r1b, g1)

    zeros16 = jnp.zeros((16,), jnp.float32)
    ones16 = jnp.ones((16,), jnp.float32)

    def zrow(i, carry):
      for j in range(dh // 16):
        zb[i, pl.ds(j * 16, 16)] = zeros16
      for j in range(de // 16):
        onesb[i, pl.ds(j * 16, 16)] = ones16
      return carry
    lax.fori_loop(0, _C, zrow, 0)

    rr0 = sid * rpt
    for kk in range(rpt // _C):
      pltpu.sync_copy(zb, acc.at[pl.ds(rr0 + kk * _C, _C)])
      pltpu.sync_copy(zb.at[:, pl.ds(0, de)],
                      dacc.at[pl.ds(rr0 + kk * _C, _C)])
    plsc.subcore_barrier()

    def gwait(buf, sem, ci):
      pltpu.make_async_copy(gsrc(ci), buf, sem).wait()

    def sissue(buf, sem, ci):
      pltpu.make_async_copy(buf, acc.at[dst_at(ci)], sem).start(add=True)

    def swait(buf, sem, ci):
      pltpu.make_async_copy(buf, acc.at[dst_at(ci)], sem).wait()

    eoff = cid * nef

    gwait(r0b, g0, 0)
    sissue(r0b, g0, 0)
    pltpu.async_copy(gsrc(2), r2b, g2)
    gwait(r1b, g1, 1)
    sissue(r1b, g1, 1)
    pltpu.async_copy(gsrc(3), r3b, g3)

    def body(g, carry):
      for off in range(4):
        ci = 4 * g + 2 + off
        buf, sem = ring[(2 + off) % 4]
        gwait(buf, sem, ci)
        sissue(buf, sem, ci)
        nbuf, nsem = ring[(4 + off) % 4]
        swait(nbuf, nsem, ci - 2)

        @pl.when(ci + 2 < nch)
        def _():
          pltpu.async_copy(gsrc(ci + 2), nbuf, nsem)
      pltpu.sync_copy(onesb, dacc.at[dst_at(eoff + 2 * g)], add=True)
      pltpu.sync_copy(onesb, dacc.at[dst_at(eoff + 2 * g + 1)], add=True)
      return carry

    niter = (nch - 2) // 4
    lax.fori_loop(0, niter, body, 0)

    swait(ring[0][0], ring[0][1], nch - 2)
    swait(ring[1][0], ring[1][1], nch - 1)
    for ci in range(2 * niter, nef):
      pltpu.sync_copy(onesb, dacc.at[dst_at(eoff + ci)], add=True)

    plsc.subcore_barrier()
    pltpu.sync_copy(acc.at[pl.ds(rr0, rpt)],
                    psum_h.at[cid, pl.ds(rr0, rpt)])
    pltpu.sync_copy(dacc.at[pl.ds(rr0, rpt)],
                    pdeg_h.at[cid, pl.ds(rr0, rpt)])

  return k(eidx3, feat2)


def _sc_ef_sums(ef, eidx3, n):
  e_total = eidx3.shape[-1]
  de = ef.shape[-1]
  ept = e_total // _NS
  nch = ept // _C
  npad = _npad_for(n)
  rpt = npad // _NS
  nef = nch // _NC

  @functools.partial(
      pl.kernel,
      out_type=jax.ShapeDtypeStruct((_NC, npad, de), jnp.float32),
      mesh=_mesh(),
      scratch_types=[
          pltpu.VMEM((ept,), jnp.int32),
          pltpu.VMEM((_C, de), jnp.float32),
          pltpu.VMEM((_C, de), jnp.float32),
          pltpu.VMEM((_C, de), jnp.float32),
          pltpu.VMEM((_C, de), jnp.float32),
          pltpu.VMEM((_C, de), jnp.float32),
          pltpu.VMEM_SHARED((npad, de), jnp.float32),
          pltpu.SemaphoreType.DMA,
          pltpu.SemaphoreType.DMA,
          pltpu.SemaphoreType.DMA,
          pltpu.SemaphoreType.DMA,
      ],
      compiler_params=_LINEAR,
  )
  def k(eidx_h, ef_h, pef_h, didx, e0b, e1b, e2b, e3b, zb, eacc,
        e0, e1, e2, e3):
    cid = lax.axis_index("c")
    sid = lax.axis_index("s")
    base = sid * ept
    eoff = cid * nef

    pltpu.sync_copy(eidx_h.at[2, pl.ds(base, ept)], didx)

    def ef_at(ei):
      return ef_h.at[pl.ds(base + ei * _C, _C)]

    def dst_at(ci):
      return didx.at[pl.ds(ci * _C, _C)]

    ring = ((e0b, e0), (e1b, e1), (e2b, e2), (e3b, e3))

    pltpu.async_copy(ef_at(eoff), e0b, e0)
    pltpu.async_copy(ef_at(eoff + 1), e1b, e1)

    zeros16 = jnp.zeros((16,), jnp.float32)

    def zrow(i, carry):
      for j in range(de // 16):
        zb[i, pl.ds(j * 16, 16)] = zeros16
      return carry
    lax.fori_loop(0, _C, zrow, 0)

    rr0 = sid * rpt
    for kk in range(rpt // _C):
      pltpu.sync_copy(zb, eacc.at[pl.ds(rr0 + kk * _C, _C)])
    plsc.subcore_barrier()

    def ewait(buf, sem, lc):
      pltpu.make_async_copy(ef_at(eoff + lc), buf, sem).wait()

    def sissue(buf, sem, lc):
      pltpu.make_async_copy(buf, eacc.at[dst_at(eoff + lc)],
                            sem).start(add=True)

    def swait(buf, sem, lc):
      pltpu.make_async_copy(buf, eacc.at[dst_at(eoff + lc)], sem).wait()

    ewait(e0b, e0, 0)
    sissue(e0b, e0, 0)
    pltpu.async_copy(ef_at(eoff + 2), e2b, e2)
    ewait(e1b, e1, 1)
    sissue(e1b, e1, 1)
    pltpu.async_copy(ef_at(eoff + 3), e3b, e3)

    def body(g, carry):
      for off in range(4):
        lc = 4 * g + 2 + off

        @pl.when(lc < nef)
        def _():
          buf, sem = ring[(2 + off) % 4]
          ewait(buf, sem, lc)
          sissue(buf, sem, lc)
          nbuf, nsem = ring[off % 4]
          swait(nbuf, nsem, lc - 2)

          @pl.when(lc + 2 < nef)
          def _():
            pltpu.async_copy(ef_at(eoff + lc + 2), nbuf, nsem)
      return carry

    lax.fori_loop(0, (nef + 3) // 4, body, 0)

    lc1, lc2 = nef - 2, nef - 1
    b1, s1 = ring[(2 + (lc1 - 2) % 4) % 4]
    b2, s2 = ring[(2 + (lc2 - 2) % 4) % 4]
    swait(b1, s1, lc1)
    swait(b2, s2, lc2)

    plsc.subcore_barrier()
    pltpu.sync_copy(eacc.at[pl.ds(rr0, rpt)],
                    pef_h.at[cid, pl.ds(rr0, rpt)])

  return k(eidx3, ef)


def _self_term(feat, w_self, bias2d):
  n, d = feat.shape
  blk = 1000
  grid = (n // blk,)

  def body(f_ref, ws_ref, b_ref, o_ref):
    o_ref[...] = (jnp.dot(f_ref[...], ws_ref[...],
                          preferred_element_type=jnp.float32) + b_ref[...])

  return pl.pallas_call(
      body,
      grid=grid,
      in_specs=[
          pl.BlockSpec((blk, d), lambda i: (i, 0)),
          pl.BlockSpec((d, d), lambda i: (0, 0)),
          pl.BlockSpec((1, d), lambda i: (0, 0)),
      ],
      out_specs=pl.BlockSpec((blk, d), lambda i: (i, 0)),
      out_shape=jax.ShapeDtypeStruct((n, d), jnp.float32),
  )(feat, w_self, bias2d)


def _combine(selfterm, psum, pdeg, pef, w_neigh):
  n, d = selfterm.shape
  dh = psum.shape[-1]
  de = pef.shape[-1]
  dk = w_neigh.shape[0]
  blk = 1000
  grid = (n // blk,)

  def body(st_ref, ps_ref, pd_ref, pe_ref, wn_ref, o_ref):
    dg = pd_ref[0, :, 0:1] + pd_ref[1, :, 0:1]
    e = pe_ref[0] + pe_ref[1]
    scale = 1.0 / jnp.maximum(dg, 1.0)
    wn = wn_ref[...]
    h = (jnp.dot(ps_ref[0], wn[0:dh], preferred_element_type=jnp.float32)
         + jnp.dot(ps_ref[1], wn[dh:2 * dh],
                   preferred_element_type=jnp.float32)
         + jnp.dot(e, wn[2 * dh:dk], preferred_element_type=jnp.float32))
    o_ref[...] = st_ref[...] + h * scale

  return pl.pallas_call(
      body,
      grid=grid,
      in_specs=[
          pl.BlockSpec((blk, d), lambda i: (i, 0)),
          pl.BlockSpec((_NC, blk, dh), lambda i: (0, i, 0)),
          pl.BlockSpec((_NC, blk, de), lambda i: (0, i, 0)),
          pl.BlockSpec((_NC, blk, de), lambda i: (0, i, 0)),
          pl.BlockSpec((dk, d), lambda i: (0, 0)),
      ],
      out_specs=pl.BlockSpec((blk, d), lambda i: (i, 0)),
      out_shape=jax.ShapeDtypeStruct((n, d), jnp.float32),
  )(selfterm, psum, pdeg, pef, w_neigh)


def kernel(feat, edge_index, edge_feats, W_self, W_neigh, bias):
  n, d = feat.shape
  de = edge_feats.shape[1]
  dh = d // _NC
  src = edge_index[0]
  dst = edge_index[1]
  feat2 = jnp.concatenate([feat[:, :dh], feat[:, dh:]], axis=0)
  eidx3 = jnp.stack([src, src + n, dst])
  psum, pdeg = _sc_feat_deg_sums(feat2, eidx3, n, de)
  pef = _sc_ef_sums(edge_feats, eidx3, n)
  st = _self_term(feat, W_self, bias.reshape(1, d))
  return _combine(st, psum, pdeg, pef, W_neigh)

# --- scband reference (transcript-rebuilt; emitter-appended) ---
"""Pipeline reference for scband-edge-sageconv-26053271617546 (READ-ONLY COPY).

The authoritative reference and input builder live on the scoring server;
editing this copy changes nothing except your own understanding.
"""

import jax, jax.numpy as jnp
import numpy as np

N = 10000
E = 320000
D = 128
DE = 16
OUT = 128


def setup_inputs(seed: int = 0) -> dict:
    key = jax.random.key(seed)
    k1, k2, k3, k4, k5 = jax.random.split(key, 5)
    feat = jax.random.normal(k1, (N, D), dtype=jnp.float32)
    edge_index = jax.random.randint(k2, (2, E), 0, N, dtype=jnp.int32)
    edge_feats = jax.random.normal(k3, (E, DE), dtype=jnp.float32)
    # learned params (glorot-ish scale)
    W_self = jax.random.normal(k4, (D, OUT), dtype=jnp.float32) * (1.0 / np.sqrt(D))
    W_neigh = jax.random.normal(k5, (D + DE, OUT), dtype=jnp.float32) * (1.0 / np.sqrt(D + DE))
    bias = jnp.zeros((OUT,), dtype=jnp.float32)
    return {"feat": feat, "edge_index": edge_index, "edge_feats": edge_feats,
            "W_self": W_self, "W_neigh": W_neigh, "bias": bias}


def reference(feat, edge_index, edge_feats, W_self, W_neigh, bias):
    # EdgeSAGEConv, aggregator_type='mean', edge_func='cat' (u_cat_e):
    #   message m_e = concat(h_src[e], edge_feats[e])  -> mean over incoming edges at dst
    src = edge_index[0]
    dst = edge_index[1]
    h_src = jnp.take(feat, src, axis=0)                      # gather [E, D]
    m = jnp.concatenate([h_src, edge_feats], axis=1)         # [E, D+DE]
    neigh_sum = jax.ops.segment_sum(m, dst, num_segments=N)  # scatter-add [N, D+DE]
    deg = jax.ops.segment_sum(jnp.ones((E,), dtype=jnp.float32), dst, num_segments=N)
    h_neigh = neigh_sum / jnp.clip(deg, 1.0, None)[:, None]  # mean; zero-degree -> 0
    h_neigh = h_neigh @ W_neigh                              # fc_neigh (lazy: D+DE -> OUT)
    rst = feat @ W_self + h_neigh + bias                     # fc_self(h_self) + h_neigh + bias
    return rst

if __name__ == "__main__":
    import jax
    _d = setup_inputs()
    print(jax.jit(kernel)(*tuple(_d.values())))

</pallas_src>

<mosaic_0001>
#map = affine_map<(d0, d1) -> (0, 0)>
#map1 = affine_map<(d0, d1) -> (0, 0, 0)>
module attributes {stable_mosaic.version = 14 : i64} {
  func.func @k(%arg0: i32, %arg1: i32, %arg2: memref<3x320000xi32, #tpu.memory_space<hbm>>, %arg3: memref<20000x64xf32, #tpu.memory_space<hbm>>, %arg4: memref<2x10240x64xf32, #tpu.memory_space<hbm>>, %arg5: memref<2x10240x16xf32, #tpu.memory_space<hbm>>, %arg6: memref<20000xi32, #tpu.memory_space<vmem>>, %arg7: memref<20000xi32, #tpu.memory_space<vmem>>, %arg8: memref<80x64xf32, #tpu.memory_space<vmem>>, %arg9: memref<80x64xf32, #tpu.memory_space<vmem>>, %arg10: memref<80x64xf32, #tpu.memory_space<vmem>>, %arg11: memref<80x64xf32, #tpu.memory_space<vmem>>, %arg12: memref<80x64xf32, #tpu.memory_space<vmem>>, %arg13: memref<80x16xf32, #tpu.memory_space<vmem>>, %arg14: memref<10240x64xf32, #tpu.memory_space<vmem_shared>>, %arg15: memref<10240x16xf32, #tpu.memory_space<vmem_shared>>, %arg16: memref<!tpu.dma_semaphore, #tpu.memory_space<semaphore_mem>>, %arg17: memref<!tpu.dma_semaphore, #tpu.memory_space<semaphore_mem>>, %arg18: memref<!tpu.dma_semaphore, #tpu.memory_space<semaphore_mem>>, %arg19: memref<!tpu.dma_semaphore, #tpu.memory_space<semaphore_mem>>) attributes {dimension_semantics = [#tpu.dimension_semantics<core_parallel>, #tpu.dimension_semantics<subcore_parallel>], iteration_bounds = array<i64: 2, 16>, scalar_prefetch = 0 : i64, scratch_operands = 14 : i64, tpu.core_type = #tpu.core_type<sc_vector_subcore>, window_params = [{transform_indices = #map}, {transform_indices = #map}, {transform_indices = #map1}, {transform_indices = #map1}]} {
    %mul3A = arith.constant 20000 : i32
    %mul3A_0 = arith.muli %arg1, %mul3A : i32
    "tpu.region"() ({
      %run_scoped3A_103 = tpu.sem_alloc : memref<!tpu.dma_semaphore, #tpu.memory_space<semaphore_mem>>
      %dma_start3A_104 = tpu.memref_slice %arg2[%arg0, %mul3A_0] : memref<3x320000xi32, #tpu.memory_space<hbm>> -> memref<1x20000xi32, #tpu.memory_space<hbm>>
      %dma_start3A_105 = tpu.memref_squeeze %dma_start3A_104 : memref<1x20000xi32, #tpu.memory_space<hbm>> -> memref<20000xi32, #tpu.memory_space<hbm>>
      %dma_start3A_106 = tpu.memref_slice %arg2[%arg0, %mul3A_0] : memref<3x320000xi32, #tpu.memory_space<hbm>> -> memref<1x20000xi32, #tpu.memory_space<hbm>>
      %dma_start3A_107 = tpu.memref_squeeze %dma_start3A_106 : memref<1x20000xi32, #tpu.memory_space<hbm>> -> memref<20000xi32, #tpu.memory_space<hbm>>
      tpu.enqueue_dma source(%dma_start3A_107 : memref<20000xi32, #tpu.memory_space<hbm>>) target(%arg6 : memref<20000xi32, #tpu.memory_space<vmem>>) target_semaphore(%run_scoped3A_103 : memref<!tpu.dma_semaphore, #tpu.memory_space<semaphore_mem>>)
      %dma_wait3A_108 = tpu.memref_slice %arg2[%arg0, %mul3A_0] : memref<3x320000xi32, #tpu.memory_space<hbm>> -> memref<1x20000xi32, #tpu.memory_space<hbm>>
      %dma_wait3A_109 = tpu.memref_squeeze %dma_wait3A_108 : memref<1x20000xi32, #tpu.memory_space<hbm>> -> memref<20000xi32, #tpu.memory_space<hbm>>
      %dma_wait3A_110 = tpu.memref_slice %arg2[%arg0, %mul3A_0] : memref<3x320000xi32, #tpu.memory_space<hbm>> -> memref<1x20000xi32, #tpu.memory_space<hbm>>
      %dma_wait3A_111 = tpu.memref_squeeze %dma_wait3A_110 : memref<1x20000xi32, #tpu.memory_space<hbm>> -> memref<20000xi32, #tpu.memory_space<hbm>>
      tpu.wait_dma2 semaphore(%run_scoped3A_103 : memref<!tpu.dma_semaphore, #tpu.memory_space<semaphore_mem>>) src(%dma_wait3A_111 : memref<20000xi32, #tpu.memory_space<hbm>>) dst(%arg6 : memref<20000xi32, #tpu.memory_space<vmem>>)
      tpu.yield
    }) : () -> ()
    %run_scoped3A = arith.constant 2 : i32
    "tpu.region"() ({
      %run_scoped3A_103 = tpu.sem_alloc : memref<!tpu.dma_semaphore, #tpu.memory_space<semaphore_mem>>
      %dma_start3A_104 = tpu.memref_slice %arg2[%run_scoped3A, %mul3A_0] : memref<3x320000xi32, #tpu.memory_space<hbm>> -> memref<1x20000xi32, #tpu.memory_space<hbm>>
      %dma_start3A_105 = tpu.memref_squeeze %dma_start3A_104 : memref<1x20000xi32, #tpu.memory_space<hbm>> -> memref<20000xi32, #tpu.memory_space<hbm>>
      %dma_start3A_106 = tpu.memref_slice %arg2[%run_scoped3A, %mul3A_0] : memref<3x320000xi32, #tpu.memory_space<hbm>> -> memref<1x20000xi32, #tpu.memory_space<hbm>>
      %dma_start3A_107 = tpu.memref_squeeze %dma_start3A_106 : memref<1x20000xi32, #tpu.memory_space<hbm>> -> memref<20000xi32, #tpu.memory_space<hbm>>
      tpu.enqueue_dma source(%dma_start3A_107 : memref<20000xi32, #tpu.memory_space<hbm>>) target(%arg7 : memref<20000xi32, #tpu.memory_space<vmem>>) target_semaphore(%run_scoped3A_103 : memref<!tpu.dma_semaphore, #tpu.memory_space<semaphore_mem>>)
      %dma_wait3A_108 = tpu.memref_slice %arg2[%run_scoped3A, %mul3A_0] : memref<3x320000xi32, #tpu.memory_space<hbm>> -> memref<1x20000xi32, #tpu.memory_space<hbm>>
      %dma_wait3A_109 = tpu.memref_squeeze %dma_wait3A_108 : memref<1x20000xi32, #tpu.memory_space<hbm>> -> memref<20000xi32, #tpu.memory_space<hbm>>
      %dma_wait3A_110 = tpu.memref_slice %arg2[%run_scoped3A, %mul3A_0] : memref<3x320000xi32, #tpu.memory_space<hbm>> -> memref<1x20000xi32, #tpu.memory_space<hbm>>
      %dma_wait3A_111 = tpu.memref_squeeze %dma_wait3A_110 : memref<1x20000xi32, #tpu.memory_space<hbm>> -> memref<20000xi32, #tpu.memory_space<hbm>>
      tpu.wait_dma2 semaphore(%run_scoped3A_103 : memref<!tpu.dma_semaphore, #tpu.memory_space<semaphore_mem>>) src(%dma_wait3A_111 : memref<20000xi32, #tpu.memory_space<hbm>>) dst(%arg7 : memref<20000xi32, #tpu.memory_space<vmem>>)
      tpu.yield
    }) : () -> ()
    %dma_start3A = arith.constant 0 : i32
    %dma_start3A_1 = tpu.memref_slice %arg6[%dma_start3A] : memref<20000xi32, #tpu.memory_space<vmem>> -> memref<80xi32, #tpu.memory_space<vmem>>
    %dma_start3A_2 = arith.constant 0 : i32
    %dma_start3A_3 = arith.constant 0 : i32
    %dma_start3A_4 = tpu.memref_slice %arg3[%dma_start3A_2, %dma_start3A_3] : memref<20000x64xf32, #tpu.memory_space<hbm>> -> memref<20000x64xf32, #tpu.memory_space<hbm>>
    tpu.enqueue_indirect_dma source(%dma_start3A_4 : memref<20000x64xf32, #tpu.memory_space<hbm>>) target(%arg8 : memref<80x64xf32, #tpu.memory_space<vmem>>) offsets(%dma_start3A_1 : memref<80xi32, #tpu.memory_space<vmem>>) semaphore(%arg16 : memref<!tpu.dma_semaphore, #tpu.memory_space<semaphore_mem>>)
    %dma_start3A_5 = arith.constant 80 : i32
    %dma_start3A_6 = tpu.memref_slice %arg6[%dma_start3A_5] : memref<20000xi32, #tpu.memory_space<vmem>> -> memref<80xi32, #tpu.memory_space<vmem>>
    %dma_start3A_7 = arith.constant 0 : i32
    %dma_start3A_8 = arith.constant 0 : i32
    %dma_start3A_9 = tpu.memref_slice %arg3[%dma_start3A_7, %dma_start3A_8] : memref<20000x64xf32, #tpu.memory_space<hbm>> -> memref<20000x64xf32, #tpu.memory_space<hbm>>
    tpu.enqueue_indirect_dma source(%dma_start3A_9 : memref<20000x64xf32, #tpu.memory_space<hbm>>) target(%arg9 : memref<80x64xf32, #tpu.memory_space<vmem>>) offsets(%dma_start3A_6 : memref<80xi32, #tpu.memory_space<vmem>>) semaphore(%arg17 : memref<!tpu.dma_semaphore, #tpu.memory_space<semaphore_mem>>)
    %broadcast_in_dim3A = arith.constant 0.000000e+00 : f32
    %broadcast_in_dim3A_10 = vector.broadcast %broadcast_in_dim3A : f32 to vector<16xf32>
    %broadcast_in_dim3A_11 = arith.constant 1.000000e+00 : f32
    %broadcast_in_dim3A_12 = vector.broadcast %broadcast_in_dim3A_11 : f32 to vector<16xf32>
    %scan3A = arith.constant 0 : i32
    %scan3A_13 = arith.constant 0 : i32
    %scan3A_14 = arith.constant 80 : i32
    %scan3A_15 = arith.addi %scan3A_13, %scan3A_14 : i32
    %scan3A_16 = arith.constant 1 : i32
    scf.for %scan3A_103 = %scan3A_13 to %scan3A_15 step %scan3A_16  : i32 {
      %swap3A = arith.index_cast %scan3A_103 : i32 to index
      %swap3A_104 = arith.constant 0 : index
      %swap3A_105 = tpu.vector_load %arg12[%swap3A, %swap3A_104] {strides = array<i32>} : memref<80x64xf32, #tpu.memory_space<vmem>>, vector<1x16xf32>,
      %swap3A_106 = vector.shape_cast %swap3A_105 : vector<1x16xf32> to vector<16xf32>
      %swap3A_107 = vector.shape_cast %broadcast_in_dim3A_10 : vector<16xf32> to vector<1x16xf32>
      tpu.vector_store %arg12[%swap3A, %swap3A_104], %swap3A_107 {strides = array<i32>} : memref<80x64xf32, #tpu.memory_space<vmem>>, vector<1x16xf32>,
      %swap3A_108 = arith.index_cast %scan3A_103 : i32 to index
      %swap3A_109 = arith.constant 16 : index
      %swap3A_110 = tpu.vector_load %arg12[%swap3A_108, %swap3A_109] {strides = array<i32>} : memref<80x64xf32, #tpu.memory_space<vmem>>, vector<1x16xf32>,
      %swap3A_111 = vector.shape_cast %swap3A_110 : vector<1x16xf32> to vector<16xf32>
      %swap3A_112 = vector.shape_cast %broadcast_in_dim3A_10 : vector<16xf32> to vector<1x16xf32>
      tpu.vector_store %arg12[%swap3A_108, %swap3A_109], %swap3A_112 {strides = array<i32>} : memref<80x64xf32, #tpu.memory_space<vmem>>, vector<1x16xf32>,
      %swap3A_113 = arith.index_cast %scan3A_103 : i32 to index
      %swap3A_114 = arith.constant 32 : index
      %swap3A_115 = tpu.vector_load %arg12[%swap3A_113, %swap3A_114] {strides = array<i32>} : memref<80x64xf32, #tpu.memory_space<vmem>>, vector<1x16xf32>,
      %swap3A_116 = vector.shape_cast %swap3A_115 : vector<1x16xf32> to vector<16xf32>
      %swap3A_117 = vector.shape_cast %broadcast_in_dim3A_10 : vector<16xf32> to vector<1x16xf32>
      tpu.vector_store %arg12[%swap3A_113, %swap3A_114], %swap3A_117 {strides = array<i32>} : memref<80x64xf32, #tpu.memory_space<vmem>>, vector<1x16xf32>,
      %swap3A_118 = arith.index_cast %scan3A_103 : i32 to index
      %swap3A_119 = arith.constant 48 : index
      %swap3A_120 = tpu.vector_load %arg12[%swap3A_118, %swap3A_119] {strides = array<i32>} : memref<80x64xf32, #tpu.memory_space<vmem>>, vector<1x16xf32>,
      %swap3A_121 = vector.shape_cast %swap3A_120 : vector<1x16xf32> to vector<16xf32>
      %swap3A_122 = vector.shape_cast %broadcast_in_dim3A_10 : vector<16xf32> to vector<1x16xf32>
      tpu.vector_store %arg12[%swap3A_118, %swap3A_119], %swap3A_122 {strides = array<i32>} : memref<80x64xf32, #tpu.memory_space<vmem>>, vector<1x16xf32>,
      %swap3A_123 = arith.index_cast %scan3A_103 : i32 to index
      %swap3A_124 = arith.constant 0 : index
      %swap3A_125 = tpu.vector_load %arg13[%swap3A_123, %swap3A_124] {strides = array<i32>} : memref<80x16xf32, #tpu.memory_space<vmem>>, vector<1x16xf32>,
      %swap3A_126 = vector.shape_cast %swap3A_125 : vector<1x16xf32> to vector<16xf32>
      %swap3A_127 = vector.shape_cast %broadcast_in_dim3A_12 : vector<16xf32> to vector<1x16xf32>
      tpu.vector_store %arg13[%swap3A_123, %swap3A_124], %swap3A_127 {strides = array<i32>} : memref<80x16xf32, #tpu.memory_space<vmem>>, vector<1x16xf32>,
    }
    %scan3A_17 = arith.constant 80 : i32
    %mul3A_18 = arith.constant 640 : i32
    %mul3A_19 = arith.muli %arg1, %mul3A_18 : i32
    %add3A = arith.constant 0 : i32
    %add3A_20 = arith.addi %mul3A_19, %add3A : i32
    "tpu.region"() ({
      %run_scoped3A_103 = tpu.sem_alloc : memref<!tpu.dma_semaphore, #tpu.memory_space<semaphore_mem>>
      %dma_start3A_104 = arith.constant 0 : i32
      %dma_start3A_105 = tpu.memref_slice %arg14[%add3A_20, %dma_start3A_104] : memref<10240x64xf32, #tpu.memory_space<vmem_shared>> -> memref<80x64xf32, #tpu.memory_space<vmem_shared>>
      %dma_start3A_106 = arith.constant 0 : i32
      %dma_start3A_107 = tpu.memref_slice %arg14[%add3A_20, %dma_start3A_106] : memref<10240x64xf32, #tpu.memory_space<vmem_shared>> -> memref<80x64xf32, #tpu.memory_space<vmem_shared>>
      tpu.enqueue_dma source(%arg12 : memref<80x64xf32, #tpu.memory_space<vmem>>) target(%dma_start3A_107 : memref<80x64xf32, #tpu.memory_space<vmem_shared>>) target_semaphore(%run_scoped3A_103 : memref<!tpu.dma_semaphore, #tpu.memory_space<semaphore_mem>>)
      %dma_wait3A_108 = arith.constant 0 : i32
      %dma_wait3A_109 = tpu.memref_slice %arg14[%add3A_20, %dma_wait3A_108] : memref<10240x64xf32, #tpu.memory_space<vmem_shared>> -> memref<80x64xf32, #tpu.memory_space<vmem_shared>>
      %dma_wait3A_110 = arith.constant 0 : i32
      %dma_wait3A_111 = tpu.memref_slice %arg14[%add3A_20, %dma_wait3A_110] : memref<10240x64xf32, #tpu.memory_space<vmem_shared>> -> memref<80x64xf32, #tpu.memory_space<vmem_shared>>
      tpu.wait_dma2 semaphore(%run_scoped3A_103 : memref<!tpu.dma_semaphore, #tpu.memory_space<semaphore_mem>>) src(%arg12 : memref<80x64xf32, #tpu.memory_space<vmem>>) dst(%dma_wait3A_111 : memref<80x64xf32, #tpu.memory_space<vmem_shared>>)
      tpu.yield
    }) : () -> ()
    %add3A_21 = arith.constant 0 : i32
    %add3A_22 = arith.addi %mul3A_19, %add3A_21 : i32
    "tpu.region"() ({
      %run_scoped3A_103 = tpu.sem_alloc : memref<!tpu.dma_semaphore, #tpu.memory_space<semaphore_mem>>
      %dma_start3A_104 = arith.constant 0 : i32
      %dma_start3A_105 = arith.constant 0 : i32
      %dma_start3A_106 = tpu.memref_slice %arg12[%dma_start3A_104, %dma_start3A_105] : memref<80x64xf32, #tpu.memory_space<vmem>> -> memref<80x16xf32, #tpu.memory_space<vmem>>
      %dma_start3A_107 = arith.constant 0 : i32
      %dma_start3A_108 = tpu.memref_slice %arg15[%add3A_22, %dma_start3A_107] : memref<10240x16xf32, #tpu.memory_space<vmem_shared>> -> memref<80x16xf32, #tpu.memory_space<vmem_shared>>
      %dma_start3A_109 = arith.constant 0 : i32
      %dma_start3A_110 = tpu.memref_slice %arg15[%add3A_22, %dma_start3A_109] : memref<10240x16xf32, #tpu.memory_space<vmem_shared>> -> memref<80x16xf32, #tpu.memory_space<vmem_shared>>
      %dma_start3A_111 = arith.constant 0 : i32
      %dma_start3A_112 = arith.constant 0 : i32
      %dma_start3A_113 = tpu.memref_slice %arg12[%dma_start3A_111, %dma_start3A_112] : memref<80x64xf32, #tpu.memory_space<vmem>> -> memref<80x16xf32, #tpu.memory_space<vmem>>
      tpu.enqueue_dma source(%dma_start3A_113 : memref<80x16xf32, #tpu.memory_space<vmem>>) target(%dma_start3A_110 : memref<80x16xf32, #tpu.memory_space<vmem_shared>>) target_semaphore(%run_scoped3A_103 : memref<!tpu.dma_semaphore, #tpu.memory_space<semaphore_mem>>)
      %dma_wait3A_114 = arith.constant 0 : i32
      %dma_wait3A_115 = arith.constant 0 : i32
      %dma_wait3A_116 = tpu.memref_slice %arg12[%dma_wait3A_114, %dma_wait3A_115] : memref<80x64xf32, #tpu.memory_space<vmem>> -> memref<80x16xf32, #tpu.memory_space<vmem>>
      %dma_wait3A_117 = arith.constant 0 : i32
      %dma_wait3A_118 = tpu.memref_slice %arg15[%add3A_22, %dma_wait3A_117] : memref<10240x16xf32, #tpu.memory_space<vmem_shared>> -> memref<80x16xf32, #tpu.memory_space<vmem_shared>>
      %dma_wait3A_119 = arith.constant 0 : i32
      %dma_wait3A_120 = tpu.memref_slice %arg15[%add3A_22, %dma_wait3A_119] : memref<10240x16xf32, #tpu.memory_space<vmem_shared>> -> memref<80x16xf32, #tpu.memory_space<vmem_shared>>
      %dma_wait3A_121 = arith.constant 0 : i32
      %dma_wait3A_122 = arith.constant 0 : i32
      %dma_wait3A_123 = tpu.memref_slice %arg12[%dma_wait3A_121, %dma_wait3A_122] : memref<80x64xf32, #tpu.memory_space<vmem>> -> memref<80x16xf32, #tpu.memory_space<vmem>>
      tpu.wait_dma2 semaphore(%run_scoped3A_103 : memref<!tpu.dma_semaphore, #tpu.memory_space<semaphore_mem>>) src(%dma_wait3A_123 : memref<80x16xf32, #tpu.memory_space<vmem>>) dst(%dma_wait3A_120 : memref<80x16xf32, #tpu.memory_space<vmem_shared>>)
      tpu.yield
    }) : () -> ()
    %add3A_23 = arith.constant 80 : i32
    %add3A_24 = arith.addi %mul3A_19, %add3A_23 : i32
    "tpu.region"() ({
      %run_scoped3A_103 = tpu.sem_alloc : memref<!tpu.dma_semaphore, #tpu.memory_space<semaphore_mem>>
      %dma_start3A_104 = arith.constant 0 : i32
      %dma_start3A_105 = tpu.memref_slice %arg14[%add3A_24, %dma_start3A_104] : memref<10240x64xf32, #tpu.memory_space<vmem_shared>> -> memref<80x64xf32, #tpu.memory_space<vmem_shared>>
      %dma_start3A_106 = arith.constant 0 : i32
      %dma_start3A_107 = tpu.memref_slice %arg14[%add3A_24, %dma_start3A_106] : memref<10240x64xf32, #tpu.memory_space<vmem_shared>> -> memref<80x64xf32, #tpu.memory_space<vmem_shared>>
      tpu.enqueue_dma source(%arg12 : memref<80x64xf32, #tpu.memory_space<vmem>>) target(%dma_start3A_107 : memref<80x64xf32, #tpu.memory_space<vmem_shared>>) target_semaphore(%run_scoped3A_103 : memref<!tpu.dma_semaphore, #tpu.memory_space<semaphore_mem>>)
      %dma_wait3A_108 = arith.constant 0 : i32
      %dma_wait3A_109 = tpu.memref_slice %arg14[%add3A_24, %dma_wait3A_108] : memref<10240x64xf32, #tpu.memory_space<vmem_shared>> -> memref<80x64xf32, #tpu.memory_space<vmem_shared>>
      %dma_wait3A_110 = arith.constant 0 : i32
      %dma_wait3A_111 = tpu.memref_slice %arg14[%add3A_24, %dma_wait3A_110] : memref<10240x64xf32, #tpu.memory_space<vmem_shared>> -> memref<80x64xf32, #tpu.memory_space<vmem_shared>>
      tpu.wait_dma2 semaphore(%run_scoped3A_103 : memref<!tpu.dma_semaphore, #tpu.memory_space<semaphore_mem>>) src(%arg12 : memref<80x64xf32, #tpu.memory_space<vmem>>) dst(%dma_wait3A_111 : memref<80x64xf32, #tpu.memory_space<vmem_shared>>)
      tpu.yield
    }) : () -> ()
    %add3A_25 = arith.constant 80 : i32
    %add3A_26 = arith.addi %mul3A_19, %add3A_25 : i32
    "tpu.region"() ({
      %run_scoped3A_103 = tpu.sem_alloc : memref<!tpu.dma_semaphore, #tpu.memory_space<semaphore_mem>>
      %dma_start3A_104 = arith.constant 0 : i32
      %dma_start3A_105 = arith.constant 0 : i32
      %dma_start3A_106 = tpu.memref_slice %arg12[%dma_start3A_104, %dma_start3A_105] : memref<80x64xf32, #tpu.memory_space<vmem>> -> memref<80x16xf32, #tpu.memory_space<vmem>>
      %dma_start3A_107 = arith.constant 0 : i32
      %dma_start3A_108 = tpu.memref_slice %arg15[%add3A_26, %dma_start3A_107] : memref<10240x16xf32, #tpu.memory_space<vmem_shared>> -> memref<80x16xf32, #tpu.memory_space<vmem_shared>>
      %dma_start3A_109 = arith.constant 0 : i32
      %dma_start3A_110 = tpu.memref_slice %arg15[%add3A_26, %dma_start3A_109] : memref<10240x16xf32, #tpu.memory_space<vmem_shared>> -> memref<80x16xf32, #tpu.memory_space<vmem_shared>>
      %dma_start3A_111 = arith.constant 0 : i32
      %dma_start3A_112 = arith.constant 0 : i32
      %dma_start3A_113 = tpu.memref_slice %arg12[%dma_start3A_111, %dma_start3A_112] : memref<80x64xf32, #tpu.memory_space<vmem>> -> memref<80x16xf32, #tpu.memory_space<vmem>>
      tpu.enqueue_dma source(%dma_start3A_113 : memref<80x16xf32, #tpu.memory_space<vmem>>) target(%dma_start3A_110 : memref<80x16xf32, #tpu.memory_space<vmem_shared>>) target_semaphore(%run_scoped3A_103 : memref<!tpu.dma_semaphore, #tpu.memory_space<semaphore_mem>>)
      %dma_wait3A_114 = arith.constant 0 : i32
      %dma_wait3A_115 = arith.constant 0 : i32
      %dma_wait3A_116 = tpu.memref_slice %arg12[%dma_wait3A_114, %dma_wait3A_115] : memref<80x64xf32, #tpu.memory_space<vmem>> -> memref<80x16xf32, #tpu.memory_space<vmem>>
      %dma_wait3A_117 = arith.constant 0 : i32
      %dma_wait3A_118 = tpu.memref_slice %arg15[%add3A_26, %dma_wait3A_117] : memref<10240x16xf32, #tpu.memory_space<vmem_shared>> -> memref<80x16xf32, #tpu.memory_space<vmem_shared>>
      %dma_wait3A_119 = arith.constant 0 : i32
      %dma_wait3A_120 = tpu.memref_slice %arg15[%add3A_26, %dma_wait3A_119] : memref<10240x16xf32, #tpu.memory_space<vmem_shared>> -> memref<80x16xf32, #tpu.memory_space<vmem_shared>>
      %dma_wait3A_121 = arith.constant 0 : i32
      %dma_wait3A_122 = arith.constant 0 : i32
      %dma_wait3A_123 = tpu.memref_slice %arg12[%dma_wait3A_121, %dma_wait3A_122] : memref<80x64xf32, #tpu.memory_space<vmem>> -> memref<80x16xf32, #tpu.memory_space<vmem>>
      tpu.wait_dma2 semaphore(%run_scoped3A_103 : memref<!tpu.dma_semaphore, #tpu.memory_space<semaphore_mem>>) src(%dma_wait3A_123 : memref<80x16xf32, #tpu.memory_space<vmem>>) dst(%dma_wait3A_120 : memref<80x16xf32, #tpu.memory_space<vmem_shared>>)
      tpu.yield
    }) : () -> ()
    %add3A_27 = arith.constant 160 : i32
    %add3A_28 = arith.addi %mul3A_19, %add3A_27 : i32
    "tpu.region"() ({
      %run_scoped3A_103 = tpu.sem_alloc : memref<!tpu.dma_semaphore, #tpu.memory_space<semaphore_mem>>
      %dma_start3A_104 = arith.constant 0 : i32
      %dma_start3A_105 = tpu.memref_slice %arg14[%add3A_28, %dma_start3A_104] : memref<10240x64xf32, #tpu.memory_space<vmem_shared>> -> memref<80x64xf32, #tpu.memory_space<vmem_shared>>
      %dma_start3A_106 = arith.constant 0 : i32
      %dma_start3A_107 = tpu.memref_slice %arg14[%add3A_28, %dma_start3A_106] : memref<10240x64xf32, #tpu.memory_space<vmem_shared>> -> memref<80x64xf32, #tpu.memory_space<vmem_shared>>
      tpu.enqueue_dma source(%arg12 : memref<80x64xf32, #tpu.memory_space<vmem>>) target(%dma_start3A_107 : memref<80x64xf32, #tpu.memory_space<vmem_shared>>) target_semaphore(%run_scoped3A_103 : memref<!tpu.dma_semaphore, #tpu.memory_space<semaphore_mem>>)
      %dma_wait3A_108 = arith.constant 0 : i32
      %dma_wait3A_109 = tpu.memref_slice %arg14[%add3A_28, %dma_wait3A_108] : memref<10240x64xf32, #tpu.memory_space<vmem_shared>> -> memref<80x64xf32, #tpu.memory_space<vmem_shared>>
      %dma_wait3A_110 = arith.constant 0 : i32
      %dma_wait3A_111 = tpu.memref_slice %arg14[%add3A_28, %dma_wait3A_110] : memref<10240x64xf32, #tpu.memory_space<vmem_shared>> -> memref<80x64xf32, #tpu.memory_space<vmem_shared>>
      tpu.wait_dma2 semaphore(%run_scoped3A_103 : memref<!tpu.dma_semaphore, #tpu.memory_space<semaphore_mem>>) src(%arg12 : memref<80x64xf32, #tpu.memory_space<vmem>>) dst(%dma_wait3A_111 : memref<80x64xf32, #tpu.memory_space<vmem_shared>>)
      tpu.yield
    }) : () -> ()
    %add3A_29 = arith.constant 160 : i32
    %add3A_30 = arith.addi %mul3A_19, %add3A_29 : i32
    "tpu.region"() ({
      %run_scoped3A_103 = tpu.sem_alloc : memref<!tpu.dma_semaphore, #tpu.memory_space<semaphore_mem>>
      %dma_start3A_104 = arith.constant 0 : i32
      %dma_start3A_105 = arith.constant 0 : i32
      %dma_start3A_106 = tpu.memref_slice %arg12[%dma_start3A_104, %dma_start3A_105] : memref<80x64xf32, #tpu.memory_space<vmem>> -> memref<80x16xf32, #tpu.memory_space<vmem>>
      %dma_start3A_107 = arith.constant 0 : i32
      %dma_start3A_108 = tpu.memref_slice %arg15[%add3A_30, %dma_start3A_107] : memref<10240x16xf32, #tpu.memory_space<vmem_shared>> -> memref<80x16xf32, #tpu.memory_space<vmem_shared>>
      %dma_start3A_109 = arith.constant 0 : i32
      %dma_start3A_110 = tpu.memref_slice %arg15[%add3A_30, %dma_start3A_109] : memref<10240x16xf32, #tpu.memory_space<vmem_shared>> -> memref<80x16xf32, #tpu.memory_space<vmem_shared>>
      %dma_start3A_111 = arith.constant 0 : i32
      %dma_start3A_112 = arith.constant 0 : i32
      %dma_start3A_113 = tpu.memref_slice %arg12[%dma_start3A_111, %dma_start3A_112] : memref<80x64xf32, #tpu.memory_space<vmem>> -> memref<80x16xf32, #tpu.memory_space<vmem>>
      tpu.enqueue_dma source(%dma_start3A_113 : memref<80x16xf32, #tpu.memory_space<vmem>>) target(%dma_start3A_110 : memref<80x16xf32, #tpu.memory_space<vmem_shared>>) target_semaphore(%run_scoped3A_103 : memref<!tpu.dma_semaphore, #tpu.memory_space<semaphore_mem>>)
      %dma_wait3A_114 = arith.constant 0 : i32
      %dma_wait3A_115 = arith.constant 0 : i32
      %dma_wait3A_116 = tpu.memref_slice %arg12[%dma_wait3A_114, %dma_wait3A_115] : memref<80x64xf32, #tpu.memory_space<vmem>> -> memref<80x16xf32, #tpu.memory_space<vmem>>
      %dma_wait3A_117 = arith.constant 0 : i32
      %dma_wait3A_118 = tpu.memref_slice %arg15[%add3A_30, %dma_wait3A_117] : memref<10240x16xf32, #tpu.memory_space<vmem_shared>> -> memref<80x16xf32, #tpu.memory_space<vmem_shared>>
      %dma_wait3A_119 = arith.constant 0 : i32
      %dma_wait3A_120 = tpu.memref_slice %arg15[%add3A_30, %dma_wait3A_119] : memref<10240x16xf32, #tpu.memory_space<vmem_shared>> -> memref<80x16xf32, #tpu.memory_space<vmem_shared>>
      %dma_wait3A_121 = arith.constant 0 : i32
      %dma_wait3A_122 = arith.constant 0 : i32
      %dma_wait3A_123 = tpu.memref_slice %arg12[%dma_wait3A_121, %dma_wait3A_122] : memref<80x64xf32, #tpu.memory_space<vmem>> -> memref<80x16xf32, #tpu.memory_space<vmem>>
      tpu.wait_dma2 semaphore(%run_scoped3A_103 : memref<!tpu.dma_semaphore, #tpu.memory_space<semaphore_mem>>) src(%dma_wait3A_123 : memref<80x16xf32, #tpu.memory_space<vmem>>) dst(%dma_wait3A_120 : memref<80x16xf32, #tpu.memory_space<vmem_shared>>)
      tpu.yield
    }) : () -> ()
    %add3A_31 = arith.constant 240 : i32
    %add3A_32 = arith.addi %mul3A_19, %add3A_31 : i32
    "tpu.region"() ({
      %run_scoped3A_103 = tpu.sem_alloc : memref<!tpu.dma_semaphore, #tpu.memory_space<semaphore_mem>>
      %dma_start3A_104 = arith.constant 0 : i32
      %dma_start3A_105 = tpu.memref_slice %arg14[%add3A_32, %dma_start3A_104] : memref<10240x64xf32, #tpu.memory_space<vmem_shared>> -> memref<80x64xf32, #tpu.memory_space<vmem_shared>>
      %dma_start3A_106 = arith.constant 0 : i32
      %dma_start3A_107 = tpu.memref_slice %arg14[%add3A_32, %dma_start3A_106] : memref<10240x64xf32, #tpu.memory_space<vmem_shared>> -> memref<80x64xf32, #tpu.memory_space<vmem_shared>>
      tpu.enqueue_dma source(%arg12 : memref<80x64xf32, #tpu.memory_space<vmem>>) target(%dma_start3A_107 : memref<80x64xf32, #tpu.memory_space<vmem_shared>>) target_semaphore(%run_scoped3A_103 : memref<!tpu.dma_semaphore, #tpu.memory_space<semaphore_mem>>)
      %dma_wait3A_108 = arith.constant 0 : i32
      %dma_wait3A_109 = tpu.memref_slice %arg14[%add3A_32, %dma_wait3A_108] : memref<10240x64xf32, #tpu.memory_space<vmem_shared>> -> memref<80x64xf32, #tpu.memory_space<vmem_shared>>
      %dma_wait3A_110 = arith.constant 0 : i32
      %dma_wait3A_111 = tpu.memref_slice %arg14[%add3A_32, %dma_wait3A_110] : memref<10240x64xf32, #tpu.memory_space<vmem_shared>> -> memref<80x64xf32, #tpu.memory_space<vmem_shared>>
      tpu.wait_dma2 semaphore(%run_scoped3A_103 : memref<!tpu.dma_semaphore, #tpu.memory_space<semaphore_mem>>) src(%arg12 : memref<80x64xf32, #tpu.memory_space<vmem>>) dst(%dma_wait3A_111 : memref<80x64xf32, #tpu.memory_space<vmem_shared>>)
      tpu.yield
    }) : () -> ()
    %add3A_33 = arith.constant 240 : i32
    %add3A_34 = arith.addi %mul3A_19, %add3A_33 : i32
    "tpu.region"() ({
      %run_scoped3A_103 = tpu.sem_alloc : memref<!tpu.dma_semaphore, #tpu.memory_space<semaphore_mem>>
      %dma_start3A_104 = arith.constant 0 : i32
      %dma_start3A_105 = arith.constant 0 : i32
      %dma_start3A_106 = tpu.memref_slice %arg12[%dma_start3A_104, %dma_start3A_105] : memref<80x64xf32, #tpu.memory_space<vmem>> -> memref<80x16xf32, #tpu.memory_space<vmem>>
      %dma_start3A_107 = arith.constant 0 : i32
      %dma_start3A_108 = tpu.memref_slice %arg15[%add3A_34, %dma_start3A_107] : memref<10240x16xf32, #tpu.memory_space<vmem_shared>> -> memref<80x16xf32, #tpu.memory_space<vmem_shared>>
      %dma_start3A_109 = arith.constant 0 : i32
      %dma_start3A_110 = tpu.memref_slice %arg15[%add3A_34, %dma_start3A_109] : memref<10240x16xf32, #tpu.memory_space<vmem_shared>> -> memref<80x16xf32, #tpu.memory_space<vmem_shared>>
      %dma_start3A_111 = arith.constant 0 : i32
      %dma_start3A_112 = arith.constant 0 : i32
      %dma_start3A_113 = tpu.memref_slice %arg12[%dma_start3A_111, %dma_start3A_112] : memref<80x64xf32, #tpu.memory_space<vmem>> -> memref<80x16xf32, #tpu.memory_space<vmem>>
      tpu.enqueue_dma source(%dma_start3A_113 : memref<80x16xf32, #tpu.memory_space<vmem>>) target(%dma_start3A_110 : memref<80x16xf32, #tpu.memory_space<vmem_shared>>) target_semaphore(%run_scoped3A_103 : memref<!tpu.dma_semaphore, #tpu.memory_space<semaphore_mem>>)
      %dma_wait3A_114 = arith.constant 0 : i32
      %dma_wait3A_115 = arith.constant 0 : i32
      %dma_wait3A_116 = tpu.memref_slice %arg12[%dma_wait3A_114, %dma_wait3A_115] : memref<80x64xf32, #tpu.memory_space<vmem>> -> memref<80x16xf32, #tpu.memory_space<vmem>>
      %dma_wait3A_117 = arith.constant 0 : i32
      %dma_wait3A_118 = tpu.memref_slice %arg15[%add3A_34, %dma_wait3A_117] : memref<10240x16xf32, #tpu.memory_space<vmem_shared>> -> memref<80x16xf32, #tpu.memory_space<vmem_shared>>
      %dma_wait3A_119 = arith.constant 0 : i32
      %dma_wait3A_120 = tpu.memref_slice %arg15[%add3A_34, %dma_wait3A_119] : memref<10240x16xf32, #tpu.memory_space<vmem_shared>> -> memref<80x16xf32, #tpu.memory_space<vmem_shared>>
      %dma_wait3A_121 = arith.constant 0 : i32
      %dma_wait3A_122 = arith.constant 0 : i32
      %dma_wait3A_123 = tpu.memref_slice %arg12[%dma_wait3A_121, %dma_wait3A_122] : memref<80x64xf32, #tpu.memory_space<vmem>> -> memref<80x16xf32, #tpu.memory_space<vmem>>
      tpu.wait_dma2 semaphore(%run_scoped3A_103 : memref<!tpu.dma_semaphore, #tpu.memory_space<semaphore_mem>>) src(%dma_wait3A_123 : memref<80x16xf32, #tpu.memory_space<vmem>>) dst(%dma_wait3A_120 : memref<80x16xf32, #tpu.memory_space<vmem_shared>>)
      tpu.yield
    }) : () -> ()
    %add3A_35 = arith.constant 320 : i32
    %add3A_36 = arith.addi %mul3A_19, %add3A_35 : i32
    "tpu.region"() ({
      %run_scoped3A_103 = tpu.sem_alloc : memref<!tpu.dma_semaphore, #tpu.memory_space<semaphore_mem>>
      %dma_start3A_104 = arith.constant 0 : i32
      %dma_start3A_105 = tpu.memref_slice %arg14[%add3A_36, %dma_start3A_104] : memref<10240x64xf32, #tpu.memory_space<vmem_shared>> -> memref<80x64xf32, #tpu.memory_space<vmem_shared>>
      %dma_start3A_106 = arith.constant 0 : i32
      %dma_start3A_107 = tpu.memref_slice %arg14[%add3A_36, %dma_start3A_106] : memref<10240x64xf32, #tpu.memory_space<vmem_shared>> -> memref<80x64xf32, #tpu.memory_space<vmem_shared>>
      tpu.enqueue_dma source(%arg12 : memref<80x64xf32, #tpu.memory_space<vmem>>) target(%dma_start3A_107 : memref<80x64xf32, #tpu.memory_space<vmem_shared>>) target_semaphore(%run_scoped3A_103 : memref<!tpu.dma_semaphore, #tpu.memory_space<semaphore_mem>>)
      %dma_wait3A_108 = arith.constant 0 : i32
      %dma_wait3A_109 = tpu.memref_slice %arg14[%add3A_36, %dma_wait3A_108] : memref<10240x64xf32, #tpu.memory_space<vmem_shared>> -> memref<80x64xf32, #tpu.memory_space<vmem_shared>>
      %dma_wait3A_110 = arith.constant 0 : i32
      %dma_wait3A_111 = tpu.memref_slice %arg14[%add3A_36, %dma_wait3A_110] : memref<10240x64xf32, #tpu.memory_space<vmem_shared>> -> memref<80x64xf32, #tpu.memory_space<vmem_shared>>
      tpu.wait_dma2 semaphore(%run_scoped3A_103 : memref<!tpu.dma_semaphore, #tpu.memory_space<semaphore_mem>>) src(%arg12 : memref<80x64xf32, #tpu.memory_space<vmem>>) dst(%dma_wait3A_111 : memref<80x64xf32, #tpu.memory_space<vmem_shared>>)
      tpu.yield
    }) : () -> ()
    %add3A_37 = arith.constant 320 : i32
    %add3A_38 = arith.addi %mul3A_19, %add3A_37 : i32
    "tpu.region"() ({
      %run_scoped3A_103 = tpu.sem_alloc : memref<!tpu.dma_semaphore, #tpu.memory_space<semaphore_mem>>
      %dma_start3A_104 = arith.constant 0 : i32
      %dma_start3A_105 = arith.constant 0 : i32
      %dma_start3A_106 = tpu.memref_slice %arg12[%dma_start3A_104, %dma_start3A_105] : memref<80x64xf32, #tpu.memory_space<vmem>> -> memref<80x16xf32, #tpu.memory_space<vmem>>
      %dma_start3A_107 = arith.constant 0 : i32
      %dma_start3A_108 = tpu.memref_slice %arg15[%add3A_38, %dma_start3A_107] : memref<10240x16xf32, #tpu.memory_space<vmem_shared>> -> memref<80x16xf32, #tpu.memory_space<vmem_shared>>
      %dma_start3A_109 = arith.constant 0 : i32
      %dma_start3A_110 = tpu.memref_slice %arg15[%add3A_38, %dma_start3A_109] : memref<10240x16xf32, #tpu.memory_space<vmem_shared>> -> memref<80x16xf32, #tpu.memory_space<vmem_shared>>
      %dma_start3A_111 = arith.constant 0 : i32
      %dma_start3A_112 = arith.constant 0 : i32
      %dma_start3A_113 = tpu.memref_slice %arg12[%dma_start3A_111, %dma_start3A_112] : memref<80x64xf32, #tpu.memory_space<vmem>> -> memref<80x16xf32, #tpu.memory_space<vmem>>
      tpu.enqueue_dma source(%dma_start3A_113 : memref<80x16xf32, #tpu.memory_space<vmem>>) target(%dma_start3A_110 : memref<80x16xf32, #tpu.memory_space<vmem_shared>>) target_semaphore(%run_scoped3A_103 : memref<!tpu.dma_semaphore, #tpu.memory_space<semaphore_mem>>)
      %dma_wait3A_114 = arith.constant 0 : i32
      %dma_wait3A_115 = arith.constant 0 : i32
      %dma_wait3A_116 = tpu.memref_slice %arg12[%dma_wait3A_114, %dma_wait3A_115] : memref<80x64xf32, #tpu.memory_space<vmem>> -> memref<80x16xf32, #tpu.memory_space<vmem>>
      %dma_wait3A_117 = arith.constant 0 : i32
      %dma_wait3A_118 = tpu.memref_slice %arg15[%add3A_38, %dma_wait3A_117] : memref<10240x16xf32, #tpu.memory_space<vmem_shared>> -> memref<80x16xf32, #tpu.memory_space<vmem_shared>>
      %dma_wait3A_119 = arith.constant 0 : i32
      %dma_wait3A_120 = tpu.memref_slice %arg15[%add3A_38, %dma_wait3A_119] : memref<10240x16xf32, #tpu.memory_space<vmem_shared>> -> memref<80x16xf32, #tpu.memory_space<vmem_shared>>
      %dma_wait3A_121 = arith.constant 0 : i32
      %dma_wait3A_122 = arith.constant 0 : i32
      %dma_wait3A_123 = tpu.memref_slice %arg12[%dma_wait3A_121, %dma_wait3A_122] : memref<80x64xf32, #tpu.memory_space<vmem>> -> memref<80x16xf32, #tpu.memory_space<vmem>>
      tpu.wait_dma2 semaphore(%run_scoped3A_103 : memref<!tpu.dma_semaphore, #tpu.memory_space<semaphore_mem>>) src(%dma_wait3A_123 : memref<80x16xf32, #tpu.memory_space<vmem>>) dst(%dma_wait3A_120 : memref<80x16xf32, #tpu.memory_space<vmem_shared>>)
      tpu.yield
    }) : () -> ()
    %add3A_39 = arith.constant 400 : i32
    %add3A_40 = arith.addi %mul3A_19, %add3A_39 : i32
    "tpu.region"() ({
      %run_scoped3A_103 = tpu.sem_alloc : memref<!tpu.dma_semaphore, #tpu.memory_space<semaphore_mem>>
      %dma_start3A_104 = arith.constant 0 : i32
      %dma_start3A_105 = tpu.memref_slice %arg14[%add3A_40, %dma_start3A_104] : memref<10240x64xf32, #tpu.memory_space<vmem_shared>> -> memref<80x64xf32, #tpu.memory_space<vmem_shared>>
      %dma_start3A_106 = arith.constant 0 : i32
      %dma_start3A_107 = tpu.memref_slice %arg14[%add3A_40, %dma_start3A_106] : memref<10240x64xf32, #tpu.memory_space<vmem_shared>> -> memref<80x64xf32, #tpu.memory_space<vmem_shared>>
      tpu.enqueue_dma source(%arg12 : memref<80x64xf32, #tpu.memory_space<vmem>>) target(%dma_start3A_107 : memref<80x64xf32, #tpu.memory_space<vmem_shared>>) target_semaphore(%run_scoped3A_103 : memref<!tpu.dma_semaphore, #tpu.memory_space<semaphore_mem>>)
      %dma_wait3A_108 = arith.constant 0 : i32
      %dma_wait3A_109 = tpu.memref_slice %arg14[%add3A_40, %dma_wait3A_108] : memref<10240x64xf32, #tpu.memory_space<vmem_shared>> -> memref<80x64xf32, #tpu.memory_space<vmem_shared>>
      %dma_wait3A_110 = arith.constant 0 : i32
      %dma_wait3A_111 = tpu.memref_slice %arg14[%add3A_40, %dma_wait3A_110] : memref<10240x64xf32, #tpu.memory_space<vmem_shared>> -> memref<80x64xf32, #tpu.memory_space<vmem_shared>>
      tpu.wait_dma2 semaphore(%run_scoped3A_103 : memref<!tpu.dma_semaphore, #tpu.memory_space<semaphore_mem>>) src(%arg12 : memref<80x64xf32, #tpu.memory_space<vmem>>) dst(%dma_wait3A_111 : memref<80x64xf32, #tpu.memory_space<vmem_shared>>)
      tpu.yield
    }) : () -> ()
    %add3A_41 = arith.constant 400 : i32
    %add3A_42 = arith.addi %mul3A_19, %add3A_41 : i32
    "tpu.region"() ({
      %run_scoped3A_103 = tpu.sem_alloc : memref<!tpu.dma_semaphore, #tpu.memory_space<semaphore_mem>>
      %dma_start3A_104 = arith.constant 0 : i32
      %dma_start3A_105 = arith.constant 0 : i32
      %dma_start3A_106 = tpu.memref_slice %arg12[%dma_start3A_104, %dma_start3A_105] : memref<80x64xf32, #tpu.memory_space<vmem>> -> memref<80x16xf32, #tpu.memory_space<vmem>>
      %dma_start3A_107 = arith.constant 0 : i32
      %dma_start3A_108 = tpu.memref_slice %arg15[%add3A_42, %dma_start3A_107] : memref<10240x16xf32, #tpu.memory_space<vmem_shared>> -> memref<80x16xf32, #tpu.memory_space<vmem_shared>>
      %dma_start3A_109 = arith.constant 0 : i32
      %dma_start3A_110 = tpu.memref_slice %arg15[%add3A_42, %dma_start3A_109] : memref<10240x16xf32, #tpu.memory_space<vmem_shared>> -> memref<80x16xf32, #tpu.memory_space<vmem_shared>>
      %dma_start3A_111 = arith.constant 0 : i32
      %dma_start3A_112 = arith.constant 0 : i32
      %dma_start3A_113 = tpu.memref_slice %arg12[%dma_start3A_111, %dma_start3A_112] : memref<80x64xf32, #tpu.memory_space<vmem>> -> memref<80x16xf32, #tpu.memory_space<vmem>>
      tpu.enqueue_dma source(%dma_start3A_113 : memref<80x16xf32, #tpu.memory_space<vmem>>) target(%dma_start3A_110 : memref<80x16xf32, #tpu.memory_space<vmem_shared>>) target_semaphore(%run_scoped3A_103 : memref<!tpu.dma_semaphore, #tpu.memory_space<semaphore_mem>>)
      %dma_wait3A_114 = arith.constant 0 : i32
      %dma_wait3A_115 = arith.constant 0 : i32
      %dma_wait3A_116 = tpu.memref_slice %arg12[%dma_wait3A_114, %dma_wait3A_115] : memref<80x64xf32, #tpu.memory_space<vmem>> -> memref<80x16xf32, #tpu.memory_space<vmem>>
      %dma_wait3A_117 = arith.constant 0 : i32
      %dma_wait3A_118 = tpu.memref_slice %arg15[%add3A_42, %dma_wait3A_117] : memref<10240x16xf32, #tpu.memory_space<vmem_shared>> -> memref<80x16xf32, #tpu.memory_space<vmem_shared>>
      %dma_wait3A_119 = arith.constant 0 : i32
      %dma_wait3A_120 = tpu.memref_slice %arg15[%add3A_42, %dma_wait3A_119] : memref<10240x16xf32, #tpu.memory_space<vmem_shared>> -> memref<80x16xf32, #tpu.memory_space<vmem_shared>>
      %dma_wait3A_121 = arith.constant 0 : i32
      %dma_wait3A_122 = arith.constant 0 : i32
      %dma_wait3A_123 = tpu.memref_slice %arg12[%dma_wait3A_121, %dma_wait3A_122] : memref<80x64xf32, #tpu.memory_space<vmem>> -> memref<80x16xf32, #tpu.memory_space<vmem>>
      tpu.wait_dma2 semaphore(%run_scoped3A_103 : memref<!tpu.dma_semaphore, #tpu.memory_space<semaphore_mem>>) src(%dma_wait3A_123 : memref<80x16xf32, #tpu.memory_space<vmem>>) dst(%dma_wait3A_120 : memref<80x16xf32, #tpu.memory_space<vmem_shared>>)
      tpu.yield
    }) : () -> ()
    %add3A_43 = arith.constant 480 : i32
    %add3A_44 = arith.addi %mul3A_19, %add3A_43 : i32
    "tpu.region"() ({
      %run_scoped3A_103 = tpu.sem_alloc : memref<!tpu.dma_semaphore, #tpu.memory_space<semaphore_mem>>
      %dma_start3A_104 = arith.constant 0 : i32
      %dma_start3A_105 = tpu.memref_slice %arg14[%add3A_44, %dma_start3A_104] : memref<10240x64xf32, #tpu.memory_space<vmem_shared>> -> memref<80x64xf32, #tpu.memory_space<vmem_shared>>
      %dma_start3A_106 = arith.constant 0 : i32
      %dma_start3A_107 = tpu.memref_slice %arg14[%add3A_44, %dma_start3A_106] : memref<10240x64xf32, #tpu.memory_space<vmem_shared>> -> memref<80x64xf32, #tpu.memory_space<vmem_shared>>
      tpu.enqueue_dma source(%arg12 : memref<80x64xf32, #tpu.memory_space<vmem>>) target(%dma_start3A_107 : memref<80x64xf32, #tpu.memory_space<vmem_shared>>) target_semaphore(%run_scoped3A_103 : memref<!tpu.dma_semaphore, #tpu.memory_space<semaphore_mem>>)
      %dma_wait3A_108 = arith.constant 0 : i32
      %dma_wait3A_109 = tpu.memref_slice %arg14[%add3A_44, %dma_wait3A_108] : memref<10240x64xf32, #tpu.memory_space<vmem_shared>> -> memref<80x64xf32, #tpu.memory_space<vmem_shared>>
      %dma_wait3A_110 = arith.constant 0 : i32
      %dma_wait3A_111 = tpu.memref_slice %arg14[%add3A_44, %dma_wait3A_110] : memref<10240x64xf32, #tpu.memory_space<vmem_shared>> -> memref<80x64xf32, #tpu.memory_space<vmem_shared>>
      tpu.wait_dma2 semaphore(%run_scoped3A_103 : memref<!tpu.dma_semaphore, #tpu.memory_space<semaphore_mem>>) src(%arg12 : memref<80x64xf32, #tpu.memory_space<vmem>>) dst(%dma_wait3A_111 : memref<80x64xf32, #tpu.memory_space<vmem_shared>>)
      tpu.yield
    }) : () -> ()
    %add3A_45 = arith.constant 480 : i32
    %add3A_46 = arith.addi %mul3A_19, %add3A_45 : i32
    "tpu.region"() ({
      %run_scoped3A_103 = tpu.sem_alloc : memref<!tpu.dma_semaphore, #tpu.memory_space<semaphore_mem>>
      %dma_start3A_104 = arith.constant 0 : i32
      %dma_start3A_105 = arith.constant 0 : i32
      %dma_start3A_106 = tpu.memref_slice %arg12[%dma_start3A_104, %dma_start3A_105] : memref<80x64xf32, #tpu.memory_space<vmem>> -> memref<80x16xf32, #tpu.memory_space<vmem>>
      %dma_start3A_107 = arith.constant 0 : i32
      %dma_start3A_108 = tpu.memref_slice %arg15[%add3A_46, %dma_start3A_107] : memref<10240x16xf32, #tpu.memory_space<vmem_shared>> -> memref<80x16xf32, #tpu.memory_space<vmem_shared>>
      %dma_start3A_109 = arith.constant 0 : i32
      %dma_start3A_110 = tpu.memref_slice %arg15[%add3A_46, %dma_start3A_109] : memref<10240x16xf32, #tpu.memory_space<vmem_shared>> -> memref<80x16xf32, #tpu.memory_space<vmem_shared>>
      %dma_start3A_111 = arith.constant 0 : i32
      %dma_start3A_112 = arith.constant 0 : i32
      %dma_start3A_113 = tpu.memref_slice %arg12[%dma_start3A_111, %dma_start3A_112] : memref<80x64xf32, #tpu.memory_space<vmem>> -> memref<80x16xf32, #tpu.memory_space<vmem>>
      tpu.enqueue_dma source(%dma_start3A_113 : memref<80x16xf32, #tpu.memory_space<vmem>>) target(%dma_start3A_110 : memref<80x16xf32, #tpu.memory_space<vmem_shared>>) target_semaphore(%run_scoped3A_103 : memref<!tpu.dma_semaphore, #tpu.memory_space<semaphore_mem>>)
      %dma_wait3A_114 = arith.constant 0 : i32
      %dma_wait3A_115 = arith.constant 0 : i32
      %dma_wait3A_116 = tpu.memref_slice %arg12[%dma_wait3A_114, %dma_wait3A_115] : memref<80x64xf32, #tpu.memory_space<vmem>> -> memref<80x16xf32, #tpu.memory_space<vmem>>
      %dma_wait3A_117 = arith.constant 0 : i32
      %dma_wait3A_118 = tpu.memref_slice %arg15[%add3A_46, %dma_wait3A_117] : memref<10240x16xf32, #tpu.memory_space<vmem_shared>> -> memref<80x16xf32, #tpu.memory_space<vmem_shared>>
      %dma_wait3A_119 = arith.constant 0 : i32
      %dma_wait3A_120 = tpu.memref_slice %arg15[%add3A_46, %dma_wait3A_119] : memref<10240x16xf32, #tpu.memory_space<vmem_shared>> -> memref<80x16xf32, #tpu.memory_space<vmem_shared>>
      %dma_wait3A_121 = arith.constant 0 : i32
      %dma_wait3A_122 = arith.constant 0 : i32
      %dma_wait3A_123 = tpu.memref_slice %arg12[%dma_wait3A_121, %dma_wait3A_122] : memref<80x64xf32, #tpu.memory_space<vmem>> -> memref<80x16xf32, #tpu.memory_space<vmem>>
      tpu.wait_dma2 semaphore(%run_scoped3A_103 : memref<!tpu.dma_semaphore, #tpu.memory_space<semaphore_mem>>) src(%dma_wait3A_123 : memref<80x16xf32, #tpu.memory_space<vmem>>) dst(%dma_wait3A_120 : memref<80x16xf32, #tpu.memory_space<vmem_shared>>)
      tpu.yield
    }) : () -> ()
    %add3A_47 = arith.constant 560 : i32
    %add3A_48 = arith.addi %mul3A_19, %add3A_47 : i32
    "tpu.region"() ({
      %run_scoped3A_103 = tpu.sem_alloc : memref<!tpu.dma_semaphore, #tpu.memory_space<semaphore_mem>>
      %dma_start3A_104 = arith.constant 0 : i32
      %dma_start3A_105 = tpu.memref_slice %arg14[%add3A_48, %dma_start3A_104] : memref<10240x64xf32, #tpu.memory_space<vmem_shared>> -> memref<80x64xf32, #tpu.memory_space<vmem_shared>>
      %dma_start3A_106 = arith.constant 0 : i32
      %dma_start3A_107 = tpu.memref_slice %arg14[%add3A_48, %dma_start3A_106] : memref<10240x64xf32, #tpu.memory_space<vmem_shared>> -> memref<80x64xf32, #tpu.memory_space<vmem_shared>>
      tpu.enqueue_dma source(%arg12 : memref<80x64xf32, #tpu.memory_space<vmem>>) target(%dma_start3A_107 : memref<80x64xf32, #tpu.memory_space<vmem_shared>>) target_semaphore(%run_scoped3A_103 : memref<!tpu.dma_semaphore, #tpu.memory_space<semaphore_mem>>)
      %dma_wait3A_108 = arith.constant 0 : i32
      %dma_wait3A_109 = tpu.memref_slice %arg14[%add3A_48, %dma_wait3A_108] : memref<10240x64xf32, #tpu.memory_space<vmem_shared>> -> memref<80x64xf32, #tpu.memory_space<vmem_shared>>
      %dma_wait3A_110 = arith.constant 0 : i32
      %dma_wait3A_111 = tpu.memref_slice %arg14[%add3A_48, %dma_wait3A_110] : memref<10240x64xf32, #tpu.memory_space<vmem_shared>> -> memref<80x64xf32, #tpu.memory_space<vmem_shared>>
      tpu.wait_dma2 semaphore(%run_scoped3A_103 : memref<!tpu.dma_semaphore, #tpu.memory_space<semaphore_mem>>) src(%arg12 : memref<80x64xf32, #tpu.memory_space<vmem>>) dst(%dma_wait3A_111 : memref<80x64xf32, #tpu.memory_space<vmem_shared>>)
      tpu.yield
    }) : () -> ()
    %add3A_49 = arith.constant 560 : i32
    %add3A_50 = arith.addi %mul3A_19, %add3A_49 : i32
    "tpu.region"() ({
      %run_scoped3A_103 = tpu.sem_alloc : memref<!tpu.dma_semaphore, #tpu.memory_space<semaphore_mem>>
      %dma_start3A_104 = arith.constant 0 : i32
      %dma_start3A_105 = arith.constant 0 : i32
      %dma_start3A_106 = tpu.memref_slice %arg12[%dma_start3A_104, %dma_start3A_105] : memref<80x64xf32, #tpu.memory_space<vmem>> -> memref<80x16xf32, #tpu.memory_space<vmem>>
      %dma_start3A_107 = arith.constant 0 : i32
      %dma_start3A_108 = tpu.memref_slice %arg15[%add3A_50, %dma_start3A_107] : memref<10240x16xf32, #tpu.memory_space<vmem_shared>> -> memref<80x16xf32, #tpu.memory_space<vmem_shared>>
      %dma_start3A_109 = arith.constant 0 : i32
      %dma_start3A_110 = tpu.memref_slice %arg15[%add3A_50, %dma_start3A_109] : memref<10240x16xf32, #tpu.memory_space<vmem_shared>> -> memref<80x16xf32, #tpu.memory_space<vmem_shared>>
      %dma_start3A_111 = arith.constant 0 : i32
      %dma_start3A_112 = arith.constant 0 : i32
      %dma_start3A_113 = tpu.memref_slice %arg12[%dma_start3A_111, %dma_start3A_112] : memref<80x64xf32, #tpu.memory_space<vmem>> -> memref<80x16xf32, #tpu.memory_space<vmem>>
      tpu.enqueue_dma source(%dma_start3A_113 : memref<80x16xf32, #tpu.memory_space<vmem>>) target(%dma_start3A_110 : memref<80x16xf32, #tpu.memory_space<vmem_shared>>) target_semaphore(%run_scoped3A_103 : memref<!tpu.dma_semaphore, #tpu.memory_space<semaphore_mem>>)
      %dma_wait3A_114 = arith.constant 0 : i32
      %dma_wait3A_115 = arith.constant 0 : i32
      %dma_wait3A_116 = tpu.memref_slice %arg12[%dma_wait3A_114, %dma_wait3A_115] : memref<80x64xf32, #tpu.memory_space<vmem>> -> memref<80x16xf32, #tpu.memory_space<vmem>>
      %dma_wait3A_117 = arith.constant 0 : i32
      %dma_wait3A_118 = tpu.memref_slice %arg15[%add3A_50, %dma_wait3A_117] : memref<10240x16xf32, #tpu.memory_space<vmem_shared>> -> memref<80x16xf32, #tpu.memory_space<vmem_shared>>
      %dma_wait3A_119 = arith.constant 0 : i32
      %dma_wait3A_120 = tpu.memref_slice %arg15[%add3A_50, %dma_wait3A_119] : memref<10240x16xf32, #tpu.memory_space<vmem_shared>> -> memref<80x16xf32, #tpu.memory_space<vmem_shared>>
      %dma_wait3A_121 = arith.constant 0 : i32
      %dma_wait3A_122 = arith.constant 0 : i32
      %dma_wait3A_123 = tpu.memref_slice %arg12[%dma_wait3A_121, %dma_wait3A_122] : memref<80x64xf32, #tpu.memory_space<vmem>> -> memref<80x16xf32, #tpu.memory_space<vmem>>
      tpu.wait_dma2 semaphore(%run_scoped3A_103 : memref<!tpu.dma_semaphore, #tpu.memory_space<semaphore_mem>>) src(%dma_wait3A_123 : memref<80x16xf32, #tpu.memory_space<vmem>>) dst(%dma_wait3A_120 : memref<80x16xf32, #tpu.memory_space<vmem_shared>>)
      tpu.yield
    }) : () -> ()
    %barrier3A = arith.constant 0 : index
    tpu.barrier barrier_id(%barrier3A)
    %mul3A_51 = arith.constant 125 : i32
    %mul3A_52 = arith.muli %arg0, %mul3A_51 : i32
    %dma_wait3A = arith.constant 0 : i32
    %dma_wait3A_53 = tpu.memref_slice %arg6[%dma_wait3A] : memref<20000xi32, #tpu.memory_space<vmem>> -> memref<80xi32, #tpu.memory_space<vmem>>
    %dma_wait3A_54 = arith.constant 0 : i32
    %dma_wait3A_55 = arith.constant 0 : i32
    %dma_wait3A_56 = tpu.memref_slice %arg3[%dma_wait3A_54, %dma_wait3A_55] : memref<20000x64xf32, #tpu.memory_space<hbm>> -> memref<20000x64xf32, #tpu.memory_space<hbm>>
    tpu.wait_indirect_dma semaphore(%arg16 : memref<!tpu.dma_semaphore, #tpu.memory_space<semaphore_mem>>) src(%dma_wait3A_56 : memref<20000x64xf32, #tpu.memory_space<hbm>>) dst(%arg8 : memref<80x64xf32, #tpu.memory_space<vmem>>)
    %dma_start3A_57 = arith.constant 0 : i32
    %dma_start3A_58 = tpu.memref_slice %arg7[%dma_start3A_57] : memref<20000xi32, #tpu.memory_space<vmem>> -> memref<80xi32, #tpu.memory_space<vmem>>
    %dma_start3A_59 = arith.constant 0 : i32
    %dma_start3A_60 = arith.constant 0 : i32
    %dma_start3A_61 = tpu.memref_slice %arg14[%dma_start3A_59, %dma_start3A_60] : memref<10240x64xf32, #tpu.memory_space<vmem_shared>> -> memref<10240x64xf32, #tpu.memory_space<vmem_shared>>
    tpu.enqueue_indirect_dma source(%arg8 : memref<80x64xf32, #tpu.memory_space<vmem>>) target(%dma_start3A_61 : memref<10240x64xf32, #tpu.memory_space<vmem_shared>>) offsets(%dma_start3A_58 : memref<80xi32, #tpu.memory_space<vmem>>) semaphore(%arg16 : memref<!tpu.dma_semaphore, #tpu.memory_space<semaphore_mem>>) {add = true}
    %dma_start3A_62 = arith.constant 160 : i32
    %dma_start3A_63 = tpu.memref_slice %arg6[%dma_start3A_62] : memref<20000xi32, #tpu.memory_space<vmem>> -> memref<80xi32, #tpu.memory_space<vmem>>
    %dma_start3A_64 = arith.constant 0 : i32
    %dma_start3A_65 = arith.constant 0 : i32
    %dma_start3A_66 = tpu.memref_slice %arg3[%dma_start3A_64, %dma_start3A_65] : memref<20000x64xf32, #tpu.memory_space<hbm>> -> memref<20000x64xf32, #tpu.memory_space<hbm>>
    tpu.enqueue_indirect_dma source(%dma_start3A_66 : memref<20000x64xf32, #tpu.memory_space<hbm>>) target(%arg10 : memref<80x64xf32, #tpu.memory_space<vmem>>) offsets(%dma_start3A_63 : memref<80xi32, #tpu.memory_space<vmem>>) semaphore(%arg18 : memref<!tpu.dma_semaphore, #tpu.memory_space<semaphore_mem>>)
    %dma_wait3A_67 = arith.constant 80 : i32
    %dma_wait3A_68 = tpu.memref_slice %arg6[%dma_wait3A_67] : memref<20000xi32, #tpu.memory_space<vmem>> -> memref<80xi32, #tpu.memory_space<vmem>>
    %dma_wait3A_69 = arith.constant 0 : i32
    %dma_wait3A_70 = arith.constant 0 : i32
    %dma_wait3A_71 = tpu.memref_slice %arg3[%dma_wait3A_69, %dma_wait3A_70] : memref<20000x64xf32, #tpu.memory_space<hbm>> -> memref<20000x64xf32, #tpu.memory_space<hbm>>
    tpu.wait_indirect_dma semaphore(%arg17 : memref<!tpu.dma_semaphore, #tpu.memory_space<semaphore_mem>>) src(%dma_wait3A_71 : memref<20000x64xf32, #tpu.memory_space<hbm>>) dst(%arg9 : memref<80x64xf32, #tpu.memory_space<vmem>>)
    %dma_start3A_72 = arith.constant 80 : i32
    %dma_start3A_73 = tpu.memref_slice %arg7[%dma_start3A_72] : memref<20000xi32, #tpu.memory_space<vmem>> -> memref<80xi32, #tpu.memory_space<vmem>>
    %dma_start3A_74 = arith.constant 0 : i32
    %dma_start3A_75 = arith.constant 0 : i32
    %dma_start3A_76 = tpu.memref_slice %arg14[%dma_start3A_74, %dma_start3A_75] : memref<10240x64xf32, #tpu.memory_space<vmem_shared>> -> memref<10240x64xf32, #tpu.memory_space<vmem_shared>>
    tpu.enqueue_indirect_dma source(%arg9 : memref<80x64xf32, #tpu.memory_space<vmem>>) target(%dma_start3A_76 : memref<10240x64xf32, #tpu.memory_space<vmem_shared>>) offsets(%dma_start3A_73 : memref<80xi32, #tpu.memory_space<vmem>>) semaphore(%arg17 : memref<!tpu.dma_semaphore, #tpu.memory_space<semaphore_mem>>) {add = true}
    %dma_start3A_77 = arith.constant 240 : i32
    %dma_start3A_78 = tpu.memref_slice %arg6[%dma_start3A_77] : memref<20000xi32, #tpu.memory_space<vmem>> -> memref<80xi32, #tpu.memory_space<vmem>>
    %dma_start3A_79 = arith.constant 0 : i32
    %dma_start3A_80 = arith.constant 0 : i32
    %dma_start3A_81 = tpu.memref_slice %arg3[%dma_start3A_79, %dma_start3A_80] : memref<20000x64xf32, #tpu.memory_space<hbm>> -> memref<20000x64xf32, #tpu.memory_space<hbm>>
    tpu.enqueue_indirect_dma source(%dma_start3A_81 : memref<20000x64xf32, #tpu.memory_space<hbm>>) target(%arg11 : memref<80x64xf32, #tpu.memory_space<vmem>>) offsets(%dma_start3A_78 : memref<80xi32, #tpu.memory_space<vmem>>) semaphore(%arg19 : memref<!tpu.dma_semaphore, #tpu.memory_space<semaphore_mem>>)
    %scan3A_82 = arith.constant 0 : i32
    %scan3A_83 = arith.constant 0 : i32
    %scan3A_84 = arith.constant 62 : i32
    %scan3A_85 = arith.addi %scan3A_83, %scan3A_84 : i32
    %scan3A_86 = arith.constant 1 : i32
    scf.for %scan3A_103 = %scan3A_83 to %scan3A_85 step %scan3A_86  : i32 {
      %mul3A_104 = arith.constant 4 : i32
      %mul3A_105 = arith.muli %mul3A_104, %scan3A_103 : i32
      %add3A_106 = arith.constant 2 : i32
      %add3A_107 = arith.addi %mul3A_105, %add3A_106 : i32
      %add3A_108 = arith.constant 0 : i32
      %add3A_109 = arith.addi %add3A_107, %add3A_108 : i32
      %mul3A_110 = arith.constant 80 : i32
      %mul3A_111 = arith.muli %add3A_109, %mul3A_110 : i32
      %dma_wait3A_112 = tpu.memref_slice %arg6[%mul3A_111] : memref<20000xi32, #tpu.memory_space<vmem>> -> memref<80xi32, #tpu.memory_space<vmem>>
      %dma_wait3A_113 = arith.constant 0 : i32
      %dma_wait3A_114 = arith.constant 0 : i32
      %dma_wait3A_115 = tpu.memref_slice %arg3[%dma_wait3A_113, %dma_wait3A_114] : memref<20000x64xf32, #tpu.memory_space<hbm>> -> memref<20000x64xf32, #tpu.memory_space<hbm>>
      tpu.wait_indirect_dma semaphore(%arg18 : memref<!tpu.dma_semaphore, #tpu.memory_space<semaphore_mem>>) src(%dma_wait3A_115 : memref<20000x64xf32, #tpu.memory_space<hbm>>) dst(%arg10 : memref<80x64xf32, #tpu.memory_space<vmem>>)
      %mul3A_116 = arith.constant 80 : i32
      %mul3A_117 = arith.muli %add3A_109, %mul3A_116 : i32
      %dma_start3A_118 = tpu.memref_slice %arg7[%mul3A_117] : memref<20000xi32, #tpu.memory_space<vmem>> -> memref<80xi32, #tpu.memory_space<vmem>>
      %dma_start3A_119 = arith.constant 0 : i32
      %dma_start3A_120 = arith.constant 0 : i32
      %dma_start3A_121 = tpu.memref_slice %arg14[%dma_start3A_119, %dma_start3A_120] : memref<10240x64xf32, #tpu.memory_space<vmem_shared>> -> memref<10240x64xf32, #tpu.memory_space<vmem_shared>>
      tpu.enqueue_indirect_dma source(%arg10 : memref<80x64xf32, #tpu.memory_space<vmem>>) target(%dma_start3A_121 : memref<10240x64xf32, #tpu.memory_space<vmem_shared>>) offsets(%dma_start3A_118 : memref<80xi32, #tpu.memory_space<vmem>>) semaphore(%arg18 : memref<!tpu.dma_semaphore, #tpu.memory_space<semaphore_mem>>) {add = true}
      %sub3A = arith.constant 2 : i32
      %sub3A_122 = arith.subi %add3A_109, %sub3A : i32
      %mul3A_123 = arith.constant 80 : i32
      %mul3A_124 = arith.muli %sub3A_122, %mul3A_123 : i32
      %dma_wait3A_125 = tpu.memref_slice %arg7[%mul3A_124] : memref<20000xi32, #tpu.memory_space<vmem>> -> memref<80xi32, #tpu.memory_space<vmem>>
      %dma_wait3A_126 = arith.constant 0 : i32
      %dma_wait3A_127 = arith.constant 0 : i32
      %dma_wait3A_128 = tpu.memref_slice %arg14[%dma_wait3A_126, %dma_wait3A_127] : memref<10240x64xf32, #tpu.memory_space<vmem_shared>> -> memref<10240x64xf32, #tpu.memory_space<vmem_shared>>
      tpu.wait_indirect_dma semaphore(%arg16 : memref<!tpu.dma_semaphore, #tpu.memory_space<semaphore_mem>>) src(%arg8 : memref<80x64xf32, #tpu.memory_space<vmem>>) dst(%dma_wait3A_128 : memref<10240x64xf32, #tpu.memory_space<vmem_shared>>)
      %add3A_129 = arith.constant 2 : i32
      %add3A_130 = arith.addi %add3A_109, %add3A_129 : i32
      %lt3A = arith.constant 250 : i32
      %lt3A_131 = arith.cmpi slt, %add3A_130, %lt3A : i32
      %convert_element_type3A = arith.extui %lt3A_131 : i1 to i32
      %cond3A = arith.constant 0 : i32
      %cond3A_132 = arith.cmpi ne, %convert_element_type3A, %cond3A : i32
      scf.if %cond3A_132 {
        %add3A_244 = arith.constant 2 : i32
        %add3A_245 = arith.addi %add3A_109, %add3A_244 : i32
        %mul3A_246 = arith.constant 80 : i32
        %mul3A_247 = arith.muli %add3A_245, %mul3A_246 : i32
        %dma_start3A_248 = tpu.memref_slice %arg6[%mul3A_247] : memref<20000xi32, #tpu.memory_space<vmem>> -> memref<80xi32, #tpu.memory_space<vmem>>
        %dma_start3A_249 = arith.constant 0 : i32
        %dma_start3A_250 = arith.constant 0 : i32
        %dma_start3A_251 = tpu.memref_slice %arg3[%dma_start3A_249, %dma_start3A_250] : memref<20000x64xf32, #tpu.memory_space<hbm>> -> memref<20000x64xf32, #tpu.memory_space<hbm>>
        tpu.enqueue_indirect_dma source(%dma_start3A_251 : memref<20000x64xf32, #tpu.memory_space<hbm>>) target(%arg8 : memref<80x64xf32, #tpu.memory_space<vmem>>) offsets(%dma_start3A_248 : memref<80xi32, #tpu.memory_space<vmem>>) semaphore(%arg16 : memref<!tpu.dma_semaphore, #tpu.memory_space<semaphore_mem>>)
      } else {
      }
      %mul3A_133 = arith.constant 4 : i32
      %mul3A_134 = arith.muli %mul3A_133, %scan3A_103 : i32
      %add3A_135 = arith.constant 2 : i32
      %add3A_136 = arith.addi %mul3A_134, %add3A_135 : i32
      %add3A_137 = arith.constant 1 : i32
      %add3A_138 = arith.addi %add3A_136, %add3A_137 : i32
      %mul3A_139 = arith.constant 80 : i32
      %mul3A_140 = arith.muli %add3A_138, %mul3A_139 : i32
      %dma_wait3A_141 = tpu.memref_slice %arg6[%mul3A_140] : memref<20000xi32, #tpu.memory_space<vmem>> -> memref<80xi32, #tpu.memory_space<vmem>>
      %dma_wait3A_142 = arith.constant 0 : i32
      %dma_wait3A_143 = arith.constant 0 : i32
      %dma_wait3A_144 = tpu.memref_slice %arg3[%dma_wait3A_142, %dma_wait3A_143] : memref<20000x64xf32, #tpu.memory_space<hbm>> -> memref<20000x64xf32, #tpu.memory_space<hbm>>
      tpu.wait_indirect_dma semaphore(%arg19 : memref<!tpu.dma_semaphore, #tpu.memory_space<semaphore_mem>>) src(%dma_wait3A_144 : memref<20000x64xf32, #tpu.memory_space<hbm>>) dst(%arg11 : memref<80x64xf32, #tpu.memory_space<vmem>>)
      %mul3A_145 = arith.constant 80 : i32
      %mul3A_146 = arith.muli %add3A_138, %mul3A_145 : i32
      %dma_start3A_147 = tpu.memref_slice %arg7[%mul3A_146] : memref<20000xi32, #tpu.memory_space<vmem>> -> memref<80xi32, #tpu.memory_space<vmem>>
      %dma_start3A_148 = arith.constant 0 : i32
      %dma_start3A_149 = arith.constant 0 : i32
      %dma_start3A_150 = tpu.memref_slice %arg14[%dma_start3A_148, %dma_start3A_149] : memref<10240x64xf32, #tpu.memory_space<vmem_shared>> -> memref<10240x64xf32, #tpu.memory_space<vmem_shared>>
      tpu.enqueue_indirect_dma source(%arg11 : memref<80x64xf32, #tpu.memory_space<vmem>>) target(%dma_start3A_150 : memref<10240x64xf32, #tpu.memory_space<vmem_shared>>) offsets(%dma_start3A_147 : memref<80xi32, #tpu.memory_space<vmem>>) semaphore(%arg19 : memref<!tpu.dma_semaphore, #tpu.memory_space<semaphore_mem>>) {add = true}
      %sub3A_151 = arith.constant 2 : i32
      %sub3A_152 = arith.subi %add3A_138, %sub3A_151 : i32
      %mul3A_153 = arith.constant 80 : i32
      %mul3A_154 = arith.muli %sub3A_152, %mul3A_153 : i32
      %dma_wait3A_155 = tpu.memref_slice %arg7[%mul3A_154] : memref<20000xi32, #tpu.memory_space<vmem>> -> memref<80xi32, #tpu.memory_space<vmem>>
      %dma_wait3A_156 = arith.constant 0 : i32
      %dma_wait3A_157 = arith.constant 0 : i32
      %dma_wait3A_158 = tpu.memref_slice %arg14[%dma_wait3A_156, %dma_wait3A_157] : memref<10240x64xf32, #tpu.memory_space<vmem_shared>> -> memref<10240x64xf32, #tpu.memory_space<vmem_shared>>
      tpu.wait_indirect_dma semaphore(%arg17 : memref<!tpu.dma_semaphore, #tpu.memory_space<semaphore_mem>>) src(%arg9 : memref<80x64xf32, #tpu.memory_space<vmem>>) dst(%dma_wait3A_158 : memref<10240x64xf32, #tpu.memory_space<vmem_shared>>)
      %add3A_159 = arith.constant 2 : i32
      %add3A_160 = arith.addi %add3A_138, %add3A_159 : i32
      %lt3A_161 = arith.constant 250 : i32
      %lt3A_162 = arith.cmpi slt, %add3A_160, %lt3A_161 : i32
      %convert_element_type3A_163 = arith.extui %lt3A_162 : i1 to i32
      %cond3A_164 = arith.constant 0 : i32
      %cond3A_165 = arith.cmpi ne, %convert_element_type3A_163, %cond3A_164 : i32
      scf.if %cond3A_165 {
        %add3A_244 = arith.constant 2 : i32
        %add3A_245 = arith.addi %add3A_138, %add3A_244 : i32
        %mul3A_246 = arith.constant 80 : i32
        %mul3A_247 = arith.muli %add3A_245, %mul3A_246 : i32
        %dma_start3A_248 = tpu.memref_slice %arg6[%mul3A_247] : memref<20000xi32, #tpu.memory_space<vmem>> -> memref<80xi32, #tpu.memory_space<vmem>>
        %dma_start3A_249 = arith.constant 0 : i32
        %dma_start3A_250 = arith.constant 0 : i32
        %dma_start3A_251 = tpu.memref_slice %arg3[%dma_start3A_249, %dma_start3A_250] : memref<20000x64xf32, #tpu.memory_space<hbm>> -> memref<20000x64xf32, #tpu.memory_space<hbm>>
        tpu.enqueue_indirect_dma source(%dma_start3A_251 : memref<20000x64xf32, #tpu.memory_space<hbm>>) target(%arg9 : memref<80x64xf32, #tpu.memory_space<vmem>>) offsets(%dma_start3A_248 : memref<80xi32, #tpu.memory_space<vmem>>) semaphore(%arg17 : memref<!tpu.dma_semaphore, #tpu.memory_space<semaphore_mem>>)
      } else {
      }
      %mul3A_166 = arith.constant 4 : i32
      %mul3A_167 = arith.muli %mul3A_166, %scan3A_103 : i32
      %add3A_168 = arith.constant 2 : i32
      %add3A_169 = arith.addi %mul3A_167, %add3A_168 : i32
      %add3A_170 = arith.constant 2 : i32
      %add3A_171 = arith.addi %add3A_169, %add3A_170 : i32
      %mul3A_172 = arith.constant 80 : i32
      %mul3A_173 = arith.muli %add3A_171, %mul3A_172 : i32
      %dma_wait3A_174 = tpu.memref_slice %arg6[%mul3A_173] : memref<20000xi32, #tpu.memory_space<vmem>> -> memref<80xi32, #tpu.memory_space<vmem>>
      %dma_wait3A_175 = arith.constant 0 : i32
      %dma_wait3A_176 = arith.constant 0 : i32
      %dma_wait3A_177 = tpu.memref_slice %arg3[%dma_wait3A_175, %dma_wait3A_176] : memref<20000x64xf32, #tpu.memory_space<hbm>> -> memref<20000x64xf32, #tpu.memory_space<hbm>>
      tpu.wait_indirect_dma semaphore(%arg16 : memref<!tpu.dma_semaphore, #tpu.memory_space<semaphore_mem>>) src(%dma_wait3A_177 : memref<20000x64xf32, #tpu.memory_space<hbm>>) dst(%arg8 : memref<80x64xf32, #tpu.memory_space<vmem>>)
      %mul3A_178 = arith.constant 80 : i32
      %mul3A_179 = arith.muli %add3A_171, %mul3A_178 : i32
      %dma_start3A_180 = tpu.memref_slice %arg7[%mul3A_179] : memref<20000xi32, #tpu.memory_space<vmem>> -> memref<80xi32, #tpu.memory_space<vmem>>
      %dma_start3A_181 = arith.constant 0 : i32
      %dma_start3A_182 = arith.constant 0 : i32
      %dma_start3A_183 = tpu.memref_slice %arg14[%dma_start3A_181, %dma_start3A_182] : memref<10240x64xf32, #tpu.memory_space<vmem_shared>> -> memref<10240x64xf32, #tpu.memory_space<vmem_shared>>
      tpu.enqueue_indirect_dma source(%arg8 : memref<80x64xf32, #tpu.memory_space<vmem>>) target(%dma_start3A_183 : memref<10240x64xf32, #tpu.memory_space<vmem_shared>>) offsets(%dma_start3A_180 : memref<80xi32, #tpu.memory_space<vmem>>) semaphore(%arg16 : memref<!tpu.dma_semaphore, #tpu.memory_space<semaphore_mem>>) {add = true}
      %sub3A_184 = arith.constant 2 : i32
      %sub3A_185 = arith.subi %add3A_171, %sub3A_184 : i32
      %mul3A_186 = arith.constant 80 : i32
      %mul3A_187 = arith.muli %sub3A_185, %mul3A_186 : i32
      %dma_wait3A_188 = tpu.memref_slice %arg7[%mul3A_187] : memref<20000xi32, #tpu.memory_space<vmem>> -> memref<80xi32, #tpu.memory_space<vmem>>
      %dma_wait3A_189 = arith.constant 0 : i32
      %dma_wait3A_190 = arith.constant 0 : i32
      %dma_wait3A_191 = tpu.memref_slice %arg14[%dma_wait3A_189, %dma_wait3A_190] : memref<10240x64xf32, #tpu.memory_space<vmem_shared>> -> memref<10240x64xf32, #tpu.memory_space<vmem_shared>>
      tpu.wait_indirect_dma semaphore(%arg18 : memref<!tpu.dma_semaphore, #tpu.memory_space<semaphore_mem>>) src(%arg10 : memref<80x64xf32, #tpu.memory_space<vmem>>) dst(%dma_wait3A_191 : memref<10240x64xf32, #tpu.memory_space<vmem_shared>>)
      %add3A_192 = arith.constant 2 : i32
      %add3A_193 = arith.addi %add3A_171, %add3A_192 : i32
      %lt3A_194 = arith.constant 250 : i32
      %lt3A_195 = arith.cmpi slt, %add3A_193, %lt3A_194 : i32
      %convert_element_type3A_196 = arith.extui %lt3A_195 : i1 to i32
      %cond3A_197 = arith.constant 0 : i32
      %cond3A_198 = arith.cmpi ne, %convert_element_type3A_196, %cond3A_197 : i32
      scf.if %cond3A_198 {
        %add3A_244 = arith.constant 2 : i32
        %add3A_245 = arith.addi %add3A_171, %add3A_244 : i32
        %mul3A_246 = arith.constant 80 : i32
        %mul3A_247 = arith.muli %add3A_245, %mul3A_246 : i32
        %dma_start3A_248 = tpu.memref_slice %arg6[%mul3A_247] : memref<20000xi32, #tpu.memory_space<vmem>> -> memref<80xi32, #tpu.memory_space<vmem>>
        %dma_start3A_249 = arith.constant 0 : i32
        %dma_start3A_250 = arith.constant 0 : i32
        %dma_start3A_251 = tpu.memref_slice %arg3[%dma_start3A_249, %dma_start3A_250] : memref<20000x64xf32, #tpu.memory_space<hbm>> -> memref<20000x64xf32, #tpu.memory_space<hbm>>
        tpu.enqueue_indirect_dma source(%dma_start3A_251 : memref<20000x64xf32, #tpu.memory_space<hbm>>) target(%arg10 : memref<80x64xf32, #tpu.memory_space<vmem>>) offsets(%dma_start3A_248 : memref<80xi32, #tpu.memory_space<vmem>>) semaphore(%arg18 : memref<!tpu.dma_semaphore, #tpu.memory_space<semaphore_mem>>)
      } else {
      }
      %mul3A_199 = arith.constant 4 : i32
      %mul3A_200 = arith.muli %mul3A_199, %scan3A_103 : i32
      %add3A_201 = arith.constant 2 : i32
      %add3A_202 = arith.addi %mul3A_200, %add3A_201 : i32
      %add3A_203 = arith.constant 3 : i32
      %add3A_204 = arith.addi %add3A_202, %add3A_203 : i32
      %mul3A_205 = arith.constant 80 : i32
      %mul3A_206 = arith.muli %add3A_204, %mul3A_205 : i32
      %dma_wait3A_207 = tpu.memref_slice %arg6[%mul3A_206] : memref<20000xi32, #tpu.memory_space<vmem>> -> memref<80xi32, #tpu.memory_space<vmem>>
      %dma_wait3A_208 = arith.constant 0 : i32
      %dma_wait3A_209 = arith.constant 0 : i32
      %dma_wait3A_210 = tpu.memref_slice %arg3[%dma_wait3A_208, %dma_wait3A_209] : memref<20000x64xf32, #tpu.memory_space<hbm>> -> memref<20000x64xf32, #tpu.memory_space<hbm>>
      tpu.wait_indirect_dma semaphore(%arg17 : memref<!tpu.dma_semaphore, #tpu.memory_space<semaphore_mem>>) src(%dma_wait3A_210 : memref<20000x64xf32, #tpu.memory_space<hbm>>) dst(%arg9 : memref<80x64xf32, #tpu.memory_space<vmem>>)
      %mul3A_211 = arith.constant 80 : i32
      %mul3A_212 = arith.muli %add3A_204, %mul3A_211 : i32
      %dma_start3A_213 = tpu.memref_slice %arg7[%mul3A_212] : memref<20000xi32, #tpu.memory_space<vmem>> -> memref<80xi32, #tpu.memory_space<vmem>>
      %dma_start3A_214 = arith.constant 0 : i32
      %dma_start3A_215 = arith.constant 0 : i32
      %dma_start3A_216 = tpu.memref_slice %arg14[%dma_start3A_214, %dma_start3A_215] : memref<10240x64xf32, #tpu.memory_space<vmem_shared>> -> memref<10240x64xf32, #tpu.memory_space<vmem_shared>>
      tpu.enqueue_indirect_dma source(%arg9 : memref<80x64xf32, #tpu.memory_space<vmem>>) target(%dma_start3A_216 : memref<10240x64xf32, #tpu.memory_space<vmem_shared>>) offsets(%dma_start3A_213 : memref<80xi32, #tpu.memory_space<vmem>>) semaphore(%arg17 : memref<!tpu.dma_semaphore, #tpu.memory_space<semaphore_mem>>) {add = true}
      %sub3A_217 = arith.constant 2 : i32
      %sub3A_218 = arith.subi %add3A_204, %sub3A_217 : i32
      %mul3A_219 = arith.constant 80 : i32
      %mul3A_220 = arith.muli %sub3A_218, %mul3A_219 : i32
      %dma_wait3A_221 = tpu.memref_slice %arg7[%mul3A_220] : memref<20000xi32, #tpu.memory_space<vmem>> -> memref<80xi32, #tpu.memory_space<vmem>>
      %dma_wait3A_222 = arith.constant 0 : i32
      %dma_wait3A_223 = arith.constant 0 : i32
      %dma_wait3A_224 = tpu.memref_slice %arg14[%dma_wait3A_222, %dma_wait3A_223] : memref<10240x64xf32, #tpu.memory_space<vmem_shared>> -> memref<10240x64xf32, #tpu.memory_space<vmem_shared>>
      tpu.wait_indirect_dma semaphore(%arg19 : memref<!tpu.dma_semaphore, #tpu.memory_space<semaphore_mem>>) src(%arg11 : memref<80x64xf32, #tpu.memory_space<vmem>>) dst(%dma_wait3A_224 : memref<10240x64xf32, #tpu.memory_space<vmem_shared>>)
      %add3A_225 = arith.constant 2 : i32
      %add3A_226 = arith.addi %add3A_204, %add3A_225 : i32
      %lt3A_227 = arith.constant 250 : i32
      %lt3A_228 = arith.cmpi slt, %add3A_226, %lt3A_227 : i32
      %convert_element_type3A_229 = arith.extui %lt3A_228 : i1 to i32
      %cond3A_230 = arith.constant 0 : i32
      %cond3A_231 = arith.cmpi ne, %convert_element_type3A_229, %cond3A_230 : i32
      scf.if %cond3A_231 {
        %add3A_244 = arith.constant 2 : i32
        %add3A_245 = arith.addi %add3A_204, %add3A_244 : i32
        %mul3A_246 = arith.constant 80 : i32
        %mul3A_247 = arith.muli %add3A_245, %mul3A_246 : i32
        %dma_start3A_248 = tpu.memref_slice %arg6[%mul3A_247] : memref<20000xi32, #tpu.memory_space<vmem>> -> memref<80xi32, #tpu.memory_space<vmem>>
        %dma_start3A_249 = arith.constant 0 : i32
        %dma_start3A_250 = arith.constant 0 : i32
        %dma_start3A_251 = tpu.memref_slice %arg3[%dma_start3A_249, %dma_start3A_250] : memref<20000x64xf32, #tpu.memory_space<hbm>> -> memref<20000x64xf32, #tpu.memory_space<hbm>>
        tpu.enqueue_indirect_dma source(%dma_start3A_251 : memref<20000x64xf32, #tpu.memory_space<hbm>>) target(%arg11 : memref<80x64xf32, #tpu.memory_space<vmem>>) offsets(%dma_start3A_248 : memref<80xi32, #tpu.memory_space<vmem>>) semaphore(%arg19 : memref<!tpu.dma_semaphore, #tpu.memory_space<semaphore_mem>>)
      } else {
      }
      %mul3A_232 = arith.constant 2 : i32
      %mul3A_233 = arith.muli %mul3A_232, %scan3A_103 : i32
      %add3A_234 = arith.addi %mul3A_52, %mul3A_233 : i32
      %mul3A_235 = arith.constant 80 : i32
      %mul3A_236 = arith.muli %add3A_234, %mul3A_235 : i32
      "tpu.region"() ({
        %run_scoped3A_244 = tpu.sem_alloc : memref<!tpu.dma_semaphore, #tpu.memory_space<semaphore_mem>>
        %dma_start3A_245 = tpu.memref_slice %arg7[%mul3A_236] : memref<20000xi32, #tpu.memory_space<vmem>> -> memref<80xi32, #tpu.memory_space<vmem>>
        %dma_start3A_246 = arith.constant 0 : i32
        %dma_start3A_247 = arith.constant 0 : i32
        %dma_start3A_248 = tpu.memref_slice %arg15[%dma_start3A_246, %dma_start3A_247] : memref<10240x16xf32, #tpu.memory_space<vmem_shared>> -> memref<10240x16xf32, #tpu.memory_space<vmem_shared>>
        tpu.enqueue_indirect_dma source(%arg13 : memref<80x16xf32, #tpu.memory_space<vmem>>) target(%dma_start3A_248 : memref<10240x16xf32, #tpu.memory_space<vmem_shared>>) offsets(%dma_start3A_245 : memref<80xi32, #tpu.memory_space<vmem>>) semaphore(%run_scoped3A_244 : memref<!tpu.dma_semaphore, #tpu.memory_space<semaphore_mem>>) {add = true}
        %dma_wait3A_249 = tpu.memref_slice %arg7[%mul3A_236] : memref<20000xi32, #tpu.memory_space<vmem>> -> memref<80xi32, #tpu.memory_space<vmem>>
        %dma_wait3A_250 = arith.constant 0 : i32
        %dma_wait3A_251 = arith.constant 0 : i32
        %dma_wait3A_252 = tpu.memref_slice %arg15[%dma_wait3A_250, %dma_wait3A_251] : memref<10240x16xf32, #tpu.memory_space<vmem_shared>> -> memref<10240x16xf32, #tpu.memory_space<vmem_shared>>
        tpu.wait_indirect_dma semaphore(%run_scoped3A_244 : memref<!tpu.dma_semaphore, #tpu.memory_space<semaphore_mem>>) src(%arg13 : memref<80x16xf32, #tpu.memory_space<vmem>>) dst(%dma_wait3A_252 : memref<10240x16xf32, #tpu.memory_space<vmem_shared>>)
        tpu.yield
      }) : () -> ()
      %mul3A_237 = arith.constant 2 : i32
      %mul3A_238 = arith.muli %mul3A_237, %scan3A_103 : i32
      %add3A_239 = arith.addi %mul3A_52, %mul3A_238 : i32
      %add3A_240 = arith.constant 1 : i32
      %add3A_241 = arith.addi %add3A_239, %add3A_240 : i32
      %mul3A_242 = arith.constant 80 : i32
      %mul3A_243 = arith.muli %add3A_241, %mul3A_242 : i32
      "tpu.region"() ({
        %run_scoped3A_244 = tpu.sem_alloc : memref<!tpu.dma_semaphore, #tpu.memory_space<semaphore_mem>>
        %dma_start3A_245 = tpu.memref_slice %arg7[%mul3A_243] : memref<20000xi32, #tpu.memory_space<vmem>> -> memref<80xi32, #tpu.memory_space<vmem>>
        %dma_start3A_246 = arith.constant 0 : i32
        %dma_start3A_247 = arith.constant 0 : i32
        %dma_start3A_248 = tpu.memref_slice %arg15[%dma_start3A_246, %dma_start3A_247] : memref<10240x16xf32, #tpu.memory_space<vmem_shared>> -> memref<10240x16xf32, #tpu.memory_space<vmem_shared>>
        tpu.enqueue_indirect_dma source(%arg13 : memref<80x16xf32, #tpu.memory_space<vmem>>) target(%dma_start3A_248 : memref<10240x16xf32, #tpu.memory_space<vmem_shared>>) offsets(%dma_start3A_245 : memref<80xi32, #tpu.memory_space<vmem>>) semaphore(%run_scoped3A_244 : memref<!tpu.dma_semaphore, #tpu.memory_space<semaphore_mem>>) {add = true}
        %dma_wait3A_249 = tpu.memref_slice %arg7[%mul3A_243] : memref<20000xi32, #tpu.memory_space<vmem>> -> memref<80xi32, #tpu.memory_space<vmem>>
        %dma_wait3A_250 = arith.constant 0 : i32
        %dma_wait3A_251 = arith.constant 0 : i32
        %dma_wait3A_252 = tpu.memref_slice %arg15[%dma_wait3A_250, %dma_wait3A_251] : memref<10240x16xf32, #tpu.memory_space<vmem_shared>> -> memref<10240x16xf32, #tpu.memory_space<vmem_shared>>
        tpu.wait_indirect_dma semaphore(%run_scoped3A_244 : memref<!tpu.dma_semaphore, #tpu.memory_space<semaphore_mem>>) src(%arg13 : memref<80x16xf32, #tpu.memory_space<vmem>>) dst(%dma_wait3A_252 : memref<10240x16xf32, #tpu.memory_space<vmem_shared>>)
        tpu.yield
      }) : () -> ()
    }
    %scan3A_87 = arith.constant 62 : i32
    %dma_wait3A_88 = arith.constant 19840 : i32
    %dma_wait3A_89 = tpu.memref_slice %arg7[%dma_wait3A_88] : memref<20000xi32, #tpu.memory_space<vmem>> -> memref<80xi32, #tpu.memory_space<vmem>>
    %dma_wait3A_90 = arith.constant 0 : i32
    %dma_wait3A_91 = arith.constant 0 : i32
    %dma_wait3A_92 = tpu.memref_slice %arg14[%dma_wait3A_90, %dma_wait3A_91] : memref<10240x64xf32, #tpu.memory_space<vmem_shared>> -> memref<10240x64xf32, #tpu.memory_space<vmem_shared>>
    tpu.wait_indirect_dma semaphore(%arg16 : memref<!tpu.dma_semaphore, #tpu.memory_space<semaphore_mem>>) src(%arg8 : memref<80x64xf32, #tpu.memory_space<vmem>>) dst(%dma_wait3A_92 : memref<10240x64xf32, #tpu.memory_space<vmem_shared>>)
    %dma_wait3A_93 = arith.constant 19920 : i32
    %dma_wait3A_94 = tpu.memref_slice %arg7[%dma_wait3A_93] : memref<20000xi32, #tpu.memory_space<vmem>> -> memref<80xi32, #tpu.memory_space<vmem>>
    %dma_wait3A_95 = arith.constant 0 : i32
    %dma_wait3A_96 = arith.constant 0 : i32
    %dma_wait3A_97 = tpu.memref_slice %arg14[%dma_wait3A_95, %dma_wait3A_96] : memref<10240x64xf32, #tpu.memory_space<vmem_shared>> -> memref<10240x64xf32, #tpu.memory_space<vmem_shared>>
    tpu.wait_indirect_dma semaphore(%arg17 : memref<!tpu.dma_semaphore, #tpu.memory_space<semaphore_mem>>) src(%arg9 : memref<80x64xf32, #tpu.memory_space<vmem>>) dst(%dma_wait3A_97 : memref<10240x64xf32, #tpu.memory_space<vmem_shared>>)
    %add3A_98 = arith.constant 124 : i32
    %add3A_99 = arith.addi %mul3A_52, %add3A_98 : i32
    %mul3A_100 = arith.constant 80 : i32
    %mul3A_101 = arith.muli %add3A_99, %mul3A_100 : i32
    "tpu.region"() ({
      %run_scoped3A_103 = tpu.sem_alloc : memref<!tpu.dma_semaphore, #tpu.memory_space<semaphore_mem>>
      %dma_start3A_104 = tpu.memref_slice %arg7[%mul3A_101] : memref<20000xi32, #tpu.memory_space<vmem>> -> memref<80xi32, #tpu.memory_space<vmem>>
      %dma_start3A_105 = arith.constant 0 : i32
      %dma_start3A_106 = arith.constant 0 : i32
      %dma_start3A_107 = tpu.memref_slice %arg15[%dma_start3A_105, %dma_start3A_106] : memref<10240x16xf32, #tpu.memory_space<vmem_shared>> -> memref<10240x16xf32, #tpu.memory_space<vmem_shared>>
      tpu.enqueue_indirect_dma source(%arg13 : memref<80x16xf32, #tpu.memory_space<vmem>>) target(%dma_start3A_107 : memref<10240x16xf32, #tpu.memory_space<vmem_shared>>) offsets(%dma_start3A_104 : memref<80xi32, #tpu.memory_space<vmem>>) semaphore(%run_scoped3A_103 : memref<!tpu.dma_semaphore, #tpu.memory_space<semaphore_mem>>) {add = true}
      %dma_wait3A_108 = tpu.memref_slice %arg7[%mul3A_101] : memref<20000xi32, #tpu.memory_space<vmem>> -> memref<80xi32, #tpu.memory_space<vmem>>
      %dma_wait3A_109 = arith.constant 0 : i32
      %dma_wait3A_110 = arith.constant 0 : i32
      %dma_wait3A_111 = tpu.memref_slice %arg15[%dma_wait3A_109, %dma_wait3A_110] : memref<10240x16xf32, #tpu.memory_space<vmem_shared>> -> memref<10240x16xf32, #tpu.memory_space<vmem_shared>>
      tpu.wait_indirect_dma semaphore(%run_scoped3A_103 : memref<!tpu.dma_semaphore, #tpu.memory_space<semaphore_mem>>) src(%arg13 : memref<80x16xf32, #tpu.memory_space<vmem>>) dst(%dma_wait3A_111 : memref<10240x16xf32, #tpu.memory_space<vmem_shared>>)
      tpu.yield
    }) : () -> ()
    %barrier3A_102 = arith.constant 0 : index
    tpu.barrier barrier_id(%barrier3A_102)
    "tpu.region"() ({
      %run_scoped3A_103 = tpu.sem_alloc : memref<!tpu.dma_semaphore, #tpu.memory_space<semaphore_mem>>
      %dma_start3A_104 = arith.constant 0 : i32
      %dma_start3A_105 = tpu.memref_slice %arg4[%arg0, %mul3A_19, %dma_start3A_104] : memref<2x10240x64xf32, #tpu.memory_space<hbm>> -> memref<1x640x64xf32, #tpu.memory_space<hbm>>
      %dma_start3A_106 = tpu.memref_squeeze %dma_start3A_105 : memref<1x640x64xf32, #tpu.memory_space<hbm>> -> memref<640x64xf32, #tpu.memory_space<hbm>>
      %dma_start3A_107 = arith.constant 0 : i32
      %dma_start3A_108 = tpu.memref_slice %arg14[%mul3A_19, %dma_start3A_107] : memref<10240x64xf32, #tpu.memory_space<vmem_shared>> -> memref<640x64xf32, #tpu.memory_space<vmem_shared>>
      tpu.enqueue_dma source(%dma_start3A_108 : memref<640x64xf32, #tpu.memory_space<vmem_shared>>) target(%dma_start3A_106 : memref<640x64xf32, #tpu.memory_space<hbm>>) target_semaphore(%run_scoped3A_103 : memref<!tpu.dma_semaphore, #tpu.memory_space<semaphore_mem>>)
      %dma_wait3A_109 = arith.constant 0 : i32
      %dma_wait3A_110 = tpu.memref_slice %arg4[%arg0, %mul3A_19, %dma_wait3A_109] : memref<2x10240x64xf32, #tpu.memory_space<hbm>> -> memref<1x640x64xf32, #tpu.memory_space<hbm>>
      %dma_wait3A_111 = tpu.memref_squeeze %dma_wait3A_110 : memref<1x640x64xf32, #tpu.memory_space<hbm>> -> memref<640x64xf32, #tpu.memory_space<hbm>>
      %dma_wait3A_112 = arith.constant 0 : i32
      %dma_wait3A_113 = tpu.memref_slice %arg14[%mul3A_19, %dma_wait3A_112] : memref<10240x64xf32, #tpu.memory_space<vmem_shared>> -> memref<640x64xf32, #tpu.memory_space<vmem_shared>>
      tpu.wait_dma2 semaphore(%run_scoped3A_103 : memref<!tpu.dma_semaphore, #tpu.memory_space<semaphore_mem>>) src(%dma_wait3A_113 : memref<640x64xf32, #tpu.memory_space<vmem_shared>>) dst(%dma_wait3A_111 : memref<640x64xf32, #tpu.memory_space<hbm>>)
      tpu.yield
    }) : () -> ()
    "tpu.region"() ({
      %run_scoped3A_103 = tpu.sem_alloc : memref<!tpu.dma_semaphore, #tpu.memory_space<semaphore_mem>>
      %dma_start3A_104 = arith.constant 0 : i32
      %dma_start3A_105 = tpu.memref_slice %arg5[%arg0, %mul3A_19, %dma_start3A_104] : memref<2x10240x16xf32, #tpu.memory_space<hbm>> -> memref<1x640x16xf32, #tpu.memory_space<hbm>>
      %dma_start3A_106 = tpu.memref_squeeze %dma_start3A_105 : memref<1x640x16xf32, #tpu.memory_space<hbm>> -> memref<640x16xf32, #tpu.memory_space<hbm>>
      %dma_start3A_107 = arith.constant 0 : i32
      %dma_start3A_108 = tpu.memref_slice %arg15[%mul3A_19, %dma_start3A_107] : memref<10240x16xf32, #tpu.memory_space<vmem_shared>> -> memref<640x16xf32, #tpu.memory_space<vmem_shared>>
      tpu.enqueue_dma source(%dma_start3A_108 : memref<640x16xf32, #tpu.memory_space<vmem_shared>>) target(%dma_start3A_106 : memref<640x16xf32, #tpu.memory_space<hbm>>) target_semaphore(%run_scoped3A_103 : memref<!tpu.dma_semaphore, #tpu.memory_space<semaphore_mem>>)
      %dma_wait3A_109 = arith.constant 0 : i32
      %dma_wait3A_110 = tpu.memref_slice %arg5[%arg0, %mul3A_19, %dma_wait3A_109] : memref<2x10240x16xf32, #tpu.memory_space<hbm>> -> memref<1x640x16xf32, #tpu.memory_space<hbm>>
      %dma_wait3A_111 = tpu.memref_squeeze %dma_wait3A_110 : memref<1x640x16xf32, #tpu.memory_space<hbm>> -> memref<640x16xf32, #tpu.memory_space<hbm>>
      %dma_wait3A_112 = arith.constant 0 : i32
      %dma_wait3A_113 = tpu.memref_slice %arg15[%mul3A_19, %dma_wait3A_112] : memref<10240x16xf32, #tpu.memory_space<vmem_shared>> -> memref<640x16xf32, #tpu.memory_space<vmem_shared>>
      tpu.wait_dma2 semaphore(%run_scoped3A_103 : memref<!tpu.dma_semaphore, #tpu.memory_space<semaphore_mem>>) src(%dma_wait3A_113 : memref<640x16xf32, #tpu.memory_space<vmem_shared>>) dst(%dma_wait3A_111 : memref<640x16xf32, #tpu.memory_space<hbm>>)
      tpu.yield
    }) : () -> ()
    return
  }
}

#map = affine_map<(d0, d1) -> (0, 0)>
#map1 = affine_map<(d0, d1) -> (0, 0, 0)>
module attributes {stable_mosaic.version = 14 : i64} {
  func.func @k(%arg0: i32, %arg1: i32, %arg2: memref<3x320000xi32, #tpu.memory_space<hbm>>, %arg3: memref<320000x16xf32, #tpu.memory_space<hbm>>, %arg4: memref<2x10240x16xf32, #tpu.memory_space<hbm>>, %arg5: memref<20000xi32, #tpu.memory_space<vmem>>, %arg6: memref<80x16xf32, #tpu.memory_space<vmem>>, %arg7: memref<80x16xf32, #tpu.memory_space<vmem>>, %arg8: memref<80x16xf32, #tpu.memory_space<vmem>>, %arg9: memref<80x16xf32, #tpu.memory_space<vmem>>, %arg10: memref<80x16xf32, #tpu.memory_space<vmem>>, %arg11: memref<10240x16xf32, #tpu.memory_space<vmem_shared>>, %arg12: memref<!tpu.dma_semaphore, #tpu.memory_space<semaphore_mem>>, %arg13: memref<!tpu.dma_semaphore, #tpu.memory_space<semaphore_mem>>, %arg14: memref<!tpu.dma_semaphore, #tpu.memory_space<semaphore_mem>>, %arg15: memref<!tpu.dma_semaphore, #tpu.memory_space<semaphore_mem>>) attributes {dimension_semantics = [#tpu.dimension_semantics<core_parallel>, #tpu.dimension_semantics<subcore_parallel>], iteration_bounds = array<i64: 2, 16>, scalar_prefetch = 0 : i64, scratch_operands = 11 : i64, tpu.core_type = #tpu.core_type<sc_vector_subcore>, window_params = [{transform_indices = #map}, {transform_indices = #map}, {transform_indices = #map1}]} {
    %mul3A = arith.constant 20000 : i32
    %mul3A_0 = arith.muli %arg1, %mul3A : i32
    %mul3A_1 = arith.constant 125 : i32
    %mul3A_2 = arith.muli %arg0, %mul3A_1 : i32
    %run_scoped3A = arith.constant 2 : i32
    "tpu.region"() ({
      %run_scoped3A_115 = tpu.sem_alloc : memref<!tpu.dma_semaphore, #tpu.memory_space<semaphore_mem>>
      %dma_start3A_116 = tpu.memref_slice %arg2[%run_scoped3A, %mul3A_0] : memref<3x320000xi32, #tpu.memory_space<hbm>> -> memref<1x20000xi32, #tpu.memory_space<hbm>>
      %dma_start3A_117 = tpu.memref_squeeze %dma_start3A_116 : memref<1x20000xi32, #tpu.memory_space<hbm>> -> memref<20000xi32, #tpu.memory_space<hbm>>
      %dma_start3A_118 = tpu.memref_slice %arg2[%run_scoped3A, %mul3A_0] : memref<3x320000xi32, #tpu.memory_space<hbm>> -> memref<1x20000xi32, #tpu.memory_space<hbm>>
      %dma_start3A_119 = tpu.memref_squeeze %dma_start3A_118 : memref<1x20000xi32, #tpu.memory_space<hbm>> -> memref<20000xi32, #tpu.memory_space<hbm>>
      tpu.enqueue_dma source(%dma_start3A_119 : memref<20000xi32, #tpu.memory_space<hbm>>) target(%arg5 : memref<20000xi32, #tpu.memory_space<vmem>>) target_semaphore(%run_scoped3A_115 : memref<!tpu.dma_semaphore, #tpu.memory_space<semaphore_mem>>)
      %dma_wait3A_120 = tpu.memref_slice %arg2[%run_scoped3A, %mul3A_0] : memref<3x320000xi32, #tpu.memory_space<hbm>> -> memref<1x20000xi32, #tpu.memory_space<hbm>>
      %dma_wait3A_121 = tpu.memref_squeeze %dma_wait3A_120 : memref<1x20000xi32, #tpu.memory_space<hbm>> -> memref<20000xi32, #tpu.memory_space<hbm>>
      %dma_wait3A_122 = tpu.memref_slice %arg2[%run_scoped3A, %mul3A_0] : memref<3x320000xi32, #tpu.memory_space<hbm>> -> memref<1x20000xi32, #tpu.memory_space<hbm>>
      %dma_wait3A_123 = tpu.memref_squeeze %dma_wait3A_122 : memref<1x20000xi32, #tpu.memory_space<hbm>> -> memref<20000xi32, #tpu.memory_space<hbm>>
      tpu.wait_dma2 semaphore(%run_scoped3A_115 : memref<!tpu.dma_semaphore, #tpu.memory_space<semaphore_mem>>) src(%dma_wait3A_123 : memref<20000xi32, #tpu.memory_space<hbm>>) dst(%arg5 : memref<20000xi32, #tpu.memory_space<vmem>>)
      tpu.yield
    }) : () -> ()
    %mul3A_3 = arith.constant 80 : i32
    %mul3A_4 = arith.muli %mul3A_2, %mul3A_3 : i32
    %add3A = arith.addi %mul3A_0, %mul3A_4 : i32
    %dma_start3A = arith.constant 0 : i32
    %dma_start3A_5 = tpu.memref_slice %arg3[%add3A, %dma_start3A] : memref<320000x16xf32, #tpu.memory_space<hbm>> -> memref<80x16xf32, #tpu.memory_space<hbm>>
    %dma_start3A_6 = arith.constant 0 : i32
    %dma_start3A_7 = tpu.memref_slice %arg3[%add3A, %dma_start3A_6] : memref<320000x16xf32, #tpu.memory_space<hbm>> -> memref<80x16xf32, #tpu.memory_space<hbm>>
    tpu.enqueue_dma source(%dma_start3A_7 : memref<80x16xf32, #tpu.memory_space<hbm>>) target(%arg6 : memref<80x16xf32, #tpu.memory_space<vmem>>) target_semaphore(%arg12 : memref<!tpu.dma_semaphore, #tpu.memory_space<semaphore_mem>>)
    %add3A_8 = arith.constant 1 : i32
    %add3A_9 = arith.addi %mul3A_2, %add3A_8 : i32
    %mul3A_10 = arith.constant 80 : i32
    %mul3A_11 = arith.muli %add3A_9, %mul3A_10 : i32
    %add3A_12 = arith.addi %mul3A_0, %mul3A_11 : i32
    %dma_start3A_13 = arith.constant 0 : i32
    %dma_start3A_14 = tpu.memref_slice %arg3[%add3A_12, %dma_start3A_13] : memref<320000x16xf32, #tpu.memory_space<hbm>> -> memref<80x16xf32, #tpu.memory_space<hbm>>
    %dma_start3A_15 = arith.constant 0 : i32
    %dma_start3A_16 = tpu.memref_slice %arg3[%add3A_12, %dma_start3A_15] : memref<320000x16xf32, #tpu.memory_space<hbm>> -> memref<80x16xf32, #tpu.memory_space<hbm>>
    tpu.enqueue_dma source(%dma_start3A_16 : memref<80x16xf32, #tpu.memory_space<hbm>>) target(%arg7 : memref<80x16xf32, #tpu.memory_space<vmem>>) target_semaphore(%arg13 : memref<!tpu.dma_semaphore, #tpu.memory_space<semaphore_mem>>)
    %broadcast_in_dim3A = arith.constant 0.000000e+00 : f32
    %broadcast_in_dim3A_17 = vector.broadcast %broadcast_in_dim3A : f32 to vector<16xf32>
    %scan3A = arith.constant 0 : i32
    %scan3A_18 = arith.constant 0 : i32
    %scan3A_19 = arith.constant 80 : i32
    %scan3A_20 = arith.addi %scan3A_18, %scan3A_19 : i32
    %scan3A_21 = arith.constant 1 : i32
    scf.for %scan3A_115 = %scan3A_18 to %scan3A_20 step %scan3A_21  : i32 {
      %swap3A = arith.index_cast %scan3A_115 : i32 to index
      %swap3A_116 = arith.constant 0 : index
      %swap3A_117 = tpu.vector_load %arg10[%swap3A, %swap3A_116] {strides = array<i32>} : memref<80x16xf32, #tpu.memory_space<vmem>>, vector<1x16xf32>,
      %swap3A_118 = vector.shape_cast %swap3A_117 : vector<1x16xf32> to vector<16xf32>
      %swap3A_119 = vector.shape_cast %broadcast_in_dim3A_17 : vector<16xf32> to vector<1x16xf32>
      tpu.vector_store %arg10[%swap3A, %swap3A_116], %swap3A_119 {strides = array<i32>} : memref<80x16xf32, #tpu.memory_space<vmem>>, vector<1x16xf32>,
    }
    %scan3A_22 = arith.constant 80 : i32
    %mul3A_23 = arith.constant 640 : i32
    %mul3A_24 = arith.muli %arg1, %mul3A_23 : i32
    %add3A_25 = arith.constant 0 : i32
    %add3A_26 = arith.addi %mul3A_24, %add3A_25 : i32
    "tpu.region"() ({
      %run_scoped3A_115 = tpu.sem_alloc : memref<!tpu.dma_semaphore, #tpu.memory_space<semaphore_mem>>
      %dma_start3A_116 = arith.constant 0 : i32
      %dma_start3A_117 = tpu.memref_slice %arg11[%add3A_26, %dma_start3A_116] : memref<10240x16xf32, #tpu.memory_space<vmem_shared>> -> memref<80x16xf32, #tpu.memory_space<vmem_shared>>
      %dma_start3A_118 = arith.constant 0 : i32
      %dma_start3A_119 = tpu.memref_slice %arg11[%add3A_26, %dma_start3A_118] : memref<10240x16xf32, #tpu.memory_space<vmem_shared>> -> memref<80x16xf32, #tpu.memory_space<vmem_shared>>
      tpu.enqueue_dma source(%arg10 : memref<80x16xf32, #tpu.memory_space<vmem>>) target(%dma_start3A_119 : memref<80x16xf32, #tpu.memory_space<vmem_shared>>) target_semaphore(%run_scoped3A_115 : memref<!tpu.dma_semaphore, #tpu.memory_space<semaphore_mem>>)
      %dma_wait3A_120 = arith.constant 0 : i32
      %dma_wait3A_121 = tpu.memref_slice %arg11[%add3A_26, %dma_wait3A_120] : memref<10240x16xf32, #tpu.memory_space<vmem_shared>> -> memref<80x16xf32, #tpu.memory_space<vmem_shared>>
      %dma_wait3A_122 = arith.constant 0 : i32
      %dma_wait3A_123 = tpu.memref_slice %arg11[%add3A_26, %dma_wait3A_122] : memref<10240x16xf32, #tpu.memory_space<vmem_shared>> -> memref<80x16xf32, #tpu.memory_space<vmem_shared>>
      tpu.wait_dma2 semaphore(%run_scoped3A_115 : memref<!tpu.dma_semaphore, #tpu.memory_space<semaphore_mem>>) src(%arg10 : memref<80x16xf32, #tpu.memory_space<vmem>>) dst(%dma_wait3A_123 : memref<80x16xf32, #tpu.memory_space<vmem_shared>>)
      tpu.yield
    }) : () -> ()
    %add3A_27 = arith.constant 80 : i32
    %add3A_28 = arith.addi %mul3A_24, %add3A_27 : i32
    "tpu.region"() ({
      %run_scoped3A_115 = tpu.sem_alloc : memref<!tpu.dma_semaphore, #tpu.memory_space<semaphore_mem>>
      %dma_start3A_116 = arith.constant 0 : i32
      %dma_start3A_117 = tpu.memref_slice %arg11[%add3A_28, %dma_start3A_116] : memref<10240x16xf32, #tpu.memory_space<vmem_shared>> -> memref<80x16xf32, #tpu.memory_space<vmem_shared>>
      %dma_start3A_118 = arith.constant 0 : i32
      %dma_start3A_119 = tpu.memref_slice %arg11[%add3A_28, %dma_start3A_118] : memref<10240x16xf32, #tpu.memory_space<vmem_shared>> -> memref<80x16xf32, #tpu.memory_space<vmem_shared>>
      tpu.enqueue_dma source(%arg10 : memref<80x16xf32, #tpu.memory_space<vmem>>) target(%dma_start3A_119 : memref<80x16xf32, #tpu.memory_space<vmem_shared>>) target_semaphore(%run_scoped3A_115 : memref<!tpu.dma_semaphore, #tpu.memory_space<semaphore_mem>>)
      %dma_wait3A_120 = arith.constant 0 : i32
      %dma_wait3A_121 = tpu.memref_slice %arg11[%add3A_28, %dma_wait3A_120] : memref<10240x16xf32, #tpu.memory_space<vmem_shared>> -> memref<80x16xf32, #tpu.memory_space<vmem_shared>>
      %dma_wait3A_122 = arith.constant 0 : i32
      %dma_wait3A_123 = tpu.memref_slice %arg11[%add3A_28, %dma_wait3A_122] : memref<10240x16xf32, #tpu.memory_space<vmem_shared>> -> memref<80x16xf32, #tpu.memory_space<vmem_shared>>
      tpu.wait_dma2 semaphore(%run_scoped3A_115 : memref<!tpu.dma_semaphore, #tpu.memory_space<semaphore_mem>>) src(%arg10 : memref<80x16xf32, #tpu.memory_space<vmem>>) dst(%dma_wait3A_123 : memref<80x16xf32, #tpu.memory_space<vmem_shared>>)
      tpu.yield
    }) : () -> ()
    %add3A_29 = arith.constant 160 : i32
    %add3A_30 = arith.addi %mul3A_24, %add3A_29 : i32
    "tpu.region"() ({
      %run_scoped3A_115 = tpu.sem_alloc : memref<!tpu.dma_semaphore, #tpu.memory_space<semaphore_mem>>
      %dma_start3A_116 = arith.constant 0 : i32
      %dma_start3A_117 = tpu.memref_slice %arg11[%add3A_30, %dma_start3A_116] : memref<10240x16xf32, #tpu.memory_space<vmem_shared>> -> memref<80x16xf32, #tpu.memory_space<vmem_shared>>
      %dma_start3A_118 = arith.constant 0 : i32
      %dma_start3A_119 = tpu.memref_slice %arg11[%add3A_30, %dma_start3A_118] : memref<10240x16xf32, #tpu.memory_space<vmem_shared>> -> memref<80x16xf32, #tpu.memory_space<vmem_shared>>
      tpu.enqueue_dma source(%arg10 : memref<80x16xf32, #tpu.memory_space<vmem>>) target(%dma_start3A_119 : memref<80x16xf32, #tpu.memory_space<vmem_shared>>) target_semaphore(%run_scoped3A_115 : memref<!tpu.dma_semaphore, #tpu.memory_space<semaphore_mem>>)
      %dma_wait3A_120 = arith.constant 0 : i32
      %dma_wait3A_121 = tpu.memref_slice %arg11[%add3A_30, %dma_wait3A_120] : memref<10240x16xf32, #tpu.memory_space<vmem_shared>> -> memref<80x16xf32, #tpu.memory_space<vmem_shared>>
      %dma_wait3A_122 = arith.constant 0 : i32
      %dma_wait3A_123 = tpu.memref_slice %arg11[%add3A_30, %dma_wait3A_122] : memref<10240x16xf32, #tpu.memory_space<vmem_shared>> -> memref<80x16xf32, #tpu.memory_space<vmem_shared>>
      tpu.wait_dma2 semaphore(%run_scoped3A_115 : memref<!tpu.dma_semaphore, #tpu.memory_space<semaphore_mem>>) src(%arg10 : memref<80x16xf32, #tpu.memory_space<vmem>>) dst(%dma_wait3A_123 : memref<80x16xf32, #tpu.memory_space<vmem_shared>>)
      tpu.yield
    }) : () -> ()
    %add3A_31 = arith.constant 240 : i32
    %add3A_32 = arith.addi %mul3A_24, %add3A_31 : i32
    "tpu.region"() ({
      %run_scoped3A_115 = tpu.sem_alloc : memref<!tpu.dma_semaphore, #tpu.memory_space<semaphore_mem>>
      %dma_start3A_116 = arith.constant 0 : i32
      %dma_start3A_117 = tpu.memref_slice %arg11[%add3A_32, %dma_start3A_116] : memref<10240x16xf32, #tpu.memory_space<vmem_shared>> -> memref<80x16xf32, #tpu.memory_space<vmem_shared>>
      %dma_start3A_118 = arith.constant 0 : i32
      %dma_start3A_119 = tpu.memref_slice %arg11[%add3A_32, %dma_start3A_118] : memref<10240x16xf32, #tpu.memory_space<vmem_shared>> -> memref<80x16xf32, #tpu.memory_space<vmem_shared>>
      tpu.enqueue_dma source(%arg10 : memref<80x16xf32, #tpu.memory_space<vmem>>) target(%dma_start3A_119 : memref<80x16xf32, #tpu.memory_space<vmem_shared>>) target_semaphore(%run_scoped3A_115 : memref<!tpu.dma_semaphore, #tpu.memory_space<semaphore_mem>>)
      %dma_wait3A_120 = arith.constant 0 : i32
      %dma_wait3A_121 = tpu.memref_slice %arg11[%add3A_32, %dma_wait3A_120] : memref<10240x16xf32, #tpu.memory_space<vmem_shared>> -> memref<80x16xf32, #tpu.memory_space<vmem_shared>>
      %dma_wait3A_122 = arith.constant 0 : i32
      %dma_wait3A_123 = tpu.memref_slice %arg11[%add3A_32, %dma_wait3A_122] : memref<10240x16xf32, #tpu.memory_space<vmem_shared>> -> memref<80x16xf32, #tpu.memory_space<vmem_shared>>
      tpu.wait_dma2 semaphore(%run_scoped3A_115 : memref<!tpu.dma_semaphore, #tpu.memory_space<semaphore_mem>>) src(%arg10 : memref<80x16xf32, #tpu.memory_space<vmem>>) dst(%dma_wait3A_123 : memref<80x16xf32, #tpu.memory_space<vmem_shared>>)
      tpu.yield
    }) : () -> ()
    %add3A_33 = arith.constant 320 : i32
    %add3A_34 = arith.addi %mul3A_24, %add3A_33 : i32
    "tpu.region"() ({
      %run_scoped3A_115 = tpu.sem_alloc : memref<!tpu.dma_semaphore, #tpu.memory_space<semaphore_mem>>
      %dma_start3A_116 = arith.constant 0 : i32
      %dma_start3A_117 = tpu.memref_slice %arg11[%add3A_34, %dma_start3A_116] : memref<10240x16xf32, #tpu.memory_space<vmem_shared>> -> memref<80x16xf32, #tpu.memory_space<vmem_shared>>
      %dma_start3A_118 = arith.constant 0 : i32
      %dma_start3A_119 = tpu.memref_slice %arg11[%add3A_34, %dma_start3A_118] : memref<10240x16xf32, #tpu.memory_space<vmem_shared>> -> memref<80x16xf32, #tpu.memory_space<vmem_shared>>
      tpu.enqueue_dma source(%arg10 : memref<80x16xf32, #tpu.memory_space<vmem>>) target(%dma_start3A_119 : memref<80x16xf32, #tpu.memory_space<vmem_shared>>) target_semaphore(%run_scoped3A_115 : memref<!tpu.dma_semaphore, #tpu.memory_space<semaphore_mem>>)
      %dma_wait3A_120 = arith.constant 0 : i32
      %dma_wait3A_121 = tpu.memref_slice %arg11[%add3A_34, %dma_wait3A_120] : memref<10240x16xf32, #tpu.memory_space<vmem_shared>> -> memref<80x16xf32, #tpu.memory_space<vmem_shared>>
      %dma_wait3A_122 = arith.constant 0 : i32
      %dma_wait3A_123 = tpu.memref_slice %arg11[%add3A_34, %dma_wait3A_122] : memref<10240x16xf32, #tpu.memory_space<vmem_shared>> -> memref<80x16xf32, #tpu.memory_space<vmem_shared>>
      tpu.wait_dma2 semaphore(%run_scoped3A_115 : memref<!tpu.dma_semaphore, #tpu.memory_space<semaphore_mem>>) src(%arg10 : memref<80x16xf32, #tpu.memory_space<vmem>>) dst(%dma_wait3A_123 : memref<80x16xf32, #tpu.memory_space<vmem_shared>>)
      tpu.yield
    }) : () -> ()
    %add3A_35 = arith.constant 400 : i32
    %add3A_36 = arith.addi %mul3A_24, %add3A_35 : i32
    "tpu.region"() ({
      %run_scoped3A_115 = tpu.sem_alloc : memref<!tpu.dma_semaphore, #tpu.memory_space<semaphore_mem>>
      %dma_start3A_116 = arith.constant 0 : i32
      %dma_start3A_117 = tpu.memref_slice %arg11[%add3A_36, %dma_start3A_116] : memref<10240x16xf32, #tpu.memory_space<vmem_shared>> -> memref<80x16xf32, #tpu.memory_space<vmem_shared>>
      %dma_start3A_118 = arith.constant 0 : i32
      %dma_start3A_119 = tpu.memref_slice %arg11[%add3A_36, %dma_start3A_118] : memref<10240x16xf32, #tpu.memory_space<vmem_shared>> -> memref<80x16xf32, #tpu.memory_space<vmem_shared>>
      tpu.enqueue_dma source(%arg10 : memref<80x16xf32, #tpu.memory_space<vmem>>) target(%dma_start3A_119 : memref<80x16xf32, #tpu.memory_space<vmem_shared>>) target_semaphore(%run_scoped3A_115 : memref<!tpu.dma_semaphore, #tpu.memory_space<semaphore_mem>>)
      %dma_wait3A_120 = arith.constant 0 : i32
      %dma_wait3A_121 = tpu.memref_slice %arg11[%add3A_36, %dma_wait3A_120] : memref<10240x16xf32, #tpu.memory_space<vmem_shared>> -> memref<80x16xf32, #tpu.memory_space<vmem_shared>>
      %dma_wait3A_122 = arith.constant 0 : i32
      %dma_wait3A_123 = tpu.memref_slice %arg11[%add3A_36, %dma_wait3A_122] : memref<10240x16xf32, #tpu.memory_space<vmem_shared>> -> memref<80x16xf32, #tpu.memory_space<vmem_shared>>
      tpu.wait_dma2 semaphore(%run_scoped3A_115 : memref<!tpu.dma_semaphore, #tpu.memory_space<semaphore_mem>>) src(%arg10 : memref<80x16xf32, #tpu.memory_space<vmem>>) dst(%dma_wait3A_123 : memref<80x16xf32, #tpu.memory_space<vmem_shared>>)
      tpu.yield
    }) : () -> ()
    %add3A_37 = arith.constant 480 : i32
    %add3A_38 = arith.addi %mul3A_24, %add3A_37 : i32
    "tpu.region"() ({
      %run_scoped3A_115 = tpu.sem_alloc : memref<!tpu.dma_semaphore, #tpu.memory_space<semaphore_mem>>
      %dma_start3A_116 = arith.constant 0 : i32
      %dma_start3A_117 = tpu.memref_slice %arg11[%add3A_38, %dma_start3A_116] : memref<10240x16xf32, #tpu.memory_space<vmem_shared>> -> memref<80x16xf32, #tpu.memory_space<vmem_shared>>
      %dma_start3A_118 = arith.constant 0 : i32
      %dma_start3A_119 = tpu.memref_slice %arg11[%add3A_38, %dma_start3A_118] : memref<10240x16xf32, #tpu.memory_space<vmem_shared>> -> memref<80x16xf32, #tpu.memory_space<vmem_shared>>
      tpu.enqueue_dma source(%arg10 : memref<80x16xf32, #tpu.memory_space<vmem>>) target(%dma_start3A_119 : memref<80x16xf32, #tpu.memory_space<vmem_shared>>) target_semaphore(%run_scoped3A_115 : memref<!tpu.dma_semaphore, #tpu.memory_space<semaphore_mem>>)
      %dma_wait3A_120 = arith.constant 0 : i32
      %dma_wait3A_121 = tpu.memref_slice %arg11[%add3A_38, %dma_wait3A_120] : memref<10240x16xf32, #tpu.memory_space<vmem_shared>> -> memref<80x16xf32, #tpu.memory_space<vmem_shared>>
      %dma_wait3A_122 = arith.constant 0 : i32
      %dma_wait3A_123 = tpu.memref_slice %arg11[%add3A_38, %dma_wait3A_122] : memref<10240x16xf32, #tpu.memory_space<vmem_shared>> -> memref<80x16xf32, #tpu.memory_space<vmem_shared>>
      tpu.wait_dma2 semaphore(%run_scoped3A_115 : memref<!tpu.dma_semaphore, #tpu.memory_space<semaphore_mem>>) src(%arg10 : memref<80x16xf32, #tpu.memory_space<vmem>>) dst(%dma_wait3A_123 : memref<80x16xf32, #tpu.memory_space<vmem_shared>>)
      tpu.yield
    }) : () -> ()
    %add3A_39 = arith.constant 560 : i32
    %add3A_40 = arith.addi %mul3A_24, %add3A_39 : i32
    "tpu.region"() ({
      %run_scoped3A_115 = tpu.sem_alloc : memref<!tpu.dma_semaphore, #tpu.memory_space<semaphore_mem>>
      %dma_start3A_116 = arith.constant 0 : i32
      %dma_start3A_117 = tpu.memref_slice %arg11[%add3A_40, %dma_start3A_116] : memref<10240x16xf32, #tpu.memory_space<vmem_shared>> -> memref<80x16xf32, #tpu.memory_space<vmem_shared>>
      %dma_start3A_118 = arith.constant 0 : i32
      %dma_start3A_119 = tpu.memref_slice %arg11[%add3A_40, %dma_start3A_118] : memref<10240x16xf32, #tpu.memory_space<vmem_shared>> -> memref<80x16xf32, #tpu.memory_space<vmem_shared>>
      tpu.enqueue_dma source(%arg10 : memref<80x16xf32, #tpu.memory_space<vmem>>) target(%dma_start3A_119 : memref<80x16xf32, #tpu.memory_space<vmem_shared>>) target_semaphore(%run_scoped3A_115 : memref<!tpu.dma_semaphore, #tpu.memory_space<semaphore_mem>>)
      %dma_wait3A_120 = arith.constant 0 : i32
      %dma_wait3A_121 = tpu.memref_slice %arg11[%add3A_40, %dma_wait3A_120] : memref<10240x16xf32, #tpu.memory_space<vmem_shared>> -> memref<80x16xf32, #tpu.memory_space<vmem_shared>>
      %dma_wait3A_122 = arith.constant 0 : i32
      %dma_wait3A_123 = tpu.memref_slice %arg11[%add3A_40, %dma_wait3A_122] : memref<10240x16xf32, #tpu.memory_space<vmem_shared>> -> memref<80x16xf32, #tpu.memory_space<vmem_shared>>
      tpu.wait_dma2 semaphore(%run_scoped3A_115 : memref<!tpu.dma_semaphore, #tpu.memory_space<semaphore_mem>>) src(%arg10 : memref<80x16xf32, #tpu.memory_space<vmem>>) dst(%dma_wait3A_123 : memref<80x16xf32, #tpu.memory_space<vmem_shared>>)
      tpu.yield
    }) : () -> ()
    %barrier3A = arith.constant 0 : index
    tpu.barrier barrier_id(%barrier3A)
    %add3A_41 = arith.constant 0 : i32
    %add3A_42 = arith.addi %mul3A_2, %add3A_41 : i32
    %mul3A_43 = arith.constant 80 : i32
    %mul3A_44 = arith.muli %add3A_42, %mul3A_43 : i32
    %add3A_45 = arith.addi %mul3A_0, %mul3A_44 : i32
    %dma_wait3A = arith.constant 0 : i32
    %dma_wait3A_46 = tpu.memref_slice %arg3[%add3A_45, %dma_wait3A] : memref<320000x16xf32, #tpu.memory_space<hbm>> -> memref<80x16xf32, #tpu.memory_space<hbm>>
    %dma_wait3A_47 = arith.constant 0 : i32
    %dma_wait3A_48 = tpu.memref_slice %arg3[%add3A_45, %dma_wait3A_47] : memref<320000x16xf32, #tpu.memory_space<hbm>> -> memref<80x16xf32, #tpu.memory_space<hbm>>
    tpu.wait_dma2 semaphore(%arg12 : memref<!tpu.dma_semaphore, #tpu.memory_space<semaphore_mem>>) src(%dma_wait3A_48 : memref<80x16xf32, #tpu.memory_space<hbm>>) dst(%arg6 : memref<80x16xf32, #tpu.memory_space<vmem>>)
    %add3A_49 = arith.constant 0 : i32
    %add3A_50 = arith.addi %mul3A_2, %add3A_49 : i32
    %mul3A_51 = arith.constant 80 : i32
    %mul3A_52 = arith.muli %add3A_50, %mul3A_51 : i32
    %dma_start3A_53 = tpu.memref_slice %arg5[%mul3A_52] : memref<20000xi32, #tpu.memory_space<vmem>> -> memref<80xi32, #tpu.memory_space<vmem>>
    %dma_start3A_54 = arith.constant 0 : i32
    %dma_start3A_55 = arith.constant 0 : i32
    %dma_start3A_56 = tpu.memref_slice %arg11[%dma_start3A_54, %dma_start3A_55] : memref<10240x16xf32, #tpu.memory_space<vmem_shared>> -> memref<10240x16xf32, #tpu.memory_space<vmem_shared>>
    tpu.enqueue_indirect_dma source(%arg6 : memref<80x16xf32, #tpu.memory_space<vmem>>) target(%dma_start3A_56 : memref<10240x16xf32, #tpu.memory_space<vmem_shared>>) offsets(%dma_start3A_53 : memref<80xi32, #tpu.memory_space<vmem>>) semaphore(%arg12 : memref<!tpu.dma_semaphore, #tpu.memory_space<semaphore_mem>>) {add = true}
    %add3A_57 = arith.constant 2 : i32
    %add3A_58 = arith.addi %mul3A_2, %add3A_57 : i32
    %mul3A_59 = arith.constant 80 : i32
    %mul3A_60 = arith.muli %add3A_58, %mul3A_59 : i32
    %add3A_61 = arith.addi %mul3A_0, %mul3A_60 : i32
    %dma_start3A_62 = arith.constant 0 : i32
    %dma_start3A_63 = tpu.memref_slice %arg3[%add3A_61, %dma_start3A_62] : memref<320000x16xf32, #tpu.memory_space<hbm>> -> memref<80x16xf32, #tpu.memory_space<hbm>>
    %dma_start3A_64 = arith.constant 0 : i32
    %dma_start3A_65 = tpu.memref_slice %arg3[%add3A_61, %dma_start3A_64] : memref<320000x16xf32, #tpu.memory_space<hbm>> -> memref<80x16xf32, #tpu.memory_space<hbm>>
    tpu.enqueue_dma source(%dma_start3A_65 : memref<80x16xf32, #tpu.memory_space<hbm>>) target(%arg8 : memref<80x16xf32, #tpu.memory_space<vmem>>) target_semaphore(%arg14 : memref<!tpu.dma_semaphore, #tpu.memory_space<semaphore_mem>>)
    %add3A_66 = arith.constant 1 : i32
    %add3A_67 = arith.addi %mul3A_2, %add3A_66 : i32
    %mul3A_68 = arith.constant 80 : i32
    %mul3A_69 = arith.muli %add3A_67, %mul3A_68 : i32
    %add3A_70 = arith.addi %mul3A_0, %mul3A_69 : i32
    %dma_wait3A_71 = arith.constant 0 : i32
    %dma_wait3A_72 = tpu.memref_slice %arg3[%add3A_70, %dma_wait3A_71] : memref<320000x16xf32, #tpu.memory_space<hbm>> -> memref<80x16xf32, #tpu.memory_space<hbm>>
    %dma_wait3A_73 = arith.constant 0 : i32
    %dma_wait3A_74 = tpu.memref_slice %arg3[%add3A_70, %dma_wait3A_73] : memref<320000x16xf32, #tpu.memory_space<hbm>> -> memref<80x16xf32, #tpu.memory_space<hbm>>
    tpu.wait_dma2 semaphore(%arg13 : memref<!tpu.dma_semaphore, #tpu.memory_space<semaphore_mem>>) src(%dma_wait3A_74 : memref<80x16xf32, #tpu.memory_space<hbm>>) dst(%arg7 : memref<80x16xf32, #tpu.memory_space<vmem>>)
    %add3A_75 = arith.constant 1 : i32
    %add3A_76 = arith.addi %mul3A_2, %add3A_75 : i32
    %mul3A_77 = arith.constant 80 : i32
    %mul3A_78 = arith.muli %add3A_76, %mul3A_77 : i32
    %dma_start3A_79 = tpu.memref_slice %arg5[%mul3A_78] : memref<20000xi32, #tpu.memory_space<vmem>> -> memref<80xi32, #tpu.memory_space<vmem>>
    %dma_start3A_80 = arith.constant 0 : i32
    %dma_start3A_81 = arith.constant 0 : i32
    %dma_start3A_82 = tpu.memref_slice %arg11[%dma_start3A_80, %dma_start3A_81] : memref<10240x16xf32, #tpu.memory_space<vmem_shared>> -> memref<10240x16xf32, #tpu.memory_space<vmem_shared>>
    tpu.enqueue_indirect_dma source(%arg7 : memref<80x16xf32, #tpu.memory_space<vmem>>) target(%dma_start3A_82 : memref<10240x16xf32, #tpu.memory_space<vmem_shared>>) offsets(%dma_start3A_79 : memref<80xi32, #tpu.memory_space<vmem>>) semaphore(%arg13 : memref<!tpu.dma_semaphore, #tpu.memory_space<semaphore_mem>>) {add = true}
    %add3A_83 = arith.constant 3 : i32
    %add3A_84 = arith.addi %mul3A_2, %add3A_83 : i32
    %mul3A_85 = arith.constant 80 : i32
    %mul3A_86 = arith.muli %add3A_84, %mul3A_85 : i32
    %add3A_87 = arith.addi %mul3A_0, %mul3A_86 : i32
    %dma_start3A_88 = arith.constant 0 : i32
    %dma_start3A_89 = tpu.memref_slice %arg3[%add3A_87, %dma_start3A_88] : memref<320000x16xf32, #tpu.memory_space<hbm>> -> memref<80x16xf32, #tpu.memory_space<hbm>>
    %dma_start3A_90 = arith.constant 0 : i32
    %dma_start3A_91 = tpu.memref_slice %arg3[%add3A_87, %dma_start3A_90] : memref<320000x16xf32, #tpu.memory_space<hbm>> -> memref<80x16xf32, #tpu.memory_space<hbm>>
    tpu.enqueue_dma source(%dma_start3A_91 : memref<80x16xf32, #tpu.memory_space<hbm>>) target(%arg9 : memref<80x16xf32, #tpu.memory_space<vmem>>) target_semaphore(%arg15 : memref<!tpu.dma_semaphore, #tpu.memory_space<semaphore_mem>>)
    %scan3A_92 = arith.constant 0 : i32
    %scan3A_93 = arith.constant 0 : i32
    %scan3A_94 = arith.constant 32 : i32
    %scan3A_95 = arith.addi %scan3A_93, %scan3A_94 : i32
    %scan3A_96 = arith.constant 1 : i32
    scf.for %scan3A_115 = %scan3A_93 to %scan3A_95 step %scan3A_96  : i32 {
      %mul3A_116 = arith.constant 4 : i32
      %mul3A_117 = arith.muli %mul3A_116, %scan3A_115 : i32
      %add3A_118 = arith.constant 2 : i32
      %add3A_119 = arith.addi %mul3A_117, %add3A_118 : i32
      %add3A_120 = arith.constant 0 : i32
      %add3A_121 = arith.addi %add3A_119, %add3A_120 : i32
      %lt3A = arith.constant 125 : i32
      %lt3A_122 = arith.cmpi slt, %add3A_121, %lt3A : i32
      %convert_element_type3A = arith.extui %lt3A_122 : i1 to i32
      %cond3A = arith.constant 0 : i32
      %cond3A_123 = arith.cmpi ne, %convert_element_type3A, %cond3A : i32
      scf.if %cond3A_123 {
        %add3A_157 = arith.addi %mul3A_2, %add3A_121 : i32
        %mul3A_158 = arith.constant 80 : i32
        %mul3A_159 = arith.muli %add3A_157, %mul3A_158 : i32
        %add3A_160 = arith.addi %mul3A_0, %mul3A_159 : i32
        %dma_wait3A_161 = arith.constant 0 : i32
        %dma_wait3A_162 = tpu.memref_slice %arg3[%add3A_160, %dma_wait3A_161] : memref<320000x16xf32, #tpu.memory_space<hbm>> -> memref<80x16xf32, #tpu.memory_space<hbm>>
        %dma_wait3A_163 = arith.constant 0 : i32
        %dma_wait3A_164 = tpu.memref_slice %arg3[%add3A_160, %dma_wait3A_163] : memref<320000x16xf32, #tpu.memory_space<hbm>> -> memref<80x16xf32, #tpu.memory_space<hbm>>
        tpu.wait_dma2 semaphore(%arg14 : memref<!tpu.dma_semaphore, #tpu.memory_space<semaphore_mem>>) src(%dma_wait3A_164 : memref<80x16xf32, #tpu.memory_space<hbm>>) dst(%arg8 : memref<80x16xf32, #tpu.memory_space<vmem>>)
        %add3A_165 = arith.addi %mul3A_2, %add3A_121 : i32
        %mul3A_166 = arith.constant 80 : i32
        %mul3A_167 = arith.muli %add3A_165, %mul3A_166 : i32
        %dma_start3A_168 = tpu.memref_slice %arg5[%mul3A_167] : memref<20000xi32, #tpu.memory_space<vmem>> -> memref<80xi32, #tpu.memory_space<vmem>>
        %dma_start3A_169 = arith.constant 0 : i32
        %dma_start3A_170 = arith.constant 0 : i32
        %dma_start3A_171 = tpu.memref_slice %arg11[%dma_start3A_169, %dma_start3A_170] : memref<10240x16xf32, #tpu.memory_space<vmem_shared>> -> memref<10240x16xf32, #tpu.memory_space<vmem_shared>>
        tpu.enqueue_indirect_dma source(%arg8 : memref<80x16xf32, #tpu.memory_space<vmem>>) target(%dma_start3A_171 : memref<10240x16xf32, #tpu.memory_space<vmem_shared>>) offsets(%dma_start3A_168 : memref<80xi32, #tpu.memory_space<vmem>>) semaphore(%arg14 : memref<!tpu.dma_semaphore, #tpu.memory_space<semaphore_mem>>) {add = true}
        %sub3A = arith.constant 2 : i32
        %sub3A_172 = arith.subi %add3A_121, %sub3A : i32
        %add3A_173 = arith.addi %mul3A_2, %sub3A_172 : i32
        %mul3A_174 = arith.constant 80 : i32
        %mul3A_175 = arith.muli %add3A_173, %mul3A_174 : i32
        %dma_wait3A_176 = tpu.memref_slice %arg5[%mul3A_175] : memref<20000xi32, #tpu.memory_space<vmem>> -> memref<80xi32, #tpu.memory_space<vmem>>
        %dma_wait3A_177 = arith.constant 0 : i32
        %dma_wait3A_178 = arith.constant 0 : i32
        %dma_wait3A_179 = tpu.memref_slice %arg11[%dma_wait3A_177, %dma_wait3A_178] : memref<10240x16xf32, #tpu.memory_space<vmem_shared>> -> memref<10240x16xf32, #tpu.memory_space<vmem_shared>>
        tpu.wait_indirect_dma semaphore(%arg12 : memref<!tpu.dma_semaphore, #tpu.memory_space<semaphore_mem>>) src(%arg6 : memref<80x16xf32, #tpu.memory_space<vmem>>) dst(%dma_wait3A_179 : memref<10240x16xf32, #tpu.memory_space<vmem_shared>>)
        %add3A_180 = arith.constant 2 : i32
        %add3A_181 = arith.addi %add3A_121, %add3A_180 : i32
        %lt3A_182 = arith.constant 125 : i32
        %lt3A_183 = arith.cmpi slt, %add3A_181, %lt3A_182 : i32
        %convert_element_type3A_184 = arith.extui %lt3A_183 : i1 to i32
        %cond3A_185 = arith.constant 0 : i32
        %cond3A_186 = arith.cmpi ne, %convert_element_type3A_184, %cond3A_185 : i32
        scf.if %cond3A_186 {
          %add3A_187 = arith.addi %mul3A_2, %add3A_121 : i32
          %add3A_188 = arith.constant 2 : i32
          %add3A_189 = arith.addi %add3A_187, %add3A_188 : i32
          %mul3A_190 = arith.constant 80 : i32
          %mul3A_191 = arith.muli %add3A_189, %mul3A_190 : i32
          %add3A_192 = arith.addi %mul3A_0, %mul3A_191 : i32
          %dma_start3A_193 = arith.constant 0 : i32
          %dma_start3A_194 = tpu.memref_slice %arg3[%add3A_192, %dma_start3A_193] : memref<320000x16xf32, #tpu.memory_space<hbm>> -> memref<80x16xf32, #tpu.memory_space<hbm>>
          %dma_start3A_195 = arith.constant 0 : i32
          %dma_start3A_196 = tpu.memref_slice %arg3[%add3A_192, %dma_start3A_195] : memref<320000x16xf32, #tpu.memory_space<hbm>> -> memref<80x16xf32, #tpu.memory_space<hbm>>
          tpu.enqueue_dma source(%dma_start3A_196 : memref<80x16xf32, #tpu.memory_space<hbm>>) target(%arg6 : memref<80x16xf32, #tpu.memory_space<vmem>>) target_semaphore(%arg12 : memref<!tpu.dma_semaphore, #tpu.memory_space<semaphore_mem>>)
        } else {
        }
      } else {
      }
      %mul3A_124 = arith.constant 4 : i32
      %mul3A_125 = arith.muli %mul3A_124, %scan3A_115 : i32
      %add3A_126 = arith.constant 2 : i32
      %add3A_127 = arith.addi %mul3A_125, %add3A_126 : i32
      %add3A_128 = arith.constant 1 : i32
      %add3A_129 = arith.addi %add3A_127, %add3A_128 : i32
      %lt3A_130 = arith.constant 125 : i32
      %lt3A_131 = arith.cmpi slt, %add3A_129, %lt3A_130 : i32
      %convert_element_type3A_132 = arith.extui %lt3A_131 : i1 to i32
      %cond3A_133 = arith.constant 0 : i32
      %cond3A_134 = arith.cmpi ne, %convert_element_type3A_132, %cond3A_133 : i32
      scf.if %cond3A_134 {
        %add3A_157 = arith.addi %mul3A_2, %add3A_129 : i32
        %mul3A_158 = arith.constant 80 : i32
        %mul3A_159 = arith.muli %add3A_157, %mul3A_158 : i32
        %add3A_160 = arith.addi %mul3A_0, %mul3A_159 : i32
        %dma_wait3A_161 = arith.constant 0 : i32
        %dma_wait3A_162 = tpu.memref_slice %arg3[%add3A_160, %dma_wait3A_161] : memref<320000x16xf32, #tpu.memory_space<hbm>> -> memref<80x16xf32, #tpu.memory_space<hbm>>
        %dma_wait3A_163 = arith.constant 0 : i32
        %dma_wait3A_164 = tpu.memref_slice %arg3[%add3A_160, %dma_wait3A_163] : memref<320000x16xf32, #tpu.memory_space<hbm>> -> memref<80x16xf32, #tpu.memory_space<hbm>>
        tpu.wait_dma2 semaphore(%arg15 : memref<!tpu.dma_semaphore, #tpu.memory_space<semaphore_mem>>) src(%dma_wait3A_164 : memref<80x16xf32, #tpu.memory_space<hbm>>) dst(%arg9 : memref<80x16xf32, #tpu.memory_space<vmem>>)
        %add3A_165 = arith.addi %mul3A_2, %add3A_129 : i32
        %mul3A_166 = arith.constant 80 : i32
        %mul3A_167 = arith.muli %add3A_165, %mul3A_166 : i32
        %dma_start3A_168 = tpu.memref_slice %arg5[%mul3A_167] : memref<20000xi32, #tpu.memory_space<vmem>> -> memref<80xi32, #tpu.memory_space<vmem>>
        %dma_start3A_169 = arith.constant 0 : i32
        %dma_start3A_170 = arith.constant 0 : i32
        %dma_start3A_171 = tpu.memref_slice %arg11[%dma_start3A_169, %dma_start3A_170] : memref<10240x16xf32, #tpu.memory_space<vmem_shared>> -> memref<10240x16xf32, #tpu.memory_space<vmem_shared>>
        tpu.enqueue_indirect_dma source(%arg9 : memref<80x16xf32, #tpu.memory_space<vmem>>) target(%dma_start3A_171 : memref<10240x16xf32, #tpu.memory_space<vmem_shared>>) offsets(%dma_start3A_168 : memref<80xi32, #tpu.memory_space<vmem>>) semaphore(%arg15 : memref<!tpu.dma_semaphore, #tpu.memory_space<semaphore_mem>>) {add = true}
        %sub3A = arith.constant 2 : i32
        %sub3A_172 = arith.subi %add3A_129, %sub3A : i32
        %add3A_173 = arith.addi %mul3A_2, %sub3A_172 : i32
        %mul3A_174 = arith.constant 80 : i32
        %mul3A_175 = arith.muli %add3A_173, %mul3A_174 : i32
        %dma_wait3A_176 = tpu.memref_slice %arg5[%mul3A_175] : memref<20000xi32, #tpu.memory_space<vmem>> -> memref<80xi32, #tpu.memory_space<vmem>>
        %dma_wait3A_177 = arith.constant 0 : i32
        %dma_wait3A_178 = arith.constant 0 : i32
        %dma_wait3A_179 = tpu.memref_slice %arg11[%dma_wait3A_177, %dma_wait3A_178] : memref<10240x16xf32, #tpu.memory_space<vmem_shared>> -> memref<10240x16xf32, #tpu.memory_space<vmem_shared>>
        tpu.wait_indirect_dma semaphore(%arg13 : memref<!tpu.dma_semaphore, #tpu.memory_space<semaphore_mem>>) src(%arg7 : memref<80x16xf32, #tpu.memory_space<vmem>>) dst(%dma_wait3A_179 : memref<10240x16xf32, #tpu.memory_space<vmem_shared>>)
        %add3A_180 = arith.constant 2 : i32
        %add3A_181 = arith.addi %add3A_129, %add3A_180 : i32
        %lt3A_182 = arith.constant 125 : i32
        %lt3A_183 = arith.cmpi slt, %add3A_181, %lt3A_182 : i32
        %convert_element_type3A_184 = arith.extui %lt3A_183 : i1 to i32
        %cond3A_185 = arith.constant 0 : i32
        %cond3A_186 = arith.cmpi ne, %convert_element_type3A_184, %cond3A_185 : i32
        scf.if %cond3A_186 {
          %add3A_187 = arith.addi %mul3A_2, %add3A_129 : i32
          %add3A_188 = arith.constant 2 : i32
          %add3A_189 = arith.addi %add3A_187, %add3A_188 : i32
          %mul3A_190 = arith.constant 80 : i32
          %mul3A_191 = arith.muli %add3A_189, %mul3A_190 : i32
          %add3A_192 = arith.addi %mul3A_0, %mul3A_191 : i32
          %dma_start3A_193 = arith.constant 0 : i32
          %dma_start3A_194 = tpu.memref_slice %arg3[%add3A_192, %dma_start3A_193] : memref<320000x16xf32, #tpu.memory_space<hbm>> -> memref<80x16xf32, #tpu.memory_space<hbm>>
          %dma_start3A_195 = arith.constant 0 : i32
          %dma_start3A_196 = tpu.memref_slice %arg3[%add3A_192, %dma_start3A_195] : memref<320000x16xf32, #tpu.memory_space<hbm>> -> memref<80x16xf32, #tpu.memory_space<hbm>>
          tpu.enqueue_dma source(%dma_start3A_196 : memref<80x16xf32, #tpu.memory_space<hbm>>) target(%arg7 : memref<80x16xf32, #tpu.memory_space<vmem>>) target_semaphore(%arg13 : memref<!tpu.dma_semaphore, #tpu.memory_space<semaphore_mem>>)
        } else {
        }
      } else {
      }
      %mul3A_135 = arith.constant 4 : i32
      %mul3A_136 = arith.muli %mul3A_135, %scan3A_115 : i32
      %add3A_137 = arith.constant 2 : i32
      %add3A_138 = arith.addi %mul3A_136, %add3A_137 : i32
      %add3A_139 = arith.constant 2 : i32
      %add3A_140 = arith.addi %add3A_138, %add3A_139 : i32
      %lt3A_141 = arith.constant 125 : i32
      %lt3A_142 = arith.cmpi slt, %add3A_140, %lt3A_141 : i32
      %convert_element_type3A_143 = arith.extui %lt3A_142 : i1 to i32
      %cond3A_144 = arith.constant 0 : i32
      %cond3A_145 = arith.cmpi ne, %convert_element_type3A_143, %cond3A_144 : i32
      scf.if %cond3A_145 {
        %add3A_157 = arith.addi %mul3A_2, %add3A_140 : i32
        %mul3A_158 = arith.constant 80 : i32
        %mul3A_159 = arith.muli %add3A_157, %mul3A_158 : i32
        %add3A_160 = arith.addi %mul3A_0, %mul3A_159 : i32
        %dma_wait3A_161 = arith.constant 0 : i32
        %dma_wait3A_162 = tpu.memref_slice %arg3[%add3A_160, %dma_wait3A_161] : memref<320000x16xf32, #tpu.memory_space<hbm>> -> memref<80x16xf32, #tpu.memory_space<hbm>>
        %dma_wait3A_163 = arith.constant 0 : i32
        %dma_wait3A_164 = tpu.memref_slice %arg3[%add3A_160, %dma_wait3A_163] : memref<320000x16xf32, #tpu.memory_space<hbm>> -> memref<80x16xf32, #tpu.memory_space<hbm>>
        tpu.wait_dma2 semaphore(%arg12 : memref<!tpu.dma_semaphore, #tpu.memory_space<semaphore_mem>>) src(%dma_wait3A_164 : memref<80x16xf32, #tpu.memory_space<hbm>>) dst(%arg6 : memref<80x16xf32, #tpu.memory_space<vmem>>)
        %add3A_165 = arith.addi %mul3A_2, %add3A_140 : i32
        %mul3A_166 = arith.constant 80 : i32
        %mul3A_167 = arith.muli %add3A_165, %mul3A_166 : i32
        %dma_start3A_168 = tpu.memref_slice %arg5[%mul3A_167] : memref<20000xi32, #tpu.memory_space<vmem>> -> memref<80xi32, #tpu.memory_space<vmem>>
        %dma_start3A_169 = arith.constant 0 : i32
        %dma_start3A_170 = arith.constant 0 : i32
        %dma_start3A_171 = tpu.memref_slice %arg11[%dma_start3A_169, %dma_start3A_170] : memref<10240x16xf32, #tpu.memory_space<vmem_shared>> -> memref<10240x16xf32, #tpu.memory_space<vmem_shared>>
        tpu.enqueue_indirect_dma source(%arg6 : memref<80x16xf32, #tpu.memory_space<vmem>>) target(%dma_start3A_171 : memref<10240x16xf32, #tpu.memory_space<vmem_shared>>) offsets(%dma_start3A_168 : memref<80xi32, #tpu.memory_space<vmem>>) semaphore(%arg12 : memref<!tpu.dma_semaphore, #tpu.memory_space<semaphore_mem>>) {add = true}
        %sub3A = arith.constant 2 : i32
        %sub3A_172 = arith.subi %add3A_140, %sub3A : i32
        %add3A_173 = arith.addi %mul3A_2, %sub3A_172 : i32
        %mul3A_174 = arith.constant 80 : i32
        %mul3A_175 = arith.muli %add3A_173, %mul3A_174 : i32
        %dma_wait3A_176 = tpu.memref_slice %arg5[%mul3A_175] : memref<20000xi32, #tpu.memory_space<vmem>> -> memref<80xi32, #tpu.memory_space<vmem>>
        %dma_wait3A_177 = arith.constant 0 : i32
        %dma_wait3A_178 = arith.constant 0 : i32
        %dma_wait3A_179 = tpu.memref_slice %arg11[%dma_wait3A_177, %dma_wait3A_178] : memref<10240x16xf32, #tpu.memory_space<vmem_shared>> -> memref<10240x16xf32, #tpu.memory_space<vmem_shared>>
        tpu.wait_indirect_dma semaphore(%arg14 : memref<!tpu.dma_semaphore, #tpu.memory_space<semaphore_mem>>) src(%arg8 : memref<80x16xf32, #tpu.memory_space<vmem>>) dst(%dma_wait3A_179 : memref<10240x16xf32, #tpu.memory_space<vmem_shared>>)
        %add3A_180 = arith.constant 2 : i32
        %add3A_181 = arith.addi %add3A_140, %add3A_180 : i32
        %lt3A_182 = arith.constant 125 : i32
        %lt3A_183 = arith.cmpi slt, %add3A_181, %lt3A_182 : i32
        %convert_element_type3A_184 = arith.extui %lt3A_183 : i1 to i32
        %cond3A_185 = arith.constant 0 : i32
        %cond3A_186 = arith.cmpi ne, %convert_element_type3A_184, %cond3A_185 : i32
        scf.if %cond3A_186 {
          %add3A_187 = arith.addi %mul3A_2, %add3A_140 : i32
          %add3A_188 = arith.constant 2 : i32
          %add3A_189 = arith.addi %add3A_187, %add3A_188 : i32
          %mul3A_190 = arith.constant 80 : i32
          %mul3A_191 = arith.muli %add3A_189, %mul3A_190 : i32
          %add3A_192 = arith.addi %mul3A_0, %mul3A_191 : i32
          %dma_start3A_193 = arith.constant 0 : i32
          %dma_start3A_194 = tpu.memref_slice %arg3[%add3A_192, %dma_start3A_193] : memref<320000x16xf32, #tpu.memory_space<hbm>> -> memref<80x16xf32, #tpu.memory_space<hbm>>
          %dma_start3A_195 = arith.constant 0 : i32
          %dma_start3A_196 = tpu.memref_slice %arg3[%add3A_192, %dma_start3A_195] : memref<320000x16xf32, #tpu.memory_space<hbm>> -> memref<80x16xf32, #tpu.memory_space<hbm>>
          tpu.enqueue_dma source(%dma_start3A_196 : memref<80x16xf32, #tpu.memory_space<hbm>>) target(%arg8 : memref<80x16xf32, #tpu.memory_space<vmem>>) target_semaphore(%arg14 : memref<!tpu.dma_semaphore, #tpu.memory_space<semaphore_mem>>)
        } else {
        }
      } else {
      }
      %mul3A_146 = arith.constant 4 : i32
      %mul3A_147 = arith.muli %mul3A_146, %scan3A_115 : i32
      %add3A_148 = arith.constant 2 : i32
      %add3A_149 = arith.addi %mul3A_147, %add3A_148 : i32
      %add3A_150 = arith.constant 3 : i32
      %add3A_151 = arith.addi %add3A_149, %add3A_150 : i32
      %lt3A_152 = arith.constant 125 : i32
      %lt3A_153 = arith.cmpi slt, %add3A_151, %lt3A_152 : i32
      %convert_element_type3A_154 = arith.extui %lt3A_153 : i1 to i32
      %cond3A_155 = arith.constant 0 : i32
      %cond3A_156 = arith.cmpi ne, %convert_element_type3A_154, %cond3A_155 : i32
      scf.if %cond3A_156 {
        %add3A_157 = arith.addi %mul3A_2, %add3A_151 : i32
        %mul3A_158 = arith.constant 80 : i32
        %mul3A_159 = arith.muli %add3A_157, %mul3A_158 : i32
        %add3A_160 = arith.addi %mul3A_0, %mul3A_159 : i32
        %dma_wait3A_161 = arith.constant 0 : i32
        %dma_wait3A_162 = tpu.memref_slice %arg3[%add3A_160, %dma_wait3A_161] : memref<320000x16xf32, #tpu.memory_space<hbm>> -> memref<80x16xf32, #tpu.memory_space<hbm>>
        %dma_wait3A_163 = arith.constant 0 : i32
        %dma_wait3A_164 = tpu.memref_slice %arg3[%add3A_160, %dma_wait3A_163] : memref<320000x16xf32, #tpu.memory_space<hbm>> -> memref<80x16xf32, #tpu.memory_space<hbm>>
        tpu.wait_dma2 semaphore(%arg13 : memref<!tpu.dma_semaphore, #tpu.memory_space<semaphore_mem>>) src(%dma_wait3A_164 : memref<80x16xf32, #tpu.memory_space<hbm>>) dst(%arg7 : memref<80x16xf32, #tpu.memory_space<vmem>>)
        %add3A_165 = arith.addi %mul3A_2, %add3A_151 : i32
        %mul3A_166 = arith.constant 80 : i32
        %mul3A_167 = arith.muli %add3A_165, %mul3A_166 : i32
        %dma_start3A_168 = tpu.memref_slice %arg5[%mul3A_167] : memref<20000xi32, #tpu.memory_space<vmem>> -> memref<80xi32, #tpu.memory_space<vmem>>
        %dma_start3A_169 = arith.constant 0 : i32
        %dma_start3A_170 = arith.constant 0 : i32
        %dma_start3A_171 = tpu.memref_slice %arg11[%dma_start3A_169, %dma_start3A_170] : memref<10240x16xf32, #tpu.memory_space<vmem_shared>> -> memref<10240x16xf32, #tpu.memory_space<vmem_shared>>
        tpu.enqueue_indirect_dma source(%arg7 : memref<80x16xf32, #tpu.memory_space<vmem>>) target(%dma_start3A_171 : memref<10240x16xf32, #tpu.memory_space<vmem_shared>>) offsets(%dma_start3A_168 : memref<80xi32, #tpu.memory_space<vmem>>) semaphore(%arg13 : memref<!tpu.dma_semaphore, #tpu.memory_space<semaphore_mem>>) {add = true}
        %sub3A = arith.constant 2 : i32
        %sub3A_172 = arith.subi %add3A_151, %sub3A : i32
        %add3A_173 = arith.addi %mul3A_2, %sub3A_172 : i32
        %mul3A_174 = arith.constant 80 : i32
        %mul3A_175 = arith.muli %add3A_173, %mul3A_174 : i32
        %dma_wait3A_176 = tpu.memref_slice %arg5[%mul3A_175] : memref<20000xi32, #tpu.memory_space<vmem>> -> memref<80xi32, #tpu.memory_space<vmem>>
        %dma_wait3A_177 = arith.constant 0 : i32
        %dma_wait3A_178 = arith.constant 0 : i32
        %dma_wait3A_179 = tpu.memref_slice %arg11[%dma_wait3A_177, %dma_wait3A_178] : memref<10240x16xf32, #tpu.memory_space<vmem_shared>> -> memref<10240x16xf32, #tpu.memory_space<vmem_shared>>
        tpu.wait_indirect_dma semaphore(%arg15 : memref<!tpu.dma_semaphore, #tpu.memory_space<semaphore_mem>>) src(%arg9 : memref<80x16xf32, #tpu.memory_space<vmem>>) dst(%dma_wait3A_179 : memref<10240x16xf32, #tpu.memory_space<vmem_shared>>)
        %add3A_180 = arith.constant 2 : i32
        %add3A_181 = arith.addi %add3A_151, %add3A_180 : i32
        %lt3A_182 = arith.constant 125 : i32
        %lt3A_183 = arith.cmpi slt, %add3A_181, %lt3A_182 : i32
        %convert_element_type3A_184 = arith.extui %lt3A_183 : i1 to i32
        %cond3A_185 = arith.constant 0 : i32
        %cond3A_186 = arith.cmpi ne, %convert_element_type3A_184, %cond3A_185 : i32
        scf.if %cond3A_186 {
          %add3A_187 = arith.addi %mul3A_2, %add3A_151 : i32
          %add3A_188 = arith.constant 2 : i32
          %add3A_189 = arith.addi %add3A_187, %add3A_188 : i32
          %mul3A_190 = arith.constant 80 : i32
          %mul3A_191 = arith.muli %add3A_189, %mul3A_190 : i32
          %add3A_192 = arith.addi %mul3A_0, %mul3A_191 : i32
          %dma_start3A_193 = arith.constant 0 : i32
          %dma_start3A_194 = tpu.memref_slice %arg3[%add3A_192, %dma_start3A_193] : memref<320000x16xf32, #tpu.memory_space<hbm>> -> memref<80x16xf32, #tpu.memory_space<hbm>>
          %dma_start3A_195 = arith.constant 0 : i32
          %dma_start3A_196 = tpu.memref_slice %arg3[%add3A_192, %dma_start3A_195] : memref<320000x16xf32, #tpu.memory_space<hbm>> -> memref<80x16xf32, #tpu.memory_space<hbm>>
          tpu.enqueue_dma source(%dma_start3A_196 : memref<80x16xf32, #tpu.memory_space<hbm>>) target(%arg9 : memref<80x16xf32, #tpu.memory_space<vmem>>) target_semaphore(%arg15 : memref<!tpu.dma_semaphore, #tpu.memory_space<semaphore_mem>>)
        } else {
        }
      } else {
      }
    }
    %scan3A_97 = arith.constant 32 : i32
    %add3A_98 = arith.constant 123 : i32
    %add3A_99 = arith.addi %mul3A_2, %add3A_98 : i32
    %mul3A_100 = arith.constant 80 : i32
    %mul3A_101 = arith.muli %add3A_99, %mul3A_100 : i32
    %dma_wait3A_102 = tpu.memref_slice %arg5[%mul3A_101] : memref<20000xi32, #tpu.memory_space<vmem>> -> memref<80xi32, #tpu.memory_space<vmem>>
    %dma_wait3A_103 = arith.constant 0 : i32
    %dma_wait3A_104 = arith.constant 0 : i32
    %dma_wait3A_105 = tpu.memref_slice %arg11[%dma_wait3A_103, %dma_wait3A_104] : memref<10240x16xf32, #tpu.memory_space<vmem_shared>> -> memref<10240x16xf32, #tpu.memory_space<vmem_shared>>
    tpu.wait_indirect_dma semaphore(%arg15 : memref<!tpu.dma_semaphore, #tpu.memory_space<semaphore_mem>>) src(%arg9 : memref<80x16xf32, #tpu.memory_space<vmem>>) dst(%dma_wait3A_105 : memref<10240x16xf32, #tpu.memory_space<vmem_shared>>)
    %add3A_106 = arith.constant 124 : i32
    %add3A_107 = arith.addi %mul3A_2, %add3A_106 : i32
    %mul3A_108 = arith.constant 80 : i32
    %mul3A_109 = arith.muli %add3A_107, %mul3A_108 : i32
    %dma_wait3A_110 = tpu.memref_slice %arg5[%mul3A_109] : memref<20000xi32, #tpu.memory_space<vmem>> -> memref<80xi32, #tpu.memory_space<vmem>>
    %dma_wait3A_111 = arith.constant 0 : i32
    %dma_wait3A_112 = arith.constant 0 : i32
    %dma_wait3A_113 = tpu.memref_slice %arg11[%dma_wait3A_111, %dma_wait3A_112] : memref<10240x16xf32, #tpu.memory_space<vmem_shared>> -> memref<10240x16xf32, #tpu.memory_space<vmem_shared>>
    tpu.wait_indirect_dma semaphore(%arg12 : memref<!tpu.dma_semaphore, #tpu.memory_space<semaphore_mem>>) src(%arg6 : memref<80x16xf32, #tpu.memory_space<vmem>>) dst(%dma_wait3A_113 : memref<10240x16xf32, #tpu.memory_space<vmem_shared>>)
    %barrier3A_114 = arith.constant 0 : index
    tpu.barrier barrier_id(%barrier3A_114)
    "tpu.region"() ({
      %run_scoped3A_115 = tpu.sem_alloc : memref<!tpu.dma_semaphore, #tpu.memory_space<semaphore_mem>>
      %dma_start3A_116 = arith.constant 0 : i32
      %dma_start3A_117 = tpu.memref_slice %arg4[%arg0, %mul3A_24, %dma_start3A_116] : memref<2x10240x16xf32, #tpu.memory_space<hbm>> -> memref<1x640x16xf32, #tpu.memory_space<hbm>>
      %dma_start3A_118 = tpu.memref_squeeze %dma_start3A_117 : memref<1x640x16xf32, #tpu.memory_space<hbm>> -> memref<640x16xf32, #tpu.memory_space<hbm>>
      %dma_start3A_119 = arith.constant 0 : i32
      %dma_start3A_120 = tpu.memref_slice %arg11[%mul3A_24, %dma_start3A_119] : memref<10240x16xf32, #tpu.memory_space<vmem_shared>> -> memref<640x16xf32, #tpu.memory_space<vmem_shared>>
      tpu.enqueue_dma source(%dma_start3A_120 : memref<640x16xf32, #tpu.memory_space<vmem_shared>>) target(%dma_start3A_118 : memref<640x16xf32, #tpu.memory_space<hbm>>) target_semaphore(%run_scoped3A_115 : memref<!tpu.dma_semaphore, #tpu.memory_space<semaphore_mem>>)
      %dma_wait3A_121 = arith.constant 0 : i32
      %dma_wait3A_122 = tpu.memref_slice %arg4[%arg0, %mul3A_24, %dma_wait3A_121] : memref<2x10240x16xf32, #tpu.memory_space<hbm>> -> memref<1x640x16xf32, #tpu.memory_space<hbm>>
      %dma_wait3A_123 = tpu.memref_squeeze %dma_wait3A_122 : memref<1x640x16xf32, #tpu.memory_space<hbm>> -> memref<640x16xf32, #tpu.memory_space<hbm>>
      %dma_wait3A_124 = arith.constant 0 : i32
      %dma_wait3A_125 = tpu.memref_slice %arg11[%mul3A_24, %dma_wait3A_124] : memref<10240x16xf32, #tpu.memory_space<vmem_shared>> -> memref<640x16xf32, #tpu.memory_space<vmem_shared>>
      tpu.wait_dma2 semaphore(%run_scoped3A_115 : memref<!tpu.dma_semaphore, #tpu.memory_space<semaphore_mem>>) src(%dma_wait3A_125 : memref<640x16xf32, #tpu.memory_space<vmem_shared>>) dst(%dma_wait3A_123 : memref<640x16xf32, #tpu.memory_space<hbm>>)
      tpu.yield
    }) : () -> ()
    return
  }
}

module attributes {stable_mosaic.version = 14 : i64} {
  func.func @body(%arg0: i32, %arg1: memref<1000x128xf32, #tpu.memory_space<vmem>>, %arg2: memref<128x128xf32, #tpu.memory_space<vmem>>, %arg3: memref<1x128xf32, #tpu.memory_space<vmem>>, %arg4: memref<1000x128xf32, #tpu.memory_space<vmem>>) attributes {dimension_semantics = [#tpu.dimension_semantics<arbitrary>], iteration_bounds = array<i64: 10>, scalar_prefetch = 0 : i64, scratch_operands = 0 : i64, tpu.core_type = #tpu.core_type<tc>, window_params = [{transform_indices = @transform_0, window_bounds = array<i64: 1000, 128>}, {pipeline_mode = #tpu.pipeline_mode<synchronous>, transform_indices = @transform_1, window_bounds = array<i64: 128, 128>}, {pipeline_mode = #tpu.pipeline_mode<synchronous>, transform_indices = @transform_2, window_bounds = array<i64: 1, 128>}, {transform_indices = @transform_3, window_bounds = array<i64: 1000, 128>}]} {
    %get3A = arith.constant 0 : index
    %get3A_0 = arith.constant 0 : index
    %get3A_1 = vector.load %arg1[%get3A, %get3A_0] : memref<1000x128xf32, #tpu.memory_space<vmem>>, vector<1000x128xf32>
    %get3A_2 = arith.constant 0 : index
    %get3A_3 = arith.constant 0 : index
    %get3A_4 = vector.load %arg2[%get3A_2, %get3A_3] : memref<128x128xf32, #tpu.memory_space<vmem>>, vector<128x128xf32>
    %dot_general3A = arith.constant dense<0.000000e+00> : vector<1000x128xf32>
    %dot_general3A_5 = tpu.matmul %get3A_1, %get3A_4, %dot_general3A {dimension_numbers = #tpu.dot_dimension_numbers<[1], [0], [0], [1], [0, 0, 1, 1], [], []>, transpose_lhs_hint = false} : vector<1000x128xf32>, vector<128x128xf32>, vector<1000x128xf32> -> vector<1000x128xf32>
    %get3A_6 = arith.constant 0 : index
    %get3A_7 = arith.constant 0 : index
    %get3A_8 = vector.load %arg3[%get3A_6, %get3A_7] : memref<1x128xf32, #tpu.memory_space<vmem>>, vector<1x128xf32>
    %add3A = vector.broadcast %get3A_8 : vector<1x128xf32> to vector<1000x128xf32>
    %add3A_9 = arith.addf %dot_general3A_5, %add3A : vector<1000x128xf32>
    %swap3A = arith.constant 0 : index
    %swap3A_10 = arith.constant 0 : index
    %swap3A_11 = vector.load %arg4[%swap3A, %swap3A_10] : memref<1000x128xf32, #tpu.memory_space<vmem>>, vector<1000x128xf32>
    tpu.vector_store %arg4[%swap3A, %swap3A_10], %add3A_9 {strides = array<i32>} : memref<1000x128xf32, #tpu.memory_space<vmem>>, vector<1000x128xf32>,
    return
  }
  func.func @transform_0(%arg0: i32) -> (i32, i32) {
    %c0_i32 = arith.constant 0 : i32
    %c0_i32_0 = arith.constant 0 : i32
    return %arg0, %c0_i32 : i32, i32
  }
  func.func @transform_1(%arg0: i32) -> (i32, i32) {
    %c0_i32 = arith.constant 0 : i32
    %c0_i32_0 = arith.constant 0 : i32
    %c0_i32_1 = arith.constant 0 : i32
    return %c0_i32, %c0_i32_0 : i32, i32
  }
  func.func @transform_2(%arg0: i32) -> (i32, i32) {
    %c0_i32 = arith.constant 0 : i32
    %c0_i32_0 = arith.constant 0 : i32
    %c0_i32_1 = arith.constant 0 : i32
    return %c0_i32, %c0_i32_0 : i32, i32
  }
  func.func @transform_3(%arg0: i32) -> (i32, i32) {
    %c0_i32 = arith.constant 0 : i32
    %c0_i32_0 = arith.constant 0 : i32
    return %arg0, %c0_i32 : i32, i32
  }
}

module attributes {stable_mosaic.version = 14 : i64} {
  func.func @body(%arg0: i32, %arg1: memref<1000x128xf32, #tpu.memory_space<vmem>>, %arg2: memref<2x1000x64xf32, #tpu.memory_space<vmem>>, %arg3: memref<2x1000x16xf32, #tpu.memory_space<vmem>>, %arg4: memref<2x1000x16xf32, #tpu.memory_space<vmem>>, %arg5: memref<144x128xf32, #tpu.memory_space<vmem>>, %arg6: memref<1000x128xf32, #tpu.memory_space<vmem>>) attributes {dimension_semantics = [#tpu.dimension_semantics<arbitrary>], iteration_bounds = array<i64: 10>, scalar_prefetch = 0 : i64, scratch_operands = 0 : i64, tpu.core_type = #tpu.core_type<tc>, window_params = [{transform_indices = @transform_0, window_bounds = array<i64: 1000, 128>}, {transform_indices = @transform_1, window_bounds = array<i64: 2, 1000, 64>}, {transform_indices = @transform_2, window_bounds = array<i64: 2, 1000, 16>}, {transform_indices = @transform_3, window_bounds = array<i64: 2, 1000, 16>}, {pipeline_mode = #tpu.pipeline_mode<synchronous>, transform_indices = @transform_4, window_bounds = array<i64: 144, 128>}, {transform_indices = @transform_5, window_bounds = array<i64: 1000, 128>}]} {
    %get3A = arith.constant 0 : index
    %get3A_0 = arith.constant 0 : index
    %get3A_1 = arith.constant 0 : index
    %get3A_2 = vector.load %arg3[%get3A, %get3A_0, %get3A_1] : memref<2x1000x16xf32, #tpu.memory_space<vmem>>, vector<1x1000x1xf32>
    %get3A_3 = vector.shape_cast %get3A_2 : vector<1x1000x1xf32> to vector<1000x1xf32>
    %get3A_4 = arith.constant 1 : index
    %get3A_5 = arith.constant 0 : index
    %get3A_6 = arith.constant 0 : index
    %get3A_7 = vector.load %arg3[%get3A_4, %get3A_5, %get3A_6] : memref<2x1000x16xf32, #tpu.memory_space<vmem>>, vector<1x1000x1xf32>
    %get3A_8 = vector.shape_cast %get3A_7 : vector<1x1000x1xf32> to vector<1000x1xf32>
    %add3A = arith.addf %get3A_3, %get3A_8 : vector<1000x1xf32>
    %get3A_9 = arith.constant 0 : index
    %get3A_10 = arith.constant 0 : index
    %get3A_11 = arith.constant 0 : index
    %get3A_12 = vector.load %arg4[%get3A_9, %get3A_10, %get3A_11] : memref<2x1000x16xf32, #tpu.memory_space<vmem>>, vector<1x1000x16xf32>
    %get3A_13 = vector.shape_cast %get3A_12 : vector<1x1000x16xf32> to vector<1000x16xf32>
    %get3A_14 = arith.constant 1 : index
    %get3A_15 = arith.constant 0 : index
    %get3A_16 = arith.constant 0 : index
    %get3A_17 = vector.load %arg4[%get3A_14, %get3A_15, %get3A_16] : memref<2x1000x16xf32, #tpu.memory_space<vmem>>, vector<1x1000x16xf32>
    %get3A_18 = vector.shape_cast %get3A_17 : vector<1x1000x16xf32> to vector<1000x16xf32>
    %add3A_19 = arith.addf %get3A_13, %get3A_18 : vector<1000x16xf32>
    %max3A = arith.constant 1.000000e+00 : f32
    %max3A_20 = vector.broadcast %max3A : f32 to vector<1000x1xf32>
    %max3A_21 = arith.maximumf %add3A, %max3A_20 : vector<1000x1xf32>
    %div3A = arith.constant 1.000000e+00 : f32
    %div3A_22 = vector.broadcast %div3A : f32 to vector<1000x1xf32>
    %div3A_23 = arith.divf %div3A_22, %max3A_21 : vector<1000x1xf32>
    %get3A_24 = arith.constant 0 : index
    %get3A_25 = arith.constant 0 : index
    %get3A_26 = vector.load %arg5[%get3A_24, %get3A_25] : memref<144x128xf32, #tpu.memory_space<vmem>>, vector<144x128xf32>
    %get3A_27 = arith.constant 0 : index
    %get3A_28 = arith.constant 0 : index
    %get3A_29 = arith.constant 0 : index
    %get3A_30 = vector.load %arg2[%get3A_27, %get3A_28, %get3A_29] : memref<2x1000x64xf32, #tpu.memory_space<vmem>>, vector<1x1000x64xf32>
    %get3A_31 = vector.shape_cast %get3A_30 : vector<1x1000x64xf32> to vector<1000x64xf32>
    %slice3A = vector.extract_strided_slice %get3A_26 {offsets = [0, 0], sizes = [64, 128], strides = [1, 1]} : vector<144x128xf32> to vector<64x128xf32>
    %dot_general3A = arith.constant dense<0.000000e+00> : vector<1000x128xf32>
    %dot_general3A_32 = tpu.matmul %get3A_31, %slice3A, %dot_general3A {dimension_numbers = #tpu.dot_dimension_numbers<[1], [0], [0], [1], [0, 0, 1, 1], [], []>, transpose_lhs_hint = false} : vector<1000x64xf32>, vector<64x128xf32>, vector<1000x128xf32> -> vector<1000x128xf32>
    %get3A_33 = arith.constant 1 : index
    %get3A_34 = arith.constant 0 : index
    %get3A_35 = arith.constant 0 : index
    %get3A_36 = vector.load %arg2[%get3A_33, %get3A_34, %get3A_35] : memref<2x1000x64xf32, #tpu.memory_space<vmem>>, vector<1x1000x64xf32>
    %get3A_37 = vector.shape_cast %get3A_36 : vector<1x1000x64xf32> to vector<1000x64xf32>
    %slice3A_38 = vector.extract_strided_slice %get3A_26 {offsets = [64, 0], sizes = [64, 128], strides = [1, 1]} : vector<144x128xf32> to vector<64x128xf32>
    %dot_general3A_39 = arith.constant dense<0.000000e+00> : vector<1000x128xf32>
    %dot_general3A_40 = tpu.matmul %get3A_37, %slice3A_38, %dot_general3A_39 {dimension_numbers = #tpu.dot_dimension_numbers<[1], [0], [0], [1], [0, 0, 1, 1], [], []>, transpose_lhs_hint = false} : vector<1000x64xf32>, vector<64x128xf32>, vector<1000x128xf32> -> vector<1000x128xf32>
    %add3A_41 = arith.addf %dot_general3A_32, %dot_general3A_40 : vector<1000x128xf32>
    %slice3A_42 = vector.extract_strided_slice %get3A_26 {offsets = [128, 0], sizes = [16, 128], strides = [1, 1]} : vector<144x128xf32> to vector<16x128xf32>
    %dot_general3A_43 = arith.constant dense<0.000000e+00> : vector<1000x128xf32>
    %dot_general3A_44 = tpu.matmul %add3A_19, %slice3A_42, %dot_general3A_43 {dimension_numbers = #tpu.dot_dimension_numbers<[1], [0], [0], [1], [0, 0, 1, 1], [], []>, transpose_lhs_hint = false} : vector<1000x16xf32>, vector<16x128xf32>, vector<1000x128xf32> -> vector<1000x128xf32>
    %add3A_45 = arith.addf %add3A_41, %dot_general3A_44 : vector<1000x128xf32>
    %get3A_46 = arith.constant 0 : index
    %get3A_47 = arith.constant 0 : index
    %get3A_48 = vector.load %arg1[%get3A_46, %get3A_47] : memref<1000x128xf32, #tpu.memory_space<vmem>>, vector<1000x128xf32>
    %mul3A = vector.broadcast %div3A_23 : vector<1000x1xf32> to vector<1000x128xf32>
    %mul3A_49 = arith.mulf %add3A_45, %mul3A : vector<1000x128xf32>
    %add3A_50 = arith.addf %get3A_48, %mul3A_49 : vector<1000x128xf32>
    %swap3A = arith.constant 0 : index
    %swap3A_51 = arith.constant 0 : index
    %swap3A_52 = vector.load %arg6[%swap3A, %swap3A_51] : memref<1000x128xf32, #tpu.memory_space<vmem>>, vector<1000x128xf32>
    tpu.vector_store %arg6[%swap3A, %swap3A_51], %add3A_50 {strides = array<i32>} : memref<1000x128xf32, #tpu.memory_space<vmem>>, vector<1000x128xf32>,
    return
  }
  func.func @transform_0(%arg0: i32) -> (i32, i32) {
    %c0_i32 = arith.constant 0 : i32
    %c0_i32_0 = arith.constant 0 : i32
    return %arg0, %c0_i32 : i32, i32
  }
  func.func @transform_1(%arg0: i32) -> (i32, i32, i32) {
    %c0_i32 = arith.constant 0 : i32
    %c0_i32_0 = arith.constant 0 : i32
    %c0_i32_1 = arith.constant 0 : i32
    return %c0_i32, %arg0, %c0_i32_0 : i32, i32, i32
  }
  func.func @transform_2(%arg0: i32) -> (i32, i32, i32) {
    %c0_i32 = arith.constant 0 : i32
    %c0_i32_0 = arith.constant 0 : i32
    %c0_i32_1 = arith.constant 0 : i32
    return %c0_i32, %arg0, %c0_i32_0 : i32, i32, i32
  }
  func.func @transform_3(%arg0: i32) -> (i32, i32, i32) {
    %c0_i32 = arith.constant 0 : i32
    %c0_i32_0 = arith.constant 0 : i32
    %c0_i32_1 = arith.constant 0 : i32
    return %c0_i32, %arg0, %c0_i32_0 : i32, i32, i32
  }
  func.func @transform_4(%arg0: i32) -> (i32, i32) {
    %c0_i32 = arith.constant 0 : i32
    %c0_i32_0 = arith.constant 0 : i32
    %c0_i32_1 = arith.constant 0 : i32
    return %c0_i32, %c0_i32_0 : i32, i32
  }
  func.func @transform_5(%arg0: i32) -> (i32, i32) {
    %c0_i32 = arith.constant 0 : i32
    %c0_i32_0 = arith.constant 0 : i32
    return %arg0, %c0_i32 : i32, i32
  }
}

</mosaic_0001>

<sc_bundles>
// kernel: kernel.6.cloned.1.call-start
scs
__scs_entry_jumppad:
0x0: {  	(pc) =	sbr.rel $0x88, $3  }
0x1: {  	(tag) =	ssettag $0x0;
	lr =	simm.s32 $0x1  }
0x2: {  	[smem:$0x3F9B] =	sst lr;
	_ =	strace $0xD0000000  }
0x3: {  	_ = 	snop  }
0x4: {  	_ = 	snop  }
0x5: {  	_ = 	snop  }
0x6: {  	_ = 	snop  }
0x7: {  	_ = 	snop  }
__scs_overlays_trampoline_lowered:
0x8: {  	[smem:$0x3FAA] =	sst s0  }
0x9: {  	[smem:$0x3FAB] =	sst s1  }
0xa: {  	[smem:$0x3FAC] =	sst s2  }
0xb: {  	[smem:$0x3FAD] =	sst s3  }
0xc: {  	[smem:$0x3FAE] =	sst s4  }
0xd: {  	[smem:$0x3FAF] =	sst s5  }
0xe: {  	[smem:$0x3FB0] =	sst s6  }
0xf: {  	[smem:$0x3FB1] =	sst s7  }
0x10: {  	[smem:$0x3FB2] =	sst s8  }
0x11: {  	[smem:$0x3FB3] =	sst s9;
	s0 =	simm.s32 @!p0 $0x0  }
0x12: {  	s1 =	sld [smem:$0x3F99];
	s0 =	simm.s32 @p0 $0x1  }
0x13: {  	[smem:$0x3FB4] =	sst s0;
	s0 =	simm.s32 @!p1 $0x0  }
0x14: {  	s2 =	sld [smem:$0x3F98];
	s0 =	simm.s32 @p1 $0x1  }
0x15: {  	[smem:$0x3FB5] =	sst s0;
	s0 =	simm.s32 @!p2 $0x0  }
0x16: {  	s3 =	sld [smem:$0x3FDB];
	s0 =	simm.s32 @p2 $0x1  }
0x17: {  	s4 =	simm.s32 $0x1BF5;
	[smem:$0x3FB7] =	sst s0  }
0x18: {  	s0 =	sld [smem:$0x3F9A];
	_ =	swait.ge [sflag:s4], $0x0  }
0x19: {  	s7 =	sld [smem:$0x3F9B]  }
0x1a: {  	s8 =	sadd.s32 $0xFFFFE003, lr  }
0x1b: {  	s9 =	sadd.s32 $0xFFFFFEF7, lr;
	s5 =	simm.s32 $0xFFFFFFFF;
	p2 =	slt.u32 s8, $0xFFFFF086  }
0x1c: {  	p1 =	slt.u32 s9, $0xF7A;
	s5 =	simm.s32 @!p2 $0x0  }
0x1d: {  	s5 =	simm.s32 @p1 $0x1;
	p0 =	seq.s32 s7, s2  }
0x1e: {  	s7 =	smul.u32 @!p0 $0xF7A, s2;
	p2 =	seq.s32 @!p0 s5, $0x0  }
0x1f: {  	s9 =	smul.u32 $0xF7A, s1;
	s8 =	simm.s32 @!p0 $0x1BF5;
	p2 =	por !p2, p0  }
0x20: {  	[sflag:s8] =	ssyncset.s32 @!p0 $0xFFFFF086;
	s6 =	sadd.s32 @!p0 s3, s7;
	s7 =	simm.s32 @!p0 $0x108  }
0x21: {  	s3 =	sadd.s32 s3, s9;
	s6 =	sadd.s32 @!p0 $0x88, s6;
	s7 =	simm.s32 @p2 $0x1082  }
0x22: {  	[simem:s7], [sflag:s8] =	dma.local @!p0 [hbm:s6], $0xF7A  }
0x23: {  	s9 =	sor.u32 $0xD0000000, s2;
	s6 =	simm.s32 $0x108;
	_ =	swait.ge @!p0 [sflag:s8], $0x0  }
0x24: {  	s3 =	sadd.s32 $0x88, s3;
	s6 =	simm.s32 @!p1 $0x1082;
	[sflag:s4] =	ssyncset.s32 $0xFFFFF086  }
0x25: {  	[simem:s6], [sflag:s4] =	dma.local [hbm:s3], $0xF7A  }
0x26: {  	[smem:$0x3F9B] =	sst s1;
	(tag) =	ssettag s2;
	_ =	strace s9  }
0x27: {  	s1 =	sld [smem:$0x3FAB]  }
0x28: {  	s2 =	sld [smem:$0x3FAC]  }
0x29: {  	s4 =	sld [smem:$0x3FAE]  }
0x2a: {  	p0 =	seq.s32 s5, $0x0;
	s5 =	sld [smem:$0x3FAF]  }
0x2b: {  	s6 =	sld [smem:$0x3FB0]  }
0x2c: {  	s7 =	sld [smem:$0x3FB1]  }
0x2d: {  	s3 =	simm.s32 $0x108;
	s8 =	sld [smem:$0x3FB2]  }
0x2e: {  	s3 =	simm.s32 @!p0 $0x1082;
	s9 =	sld [smem:$0x3FB3]  }
0x2f: {  	lr =	sadd.s32 s0, s3;
	s0 =	sld [smem:$0x3FAA]  }
0x30: {  	s3 =	sld [smem:$0x3FAD]  }
0x31: {  	[smem:$0x3FB6] =	sst s10  }
0x32: {  	s10 =	sld [smem:$0x3FB4];
	_ =	sdelay $0x3  }
0x33: {  	p0 =	seq.s32 s10, $0x1;
	s10 =	sld [smem:$0x3FB6];
	_ =	sdelay $0x3  }
0x34: {  	[smem:$0x3FB6] =	sst s10  }
0x35: {  	s10 =	sld [smem:$0x3FB5];
	_ =	sdelay $0x3  }
0x36: {  	p1 =	seq.s32 s10, $0x1;
	s10 =	sld [smem:$0x3FB6];
	_ =	sdelay $0x3  }
0x37: {  	[smem:$0x3FB6] =	sst s10  }
0x38: {  	s10 =	sld [smem:$0x3FB7]  }
0x39: {  	_ = 	snop;
	(pc) =	sbr.ind lr, $3  }
0x3a: {  	_ = 	snop  }
0x3b: {  	_ = 	snop  }
0x3c: {  	p2 =	seq.s32 s10, $0x1;
	s10 =	sld [smem:$0x3FB6]  }
0x3d: {  	_ =	shalt  }
0x3e: {  	_ =	shalt  }
0x3f: {  	_ =	shalt  }
0x40: {  	_ =	shalt  }
0x41: {  	_ =	shalt  }
0x42: {  	_ =	shalt  }
0x43: {  	_ =	shalt  }
0x44: {  	_ =	shalt  }
0x45: {  	_ =	shalt  }
0x46: {  	_ =	shalt  }
0x47: {  	_ =	shalt  }
0x48: {  	_ =	shalt  }
0x49: {  	_ =	shalt  }
0x4a: {  	_ =	shalt  }
0x4b: {  	_ =	shalt  }
0x4c: {  	_ =	shalt  }
0x4d: {  	_ =	shalt  }
0x4e: {  	_ =	shalt  }
0x4f: {  	_ =	shalt  }
0x50: {  	_ =	shalt  }
0x51: {  	_ =	shalt  }
0x52: {  	_ =	shalt  }
0x53: {  	_ =	shalt  }
0x54: {  	_ =	shalt  }
0x55: {  	_ =	shalt  }
0x56: {  	_ =	shalt  }
0x57: {  	_ =	shalt  }
0x58: {  	_ =	shalt  }
0x59: {  	_ =	shalt  }
0x5a: {  	_ =	shalt  }
0x5b: {  	_ =	shalt  }
0x5c: {  	_ =	shalt  }
0x5d: {  	_ =	shalt  }
0x5e: {  	_ =	shalt  }
0x5f: {  	_ =	shalt  }
0x60: {  	_ =	shalt  }
0x61: {  	_ =	shalt  }
0x62: {  	_ =	shalt  }
0x63: {  	_ =	shalt  }
0x64: {  	_ =	shalt  }
0x65: {  	_ =	shalt  }
0x66: {  	_ =	shalt  }
0x67: {  	_ =	shalt  }
0x68: {  	_ =	shalt  }
0x69: {  	_ =	shalt  }
0x6a: {  	_ =	shalt  }
0x6b: {  	_ =	shalt  }
0x6c: {  	_ =	shalt  }
0x6d: {  	_ =	shalt  }
0x6e: {  	_ =	shalt  }
0x6f: {  	_ =	shalt  }
0x70: {  	_ =	shalt  }
0x71: {  	_ =	shalt  }
0x72: {  	_ =	shalt  }
0x73: {  	_ =	shalt  }
0x74: {  	_ =	shalt  }
0x75: {  	_ =	shalt  }
0x76: {  	_ =	shalt  }
0x77: {  	_ =	shalt  }
0x78: {  	_ =	shalt  }
0x79: {  	_ =	shalt  }
0x7a: {  	_ =	shalt  }
0x7b: {  	_ =	shalt  }
0x7c: {  	_ =	shalt  }
0x7d: {  	_ =	shalt  }
0x7e: {  	_ =	shalt  }
0x7f: {  	_ =	shalt  }
0x80: {  	_ =	shalt  }
0x81: {  	_ =	shalt  }
0x82: {  	_ =	shalt  }
0x83: {  	_ =	shalt  }
0x84: {  	_ =	shalt  }
0x85: {  	_ =	shalt  }
0x86: {  	_ =	shalt  }
0x87: {  	_ =	shalt  }
.Lfunc_end0:
.L_simem_size_0:
called_computation_lowered:
.L_overlay_start_0:
0x88: {  	s2 =	sld [smem:$0x3FD9]  }
0x89: {  	s3 =	sld [smem:$0x3FFE];
	_ =	sdelay $0x1  }
0x8a: {  	s1 =	srdreg.scid  }
0x8b: {  	s0 =	sand.u32 $0x1, s1  }
0x8c: {  	s17 =	sshll.u32 s0, $0xA;
	s2 =	sadd.s32 s3, s2  }
0x8d: {  	s2 =	sadd.s32 s2, s17  }
0x8e: {  	[smem:$0x3FC2] =	sst s2  }
0x8f: {  	_ = 	snop  }
0x90: {  	s2 =	sld [smem:$0x3FD0];
	(tm) =	ssettm $0x1  }
0x91: {  	s18 =	sld [smem:$0x3FFB];
	_ =	sdelay $0x3  }
0x92: {  	_ =	strace s18  }
0x93: {  	s3 =	sld [smem:$0x3FFC];
	_ =	sdelay $0x3  }
0x94: {  	_ =	strace s3  }
0x95: {  	s3 =	sld [smem:$0x3FFD];
	_ =	sdelay $0x3  }
0x96: {  	_ =	strace s3  }
0x97: {  	_ =	strace $0x8FFFFFFF  }
0x98: {  	s19 =	sld [smem:$0x3FDB];
	_ =	sdelay $0x1  }
0x99: {  	s4 =	simm.s32 $_scs_section_size  }
0x9a: {  	s5 =	simm.s32 $_size__tile_overlayer_lowered;
	s6 =	simm.s32 $_tile_overlayer_lowered  }
0x9b: {  	s22 =	simm.s32 $0x1BFF;
	s21 =	sshll.u32 s6, $0x1;
	s3 =	sadd.s32 s4, s19  }
0x9c: {  	s7 =	simm.s32 $0x0;
	s20 =	sshll.u32 s5, $0x1;
	s5 =	sadd.s32 s21, s3  }
0x9d: {  	[timem:s7], [sflag:s22] =	dma.local [hbm:s5], s20  }
0x9e: {  	_ =	swait.ge [sflag:s22], s20  }
0x9f: {  	s4 =	ssub.s32 $0x0, s20;
	[sflag:s22] =	ssyncset.done $0x0  }
0xa0: {  	[sflag:s22] =	ssyncadd.s32 s4;
	_ =	sdelay $0x1  }
0xa1: {  	s23 =	simm.s32 $0x1B8B  }
0xa2: {  	_ =	swait.ge [sflag:s23], $0x1  }
0xa3: {  	[sflag:s23] =	ssyncset.done $0x0  }
0xa4: {  	s25 =	simm.s32 $0x1B8E;
	s24 =	sld [smem:$0x3FFE];
	[sflag:s23] =	ssyncadd.s32 $0xFFFFFFFF  }
0xa5: {  	s26 =	simm.s32 $execute0_lowered;
	[smem:$0x3FD2] =	sst s25  }
0xa6: {  	s5 =	sshll.u32 s26, $0x1;
	_ =	strace $0x80000046;
	[dreg:$0x1] =	wrdreg $0xFFFFFFFF  }
0xa7: {  	s28 =	simm.s32 $_size_execute0_lowered;
	s3 =	sadd.s32 s3, s5;
	[dreg:$0x0] =	wrdreg $0x0  }
0xa8: {  	s5 =	sshll.u32 s28, $0x1;
	[dreg:$0x2] =	wrdreg s3  }
0xa9: {  	[dreg:$0x3] =	wrdreg s5  }
0xaa: {  	[dreg:$0x4] =	wrdreg $0xC0  }
0xab: {  	_ =	task [dreg:s7], $0x5FFFF  }
0xac: {  	[dreg:$0x1] =	wrdreg $0xFFFFFFFF  }
0xad: {  	[dreg:$0x0] =	wrdreg $0x60  }
0xae: {  	[dreg:$0x2] =	wrdreg s24  }
0xaf: {  	[dreg:$0x3] =	wrdreg s2  }
0xb0: {  	[dreg:$0x4] =	wrdreg $0x105400  }
0xb1: {  	[dreg:$0x5] =	wrdreg $0x1A5400  }
0xb2: {  	[dreg:$0x6] =	wrdreg $0x9  }
0xb3: {  	_ =	task.clear_ibuf [dreg:s7], $0x7FFFF;
	_ =	strace $0x90000046  }
0xb4: {  	s29 =	simm.s32 $0x9;
	_ =	strace $0x80000048  }
0xb5: {  	_ =	swait.ge [sflag:s29], $0x1  }
0xb6: {  	[sflag:s29] =	ssyncadd.s32 $0xFFFFFFFF  }
0xb7: {  	_ =	strace $0x90000048  }
0xb8: {  	_ =	sfence  }
0xb9: {  	s30 =	sld [smem:$0x0];
	_ =	sdelay $0x2  }
0xba: {  	s31 =	sshll.u32 s1, $0xD;
	s1 =	sshrl.u32 s1, $0x2  }
0xbb: {  	s3 =	sand.u32 $0x4000, s31;
	s1 =	sadd.s32 s1, s30  }
0xbc: {  	s0 =	sor.u32 s3, s0;
	s1 =	sshll.u32 s1, $0x11  }
0xbd: {  	s0 =	sor.u32 s1, s0  }
0xbe: {  	s0 =	sadd.s32 $0x8F2B, s0  }
0xbf: {  	[sflag:s0] =	ssyncadd.remote.s32 $0x1  }
0xc0: {  	_ =	sfence.sel $0xFFFF  }
0xc1: {  	[dreg:$0x0] =	wrdreg $0xFFFFFFFF;
	(pc) =	sbr.abs _section_cstart, $3  }
0xc2: {  	[dreg:$0x1] =	wrdreg $0xFFFFFFFF  }
0xc3: {  	_ =	task.clear_ibuf [dreg:s7], $0x2FFFF;
	_ =	strace $0x9FFFFFFF  }
0xc4: {  	(tm) =	ssettm $0x7FFFFFFF  }
0xc5: {  	_ =	shalt  }
tec
execute0_lowered:
.L_overlay_start_1:
0x0: {  	(tag) =	ssettag $0x1  }
0x1: {  	s0 =	srdreg.scid;
	s14 =	stileid.u32  }
0x2: {  	s2 =	rddreg [dreg:$0x0];
	s6 =	sand.u32 $0x1, s0;
	s0 =	smul.u32 $0xA000, s14  }
0x3: {  	s1 =	rddreg [dreg:$0x1];
	s8 =	smul.u32 $0x2800, s14  }
0x4: {  	s3 =	rddreg [dreg:$0x2];
	s12 =	smul.u32 $0x4E20, s14  }
0x5: {  	s4 =	rddreg [dreg:$0x3];
	s14 =	smul.u32 $0x280, s14  }
0x6: {  	s5 =	simm.s32 $0x0;
	s29 =	simm.s32 $0x4E20;
	s7 =	smul.u32 $0xA0000, s6  }
0x7: {  	[smem:$0x7FF] =	sst s5;
	s10 =	sadd.s32 $0x3400, s2;
	s9 =	smul.u32 $0x28000, s6  }
0x8: {  	_ =	strace $0x80000047;
	s11 =	smul.u32 $0x4E200, s6;
	s22 =	ssub.s32 $0x2, s6  }
0x9: {  	s6 =	smul.u32 $0x9C40, s6;
	s13 =	sshrl.u32 s22, $0x1;
	s23 =	sshll.u32 s14, $0x6  }
0xa: {  	s25 =	sadd.s32 $0xA0, s14;
	s31 =	sadd.s32 $0xF0, s14;
	s15 =	sadd.s32 $0x140, s14  }
0xb: {  	s20 =	sadd.s32 $0x190, s14;
	s21 =	sadd.s32 $0x1E0, s14;
	s7 =	sadd.s32 s0, s7  }
0xc: {  	s9 =	sadd.s32 s8, s9;
	s11 =	sadd.s32 s12, s11;
	s12 =	sshrl.u32 s12, $0x3  }
0xd: {  	s24 =	sadd.s32 s23, s3;
	s8 =	sadd.s32 s8, s4;
	s26 =	sshll.u32 s25, $0x6  }
0xe: {  	s28 =	sshll.u32 s25, $0x4;
	s16 =	sshll.u32 s31, $0x4;
	s17 =	sshll.u32 s15, $0x6  }
0xf: {  	s19 =	sshll.u32 s15, $0x4;
	s23 =	sshll.u32 s21, $0x4;
	s6 =	sshrl.u32 s6, $0x2  }
0x10: {  	s7 =	sshrl.u32 s7, $0x3;
	s9 =	sshrl.u32 s9, $0x3;
	s11 =	sshrl.u32 s11, $0x3  }
0x11: {  	s18 =	sadd.s32 s17, s3;
	s15 =	sadd.s32 s19, s4;
	s19 =	sadd.s32 s23, s4  }
0x12: {  	s23 =	sadd.s32 s0, s3;
	s0 =	sshrl.u32 s0, $0x2;
	s30 =	sadd.s32 $0x7490, s6  }
0x13: {  	s7 =	sadd.s32 s7, s2;
	s2 =	sadd.s32 s9, s2;
	s9 =	ssub.s32 s22, s13  }
0x14: {  	s11 =	sadd.s32 s10, s11;
	s10 =	sadd.s32 s10, s12;
	[dreg:$0xa] =	wrdreg s18  }
0x15: {  	s13 =	sshll.u32 s31, $0x6;
	s31 =	sadd.s32 $0x7440, s6;
	[dreg:$0x5] =	wrdreg s11  }
0x16: {  	s18 =	sshll.u32 s21, $0x6;
	s10 =	sadd.s32 $0x13880, s10;
	[dreg:$0x12] =	wrdreg s31  }
0x17: {  	s0 =	sadd.s32 s0, s4;
	s22 =	sadd.s32 s18, s3;
	[dreg:$0x6] =	wrdreg s10  }
0x18: {  	s11 =	sadd.s32 s28, s4;
	s7 =	sadd.s32 $0x2AA00, s7;
	[dreg:$0xc] =	wrdreg s22  }
0x19: {  	s2 =	sadd.s32 $0x20A00, s2;
	s28 =	sadd.s32 $0x74E0, s6;
	[dreg:$0xe] =	wrdreg s7  }
0x1a: {  	s18 =	simm.s32 $0x3;
	s10 =	sadd.s32 $0x1400, s24;
	[dreg:$0xf] =	wrdreg s2  }
0x1b: {  	s24 =	sadd.s32 $0x230, s14;
	[dreg:$0x11] =	wrdreg s28;
	s2 =	simm.s32 $0x5  }
0x1c: {  	s7 =	simm.s32 $0x9C40;
	s14 =	simm.s32 $0x2;
	s22 =	simm.s32 $0x10040  }
0x1d: {  	[dreg:$0x7] =	wrdreg s10;
	s10 =	sadd.s32 s26, s3;
	s25 =	sshll.u32 s24, $0x6  }
0x1e: {  	s12 =	sshll.u32 s24, $0x4;
	s26 =	smax.u32 s9, $0x1;
	s9 =	simm.s32 $0xB040  }
0x1f: {  	s24 =	simm.s32 $0x0;
	[dreg:$0x8] =	wrdreg s10;
	s10 =	sadd.s32 s13, s3  }
0x20: {  	s13 =	sadd.s32 s16, s4;
	s16 =	sshll.u32 s20, $0x6;
	s21 =	sadd.s32 s12, s4  }
0x21: {  	[dreg:$0x10] =	wrdreg s26;
	s26 =	sadd.s32 $0x500, s0;
	s0 =	sadd.s32 $0x4E70, s6  }
0x22: {  	s6 =	simm.s32 $0x50;
	s12 =	simm.s32 $0xC440;
	[dreg:$0x9] =	wrdreg s10  }
0x23: {  	s10 =	sshll.u32 s20, $0x4;
	s16 =	sadd.s32 s16, s3;
	s20 =	simm.s32 $0x4  }
0x24: {  	[dreg:$0xb] =	wrdreg s16;
	s17 =	sadd.s32 s10, s4;
	s10 =	sadd.s32 s25, s3  }
0x25: {  	v0 =	vimm.f32 $0.0e+00;
	v1 =	vimm.f32 $1.000000000e+00;
	s16 =	simm.s32 $0xD840;
	[dreg:$0xd] =	wrdreg s10;
	s10 =	simm.s32 $0x1  }
.LBB2_1:
0x26: {  	s25 =	rddreg [dreg:$0x5]  }
0x27: {  	[tilespmem:s5], [sflag:$0x5] =	stream.linear.gather [hbm4b:s25+s5], $0x4E20, $0x38;
	[tilespmem:$0x1CD40] =	vst v63  }
0x28: {  	_ =	swait.ge [sflag:s2], $0x4E20  }
0x29: {  	[sflag:s2] =	ssyncset.done $0x0  }
0x2a: {  	s25 =	rddreg [dreg:$0x6];
	[sflag:s2] =	ssyncadd.s32 $0xFFFFB1E0  }
0x2b: {  	[tilespmem:s29], [sflag:$0x5] =	stream.linear.gather [hbm4b:s25+s5], $0x4E20, $0x38;
	[tilespmem:$0x1CD40] =	vst v63  }
0x2c: {  	_ =	swait.ge [sflag:s2], $0x4E20  }
0x2d: {  	[sflag:s2] =	ssyncset.done $0x0  }
0x2e: {  	[sflag:s2] =	ssyncadd.s32 $0xFFFFB1E0  }
0x2f: {  	[tilespmem:s7], [sflag:$0x1] =	stream.indirect.gather [hbm4b:s1+s6], $0x40, s5, s6, $0xb8;
	[tilespmem:$0x1CD40] =	vst v63  }
0x30: {  	s25 =	simm.s32 $0xEC60  }
0x31: {  	[tilespmem:s9], [sflag:$0x2] =	stream.indirect.gather [hbm4b:s1+s6], $0x40, s6, s6, $0xb8;
	[tilespmem:$0x1CD40] =	vst v63  }
0x32: {  	[tilespmem:s25+$0x0] =	vst v0  }
0x33: {  	[tilespmem:s25+$0xFFFFFFE0] =	vst v0  }
0x34: {  	[tilespmem:s25+$0x10] =	vst v0  }
0x35: {  	s28 =	simm.s32 $0x40;
	s31 =	simm.s32 $0x0;
	[tilespmem:s25+$0xFFFFFFF0] =	vst v0  }
.LBB2_2:
0x36: {  	p0 =	sne.s32 s28, $0x13C0  }
0x37: {  	[tilespmem:s31+$0x10040] =	vst v1;
	s25 =	sadd.s32 $0x40, s25;
	s31 =	smov.u32 s28;
	s28 =	sadd.s32 $0x40, s28  }
.Ltmp0:
0x38: {  	[tilespmem:s25+$0x0] =	vst v0;
	(pc) =	sbr.rel @p0 .LBB2_2-.Ltmp0, $4  }
0x39: {  	_ = 	snop  }
0x3a: {  	[tilespmem:s25+$0xFFFFFFE0] =	vst v0  }
0x3b: {  	[tilespmem:s25+$0x10] =	vst v0  }
0x3c: {  	s31 =	sshra.s32 s31, $0x2;
	[tilespmem:s25+$0xFFFFFFF0] =	vst v0  }
0x3d: {  	[tilespmem:s31+$0x10040] =	vst v1;
	s25 =	simm.s32 $0xEC40  }
0x3e: {  	[spmem:s23] =	stream.linear.scatter [tilespmem:s25], [sflag:$0x5], $0x1400, $0x38;
	[tilespmem:$0x1CD40] =	vst v63  }
0x3f: {  	_ =	swait.ge [sflag:s2], $0x1400  }
0x40: {  	[sflag:s2] =	ssyncset.done $0x0  }
0x41: {  	s28 =	sadd.s32 $0x0, s8;
	[sflag:s2] =	ssyncadd.s32 $0xFFFFEC00  }
0x42: {  	[spmem:s28] =	stream.linear.scatter [tilespmem:s25], [sflag:$0x5], $0x10, $0x38;
	[tilespmem:$0x1CD40] =	vst v63  }
0x43: {  	s28 =	simm.s32 $0x40  }
.LBB2_4:
0x44: {  	p0 =	sne.s32 s28, $0x13C0  }
.Ltmp1:
0x45: {  	_ = 	snop;
	(pc) =	sbr.rel @p0 .LBB2_4-.Ltmp1, $4  }
0x46: {  	_ = 	snop  }
0x47: {  	s31 =	sshra.s32 s28, $0x2;
	s28 =	sadd.s32 $0x40, s28  }
0x48: {  	s25 =	sadd.s32 $0x40, s25;
	s31 =	sadd.s32 s31, s8  }
0x49: {  	[spmem:s31] =	stream.linear.scatter [tilespmem:s25], [sflag:$0x5], $0x10, $0x38;
	[tilespmem:$0x1CD40] =	vst v63  }
0x4a: {  	_ =	swait.ge [sflag:s2], $0x500  }
0x4b: {  	[sflag:s2] =	ssyncset.done $0x0  }
0x4c: {  	s25 =	simm.s32 $0xEC40;
	s28 =	rddreg [dreg:$0x7];
	[sflag:s2] =	ssyncadd.s32 $0xFFFFFB00  }
0x4d: {  	[spmem:s28] =	stream.linear.scatter [tilespmem:s25], [sflag:$0x5], $0x1400, $0x38;
	[tilespmem:$0x1CD40] =	vst v63  }
0x4e: {  	_ =	swait.ge [sflag:s2], $0x1400  }
0x4f: {  	[sflag:s2] =	ssyncset.done $0x0  }
0x50: {  	s28 =	sadd.s32 $0x0, s26;
	[sflag:s2] =	ssyncadd.s32 $0xFFFFEC00  }
0x51: {  	[spmem:s28] =	stream.linear.scatter [tilespmem:s25], [sflag:$0x5], $0x10, $0x38;
	[tilespmem:$0x1CD40] =	vst v63  }
0x52: {  	s28 =	simm.s32 $0x40  }
.LBB2_6:
0x53: {  	p0 =	sne.s32 s28, $0x13C0  }
.Ltmp2:
0x54: {  	_ = 	snop;
	(pc) =	sbr.rel @p0 .LBB2_6-.Ltmp2, $4  }
0x55: {  	_ = 	snop  }
0x56: {  	s31 =	sshra.s32 s28, $0x2;
	s28 =	sadd.s32 $0x40, s28  }
0x57: {  	s25 =	sadd.s32 $0x40, s25;
	s31 =	sadd.s32 s31, s26  }
0x58: {  	[spmem:s31] =	stream.linear.scatter [tilespmem:s25], [sflag:$0x5], $0x10, $0x38;
	[tilespmem:$0x1CD40] =	vst v63  }
0x59: {  	_ =	swait.ge [sflag:s2], $0x500  }
0x5a: {  	[sflag:s2] =	ssyncset.done $0x0  }
0x5b: {  	s25 =	simm.s32 $0xEC40;
	s28 =	rddreg [dreg:$0x8];
	[sflag:s2] =	ssyncadd.s32 $0xFFFFFB00  }
0x5c: {  	[spmem:s28] =	stream.linear.scatter [tilespmem:s25], [sflag:$0x5], $0x1400, $0x38;
	[tilespmem:$0x1CD40] =	vst v63  }
0x5d: {  	_ =	swait.ge [sflag:s2], $0x1400  }
0x5e: {  	[sflag:s2] =	ssyncset.done $0x0  }
0x5f: {  	s28 =	sadd.s32 $0x0, s11;
	[sflag:s2] =	ssyncadd.s32 $0xFFFFEC00  }
0x60: {  	[spmem:s28] =	stream.linear.scatter [tilespmem:s25], [sflag:$0x5], $0x10, $0x38;
	[tilespmem:$0x1CD40] =	vst v63  }
0x61: {  	s28 =	simm.s32 $0x40  }
.LBB2_8:
0x62: {  	p0 =	sne.s32 s28, $0x13C0  }
.Ltmp3:
0x63: {  	_ = 	snop;
	(pc) =	sbr.rel @p0 .LBB2_8-.Ltmp3, $4  }
0x64: {  	_ = 	snop  }
0x65: {  	s31 =	sshra.s32 s28, $0x2;
	s28 =	sadd.s32 $0x40, s28  }
0x66: {  	s25 =	sadd.s32 $0x40, s25;
	s31 =	sadd.s32 s31, s11  }
0x67: {  	[spmem:s31] =	stream.linear.scatter [tilespmem:s25], [sflag:$0x5], $0x10, $0x38;
	[tilespmem:$0x1CD40] =	vst v63  }
0x68: {  	_ =	swait.ge [sflag:s2], $0x500  }
0x69: {  	[sflag:s2] =	ssyncset.done $0x0  }
0x6a: {  	s25 =	simm.s32 $0xEC40;
	s28 =	rddreg [dreg:$0x9];
	[sflag:s2] =	ssyncadd.s32 $0xFFFFFB00  }
0x6b: {  	[spmem:s28] =	stream.linear.scatter [tilespmem:s25], [sflag:$0x5], $0x1400, $0x38;
	[tilespmem:$0x1CD40] =	vst v63  }
0x6c: {  	_ =	swait.ge [sflag:s2], $0x1400  }
0x6d: {  	[sflag:s2] =	ssyncset.done $0x0  }
0x6e: {  	s28 =	sadd.s32 $0x0, s13;
	[sflag:s2] =	ssyncadd.s32 $0xFFFFEC00  }
0x6f: {  	[spmem:s28] =	stream.linear.scatter [tilespmem:s25], [sflag:$0x5], $0x10, $0x38;
	[tilespmem:$0x1CD40] =	vst v63  }
0x70: {  	s28 =	simm.s32 $0x40  }
.LBB2_10:
0x71: {  	p0 =	sne.s32 s28, $0x13C0  }
.Ltmp4:
0x72: {  	_ = 	snop;
	(pc) =	sbr.rel @p0 .LBB2_10-.Ltmp4, $4  }
0x73: {  	_ = 	snop  }
0x74: {  	s31 =	sshra.s32 s28, $0x2;
	s28 =	sadd.s32 $0x40, s28  }
0x75: {  	s25 =	sadd.s32 $0x40, s25;
	s31 =	sadd.s32 s31, s13  }
0x76: {  	[spmem:s31] =	stream.linear.scatter [tilespmem:s25], [sflag:$0x5], $0x10, $0x38;
	[tilespmem:$0x1CD40] =	vst v63  }
0x77: {  	_ =	swait.ge [sflag:s2], $0x500  }
0x78: {  	[sflag:s2] =	ssyncset.done $0x0  }
0x79: {  	s25 =	simm.s32 $0xEC40;
	s28 =	rddreg [dreg:$0xa];
	[sflag:s2] =	ssyncadd.s32 $0xFFFFFB00  }
0x7a: {  	[spmem:s28] =	stream.linear.scatter [tilespmem:s25], [sflag:$0x5], $0x1400, $0x38;
	[tilespmem:$0x1CD40] =	vst v63  }
0x7b: {  	_ =	swait.ge [sflag:s2], $0x1400  }
0x7c: {  	[sflag:s2] =	ssyncset.done $0x0  }
0x7d: {  	s28 =	sadd.s32 $0x0, s15;
	[sflag:s2] =	ssyncadd.s32 $0xFFFFEC00  }
0x7e: {  	[spmem:s28] =	stream.linear.scatter [tilespmem:s25], [sflag:$0x5], $0x10, $0x38;
	[tilespmem:$0x1CD40] =	vst v63  }
0x7f: {  	s28 =	simm.s32 $0x40  }
.LBB2_12:
0x80: {  	p0 =	sne.s32 s28, $0x13C0  }
.Ltmp5:
0x81: {  	_ = 	snop;
	(pc) =	sbr.rel @p0 .LBB2_12-.Ltmp5, $4  }
0x82: {  	_ = 	snop  }
0x83: {  	s31 =	sshra.s32 s28, $0x2;
	s28 =	sadd.s32 $0x40, s28  }
0x84: {  	s25 =	sadd.s32 $0x40, s25;
	s31 =	sadd.s32 s31, s15  }
0x85: {  	[spmem:s31] =	stream.linear.scatter [tilespmem:s25], [sflag:$0x5], $0x10, $0x38;
	[tilespmem:$0x1CD40] =	vst v63  }
0x86: {  	_ =	swait.ge [sflag:s2], $0x500  }
0x87: {  	[sflag:s2] =	ssyncset.done $0x0  }
0x88: {  	s25 =	simm.s32 $0xEC40;
	s28 =	rddreg [dreg:$0xb];
	[sflag:s2] =	ssyncadd.s32 $0xFFFFFB00  }
0x89: {  	[spmem:s28] =	stream.linear.scatter [tilespmem:s25], [sflag:$0x5], $0x1400, $0x38;
	[tilespmem:$0x1CD40] =	vst v63  }
0x8a: {  	_ =	swait.ge [sflag:s2], $0x1400  }
0x8b: {  	[sflag:s2] =	ssyncset.done $0x0  }
0x8c: {  	s28 =	sadd.s32 $0x0, s17;
	[sflag:s2] =	ssyncadd.s32 $0xFFFFEC00  }
0x8d: {  	[spmem:s28] =	stream.linear.scatter [tilespmem:s25], [sflag:$0x5], $0x10, $0x38;
	[tilespmem:$0x1CD40] =	vst v63  }
0x8e: {  	s28 =	simm.s32 $0x40  }
.LBB2_14:
0x8f: {  	p0 =	sne.s32 s28, $0x13C0  }
.Ltmp6:
0x90: {  	_ = 	snop;
	(pc) =	sbr.rel @p0 .LBB2_14-.Ltmp6, $4  }
0x91: {  	_ = 	snop  }
0x92: {  	s31 =	sshra.s32 s28, $0x2;
	s28 =	sadd.s32 $0x40, s28  }
0x93: {  	s25 =	sadd.s32 $0x40, s25;
	s31 =	sadd.s32 s31, s17  }
0x94: {  	[spmem:s31] =	stream.linear.scatter [tilespmem:s25], [sflag:$0x5], $0x10, $0x38;
	[tilespmem:$0x1CD40] =	vst v63  }
0x95: {  	_ =	swait.ge [sflag:s2], $0x500  }
0x96: {  	[sflag:s2] =	ssyncset.done $0x0  }
0x97: {  	s25 =	simm.s32 $0xEC40;
	s28 =	rddreg [dreg:$0xc];
	[sflag:s2] =	ssyncadd.s32 $0xFFFFFB00  }
0x98: {  	[spmem:s28] =	stream.linear.scatter [tilespmem:s25], [sflag:$0x5], $0x1400, $0x38;
	[tilespmem:$0x1CD40] =	vst v63  }
0x99: {  	_ =	swait.ge [sflag:s2], $0x1400  }
0x9a: {  	[sflag:s2] =	ssyncset.done $0x0  }
0x9b: {  	s28 =	sadd.s32 $0x0, s19;
	[sflag:s2] =	ssyncadd.s32 $0xFFFFEC00  }
0x9c: {  	[spmem:s28] =	stream.linear.scatter [tilespmem:s25], [sflag:$0x5], $0x10, $0x38;
	[tilespmem:$0x1CD40] =	vst v63  }
0x9d: {  	s28 =	simm.s32 $0x40  }
.LBB2_16:
0x9e: {  	p0 =	sne.s32 s28, $0x13C0  }
.Ltmp7:
0x9f: {  	_ = 	snop;
	(pc) =	sbr.rel @p0 .LBB2_16-.Ltmp7, $4  }
0xa0: {  	_ = 	snop  }
0xa1: {  	s31 =	sshra.s32 s28, $0x2;
	s28 =	sadd.s32 $0x40, s28  }
0xa2: {  	s25 =	sadd.s32 $0x40, s25;
	s31 =	sadd.s32 s31, s19  }
0xa3: {  	[spmem:s31] =	stream.linear.scatter [tilespmem:s25], [sflag:$0x5], $0x10, $0x38;
	[tilespmem:$0x1CD40] =	vst v63  }
0xa4: {  	_ =	swait.ge [sflag:s2], $0x500  }
0xa5: {  	[sflag:s2] =	ssyncset.done $0x0  }
0xa6: {  	s25 =	simm.s32 $0xEC40;
	s28 =	rddreg [dreg:$0xd];
	[sflag:s2] =	ssyncadd.s32 $0xFFFFFB00  }
0xa7: {  	[spmem:s28] =	stream.linear.scatter [tilespmem:s25], [sflag:$0x5], $0x1400, $0x38;
	[tilespmem:$0x1CD40] =	vst v63  }
0xa8: {  	_ =	swait.ge [sflag:s2], $0x1400  }
0xa9: {  	[sflag:s2] =	ssyncset.done $0x0  }
0xaa: {  	s28 =	sadd.s32 $0x0, s21;
	[sflag:s2] =	ssyncadd.s32 $0xFFFFEC00  }
0xab: {  	[spmem:s28] =	stream.linear.scatter [tilespmem:s25], [sflag:$0x5], $0x10, $0x38;
	[tilespmem:$0x1CD40] =	vst v63  }
0xac: {  	s28 =	simm.s32 $0x40  }
.LBB2_18:
0xad: {  	p0 =	sne.s32 s28, $0x13C0  }
.Ltmp8:
0xae: {  	_ = 	snop;
	(pc) =	sbr.rel @p0 .LBB2_18-.Ltmp8, $4  }
0xaf: {  	_ = 	snop  }
0xb0: {  	s31 =	sshra.s32 s28, $0x2;
	s28 =	sadd.s32 $0x40, s28  }
0xb1: {  	s25 =	sadd.s32 $0x40, s25;
	s31 =	sadd.s32 s31, s21  }
0xb2: {  	[spmem:s31] =	stream.linear.scatter [tilespmem:s25], [sflag:$0x5], $0x10, $0x38;
	[tilespmem:$0x1CD40] =	vst v63  }
0xb3: {  	_ =	swait.ge [sflag:s2], $0x500  }
0xb4: {  	[sflag:s2] =	ssyncset.done $0x0  }
0xb5: {  	[sflag:s2] =	ssyncadd.s32 $0xFFFFFB00  }
0xb6: {  	[bflag:$0x0] =	sbarrier.arrive $0xFFFF  }
0xb7: {  	_ =	swait.ge [sflag:s10], $0x1400  }
0xb8: {  	[sflag:s10] =	ssyncset.done $0x0  }
0xb9: {  	[sflag:s10] =	ssyncadd.s32 $0xFFFFEC00  }
0xba: {  	[spmem:s3] =	stream.indirect.scatter.add.f32 [tilespmem:s7], [sflag:$0x1], $0x40, s29, s6, $0xb8;
	[tilespmem:$0x1CD40] =	vst v63  }
0xbb: {  	s25 =	simm.s32 $0xA0  }
0xbc: {  	[tilespmem:s12], [sflag:$0x3] =	stream.indirect.gather [hbm4b:s1+s6], $0x40, s25, s6, $0xb8;
	[tilespmem:$0x1CD40] =	vst v63  }
0xbd: {  	_ =	swait.ge [sflag:s14], $0x1400  }
0xbe: {  	[sflag:s14] =	ssyncset.done $0x0  }
0xbf: {  	s29 =	simm.s32 $0x4E70;
	[sflag:s14] =	ssyncadd.s32 $0xFFFFEC00  }
0xc0: {  	[spmem:s3] =	stream.indirect.scatter.add.f32 [tilespmem:s9], [sflag:$0x2], $0x40, s29, s6, $0xb8;
	[tilespmem:$0x1CD40] =	vst v63  }
0xc1: {  	s28 =	simm.s32 $0xF0  }
0xc2: {  	[tilespmem:s16], [sflag:$0x4] =	stream.indirect.gather [hbm4b:s1+s6], $0x40, s28, s6, $0xb8;
	[tilespmem:$0x1CD40] =	vst v63  }
0xc3: {  	_ =	swait.ge [sflag:s18], $0x1400  }
0xc4: {  	[sflag:s18] =	ssyncset.done $0x0  }
0xc5: {  	s29 =	simm.s32 $0x4EC0;
	[sflag:s18] =	ssyncadd.s32 $0xFFFFEC00  }
0xc6: {  	[spmem:s3] =	stream.indirect.scatter.add.f32 [tilespmem:s12], [sflag:$0x3], $0x40, s29, s6, $0xb8;
	[tilespmem:$0x1CD40] =	vst v63  }
0xc7: {  	_ =	swait.ge [sflag:s10], $0x1400  }
0xc8: {  	[sflag:s10] =	ssyncset.done $0x0  }
0xc9: {  	s28 =	simm.s32 $0x140;
	[sflag:s10] =	ssyncadd.s32 $0xFFFFEC00  }
0xca: {  	[tilespmem:s7], [sflag:$0x1] =	stream.indirect.gather [hbm4b:s1+s6], $0x40, s28, s6, $0xb8;
	[tilespmem:$0x1CD40] =	vst v63  }
0xcb: {  	_ =	swait.ge [sflag:s20], $0x1400  }
0xcc: {  	[sflag:s20] =	ssyncset.done $0x0  }
0xcd: {  	s29 =	simm.s32 $0x4F10;
	[sflag:s20] =	ssyncadd.s32 $0xFFFFEC00  }
0xce: {  	[spmem:s3] =	stream.indirect.scatter.add.f32 [tilespmem:s16], [sflag:$0x4], $0x40, s29, s6, $0xb8;
	[tilespmem:$0x1CD40] =	vst v63  }
0xcf: {  	_ =	swait.ge [sflag:s14], $0x1400  }
0xd0: {  	[sflag:s14] =	ssyncset.done $0x0  }
0xd1: {  	s28 =	simm.s32 $0x190;
	[sflag:s14] =	ssyncadd.s32 $0xFFFFEC00  }
0xd2: {  	[tilespmem:s9], [sflag:$0x2] =	stream.indirect.gather [hbm4b:s1+s6], $0x40, s28, s6, $0xb8;
	[tilespmem:$0x1CD40] =	vst v63  }
0xd3: {  	_ =	swait.ge [sflag:s10], $0x1400  }
0xd4: {  	[sflag:s10] =	ssyncset.done $0x0  }
0xd5: {  	s29 =	simm.s32 $0x4F60;
	[sflag:s10] =	ssyncadd.s32 $0xFFFFEC00  }
0xd6: {  	[spmem:s3] =	stream.indirect.scatter.add.f32 [tilespmem:s7], [sflag:$0x1], $0x40, s29, s6, $0xb8;
	[tilespmem:$0x1CD40] =	vst v63  }
0xd7: {  	_ =	swait.ge [sflag:s18], $0x1400  }
0xd8: {  	[sflag:s18] =	ssyncset.done $0x0  }
0xd9: {  	s28 =	simm.s32 $0x1E0;
	[sflag:s18] =	ssyncadd.s32 $0xFFFFEC00  }
0xda: {  	[tilespmem:s12], [sflag:$0x3] =	stream.indirect.gather [hbm4b:s1+s6], $0x40, s28, s6, $0xb8;
	[tilespmem:$0x1CD40] =	vst v63  }
0xdb: {  	_ =	swait.ge [sflag:s14], $0x1400  }
0xdc: {  	[sflag:s14] =	ssyncset.done $0x0  }
0xdd: {  	s29 =	simm.s32 $0x4FB0;
	[sflag:s14] =	ssyncadd.s32 $0xFFFFEC00  }
0xde: {  	[spmem:s3] =	stream.indirect.scatter.add.f32 [tilespmem:s9], [sflag:$0x2], $0x40, s29, s6, $0xb8;
	[tilespmem:$0x1CD40] =	vst v63  }
0xdf: {  	_ =	swait.ge [sflag:s20], $0x1400  }
0xe0: {  	[sflag:s20] =	ssyncset.done $0x0  }
0xe1: {  	s28 =	simm.s32 $0x230;
	[sflag:s20] =	ssyncadd.s32 $0xFFFFEC00  }
0xe2: {  	[tilespmem:s16], [sflag:$0x4] =	stream.indirect.gather [hbm4b:s1+s6], $0x40, s28, s6, $0xb8;
	[tilespmem:$0x1CD40] =	vst v63  }
0xe3: {  	s29 =	sadd.s32 $0xFFFFFFB0, s0  }
0xe4: {  	[spmem:s4] =	stream.indirect.scatter.add.f32 [tilespmem:s22], [sflag:$0x5], $0x10, s29, s6, $0xb8;
	[tilespmem:$0x1CD40] =	vst v63  }
0xe5: {  	_ =	swait.ge [sflag:s2], $0x500  }
0xe6: {  	[sflag:s2] =	ssyncset.done $0x0  }
0xe7: {  	[sflag:s2] =	ssyncadd.s32 $0xFFFFFB00  }
0xe8: {  	[spmem:s4] =	stream.indirect.scatter.add.f32 [tilespmem:s22], [sflag:$0x5], $0x10, s0, s6, $0xb8;
	[tilespmem:$0x1CD40] =	vst v63  }
0xe9: {  	_ =	swait.ge [sflag:s2], $0x500  }
0xea: {  	s31 =	smov.u32 s0;
	s25 =	simm.s32 $0x500;
	[sflag:s2] =	ssyncset.done $0x0  }
.LBB2_20:
0xeb: {  	p0 =	sne.s32 s25, $0x12C00;
	[sflag:s2] =	ssyncadd.s32 $0xFFFFFB00;
	s31 =	sadd.s32 $0xA0, s31  }
0xec: {  	s28 =	smov.u32 s25;
	s25 =	sadd.s32 $0x500, s25;
	_ =	swait.ge [sflag:s18], $0x1400  }
0xed: {  	s28 =	sshra.s32 s28, $0x2;
	[sflag:s18] =	ssyncset.done $0x0  }
0xee: {  	s29 =	sadd.s32 $0x4EC0, s28;
	[sflag:s18] =	ssyncadd.s32 $0xFFFFEC00  }
0xef: {  	[spmem:s3] =	stream.indirect.scatter.add.f32 [tilespmem:s12], [sflag:$0x3], $0x40, s29, s6, $0xb8;
	[tilespmem:$0x1CD40] =	vst v63  }
0xf0: {  	_ =	swait.ge [sflag:s10], $0x1400  }
0xf1: {  	[sflag:s10] =	ssyncset.done $0x0  }
0xf2: {  	s29 =	sadd.s32 $0x140, s28;
	[sflag:s10] =	ssyncadd.s32 $0xFFFFEC00  }
0xf3: {  	[tilespmem:s7], [sflag:$0x1] =	stream.indirect.gather [hbm4b:s1+s6], $0x40, s29, s6, $0xb8;
	[tilespmem:$0x1CD40] =	vst v63  }
0xf4: {  	_ =	swait.ge [sflag:s20], $0x1400  }
0xf5: {  	[sflag:s20] =	ssyncset.done $0x0  }
0xf6: {  	s29 =	sadd.s32 $0x4F10, s28;
	[sflag:s20] =	ssyncadd.s32 $0xFFFFEC00  }
0xf7: {  	[spmem:s3] =	stream.indirect.scatter.add.f32 [tilespmem:s16], [sflag:$0x4], $0x40, s29, s6, $0xb8;
	[tilespmem:$0x1CD40] =	vst v63  }
0xf8: {  	_ =	swait.ge [sflag:s14], $0x1400  }
0xf9: {  	[sflag:s14] =	ssyncset.done $0x0  }
0xfa: {  	s29 =	sadd.s32 $0x190, s28;
	[sflag:s14] =	ssyncadd.s32 $0xFFFFEC00  }
0xfb: {  	[tilespmem:s9], [sflag:$0x2] =	stream.indirect.gather [hbm4b:s1+s6], $0x40, s29, s6, $0xb8;
	[tilespmem:$0x1CD40] =	vst v63  }
0xfc: {  	_ =	swait.ge [sflag:s10], $0x1400  }
0xfd: {  	[sflag:s10] =	ssyncset.done $0x0  }
0xfe: {  	s29 =	sadd.s32 $0x4F60, s28;
	[sflag:s10] =	ssyncadd.s32 $0xFFFFEC00  }
0xff: {  	[spmem:s3] =	stream.indirect.scatter.add.f32 [tilespmem:s7], [sflag:$0x1], $0x40, s29, s6, $0xb8;
	[tilespmem:$0x1CD40] =	vst v63  }
0x100: {  	_ =	swait.ge [sflag:s18], $0x1400  }
0x101: {  	[sflag:s18] =	ssyncset.done $0x0  }
0x102: {  	s29 =	sadd.s32 $0x1E0, s28;
	[sflag:s18] =	ssyncadd.s32 $0xFFFFEC00  }
0x103: {  	[tilespmem:s12], [sflag:$0x3] =	stream.indirect.gather [hbm4b:s1+s6], $0x40, s29, s6, $0xb8;
	[tilespmem:$0x1CD40] =	vst v63  }
0x104: {  	_ =	swait.ge [sflag:s14], $0x1400  }
0x105: {  	[sflag:s14] =	ssyncset.done $0x0  }
0x106: {  	s29 =	sadd.s32 $0x4FB0, s28;
	[sflag:s14] =	ssyncadd.s32 $0xFFFFEC00  }
0x107: {  	[spmem:s3] =	stream.indirect.scatter.add.f32 [tilespmem:s9], [sflag:$0x2], $0x40, s29, s6, $0xb8;
	[tilespmem:$0x1CD40] =	vst v63  }
0x108: {  	_ =	swait.ge [sflag:s20], $0x1400  }
0x109: {  	[sflag:s20] =	ssyncset.done $0x0  }
0x10a: {  	s28 =	sadd.s32 $0x230, s28;
	[sflag:s20] =	ssyncadd.s32 $0xFFFFEC00  }
0x10b: {  	[tilespmem:s16], [sflag:$0x4] =	stream.indirect.gather [hbm4b:s1+s6], $0x40, s28, s6, $0xb8;
	[tilespmem:$0x1CD40] =	vst v63  }
0x10c: {  	s28 =	sadd.s32 $0xFFFFFFB0, s31  }
0x10d: {  	[spmem:s4] =	stream.indirect.scatter.add.f32 [tilespmem:s22], [sflag:$0x5], $0x10, s28, s6, $0xb8;
	[tilespmem:$0x1CD40] =	vst v63  }
0x10e: {  	_ =	swait.ge [sflag:s2], $0x500  }
.Ltmp9:
0x10f: {  	[sflag:s2] =	ssyncset.done $0x0;
	(pc) =	sbr.rel @p0 .LBB2_20-.Ltmp9, $4  }
0x110: {  	[sflag:s2] =	ssyncadd.s32 $0xFFFFFB00  }
0x111: {  	[spmem:s4] =	stream.indirect.scatter.add.f32 [tilespmem:s22], [sflag:$0x5], $0x10, s31, s6, $0xb8;
	[tilespmem:$0x1CD40] =	vst v63  }
0x112: {  	_ =	swait.ge [sflag:s2], $0x500  }
0x113: {  	[sflag:s2] =	ssyncset.done $0x0  }
0x114: {  	[sflag:s2] =	ssyncadd.s32 $0xFFFFFB00  }
0x115: {  	_ =	swait.ge [sflag:s18], $0x1400  }
0x116: {  	[sflag:s18] =	ssyncset.done $0x0  }
0x117: {  	s25 =	simm.s32 $0x9B00;
	[sflag:s18] =	ssyncadd.s32 $0xFFFFEC00  }
0x118: {  	[spmem:s3] =	stream.indirect.scatter.add.f32 [tilespmem:s12], [sflag:$0x3], $0x40, s25, s6, $0xb8;
	[tilespmem:$0x1CD40] =	vst v63  }
0x119: {  	_ =	swait.ge [sflag:s10], $0x1400  }
0x11a: {  	[sflag:s10] =	ssyncset.done $0x0  }
0x11b: {  	s31 =	simm.s32 $0x4D80;
	[sflag:s10] =	ssyncadd.s32 $0xFFFFEC00  }
0x11c: {  	[tilespmem:s7], [sflag:$0x1] =	stream.indirect.gather [hbm4b:s1+s6], $0x40, s31, s6, $0xb8;
	[tilespmem:$0x1CD40] =	vst v63  }
0x11d: {  	_ =	swait.ge [sflag:s20], $0x1400  }
0x11e: {  	[sflag:s20] =	ssyncset.done $0x0  }
0x11f: {  	s28 =	simm.s32 $0x9B50;
	[sflag:s20] =	ssyncadd.s32 $0xFFFFEC00  }
0x120: {  	[spmem:s3] =	stream.indirect.scatter.add.f32 [tilespmem:s16], [sflag:$0x4], $0x40, s28, s6, $0xb8;
	[tilespmem:$0x1CD40] =	vst v63  }
0x121: {  	_ =	swait.ge [sflag:s14], $0x1400  }
0x122: {  	[sflag:s14] =	ssyncset.done $0x0  }
0x123: {  	s31 =	simm.s32 $0x4DD0;
	[sflag:s14] =	ssyncadd.s32 $0xFFFFEC00  }
0x124: {  	[tilespmem:s9], [sflag:$0x2] =	stream.indirect.gather [hbm4b:s1+s6], $0x40, s31, s6, $0xb8;
	[tilespmem:$0x1CD40] =	vst v63  }
0x125: {  	_ =	swait.ge [sflag:s10], $0x1400  }
0x126: {  	[sflag:s10] =	ssyncset.done $0x0  }
0x127: {  	s28 =	simm.s32 $0x9BA0;
	[sflag:s10] =	ssyncadd.s32 $0xFFFFEC00  }
0x128: {  	[spmem:s3] =	stream.indirect.scatter.add.f32 [tilespmem:s7], [sflag:$0x1], $0x40, s28, s6, $0xb8;
	[tilespmem:$0x1CD40] =	vst v63  }
0x129: {  	_ =	swait.ge [sflag:s18], $0x1400  }
0x12a: {  	[sflag:s18] =	ssyncset.done $0x0  }
0x12b: {  	[sflag:s18] =	ssyncadd.s32 $0xFFFFEC00  }
0x12c: {  	_ =	swait.ge [sflag:s14], $0x1400  }
0x12d: {  	[sflag:s14] =	ssyncset.done $0x0  }
0x12e: {  	s31 =	simm.s32 $0x9BF0;
	[sflag:s14] =	ssyncadd.s32 $0xFFFFEC00  }
0x12f: {  	[spmem:s3] =	stream.indirect.scatter.add.f32 [tilespmem:s9], [sflag:$0x2], $0x40, s31, s6, $0xb8;
	[tilespmem:$0x1CD40] =	vst v63  }
0x130: {  	_ =	swait.ge [sflag:s20], $0x1400  }
0x131: {  	[sflag:s20] =	ssyncset.done $0x0  }
0x132: {  	s28 =	rddreg [dreg:$0x12];
	[sflag:s20] =	ssyncadd.s32 $0xFFFFEC00  }
0x133: {  	[spmem:s4] =	stream.indirect.scatter.add.f32 [tilespmem:s22], [sflag:$0x5], $0x10, s28, s6, $0xb8;
	[tilespmem:$0x1CD40] =	vst v63  }
0x134: {  	_ =	swait.ge [sflag:s2], $0x500  }
0x135: {  	[sflag:s2] =	ssyncset.done $0x0  }
0x136: {  	[sflag:s2] =	ssyncadd.s32 $0xFFFFFB00  }
0x137: {  	[spmem:s4] =	stream.indirect.scatter.add.f32 [tilespmem:s22], [sflag:$0x5], $0x10, s30, s6, $0xb8;
	[tilespmem:$0x1CD40] =	vst v63  }
0x138: {  	_ =	swait.ge [sflag:s2], $0x500  }
0x139: {  	[sflag:s2] =	ssyncset.done $0x0  }
0x13a: {  	[sflag:s2] =	ssyncadd.s32 $0xFFFFFB00  }
0x13b: {  	_ =	swait.ge [sflag:s10], $0x1400  }
0x13c: {  	[sflag:s10] =	ssyncset.done $0x0  }
0x13d: {  	[sflag:s10] =	ssyncadd.s32 $0xFFFFEC00  }
0x13e: {  	_ =	swait.ge [sflag:s14], $0x1400  }
0x13f: {  	[sflag:s14] =	ssyncset.done $0x0  }
0x140: {  	s31 =	rddreg [dreg:$0x11];
	[sflag:s14] =	ssyncadd.s32 $0xFFFFEC00  }
0x141: {  	[spmem:s4] =	stream.indirect.scatter.add.f32 [tilespmem:s22], [sflag:$0x5], $0x10, s31, s6, $0xb8;
	[tilespmem:$0x1CD40] =	vst v63  }
0x142: {  	_ =	swait.ge [sflag:s2], $0x500  }
0x143: {  	[sflag:s2] =	ssyncset.done $0x0  }
0x144: {  	s28 =	stileid.u32;
	[sflag:s2] =	ssyncadd.s32 $0xFFFFFB00  }
0x145: {  	s25 =	sshll.u32 s28, $0x6;
	[bflag:$0x0] =	sbarrier.arrive $0xFFFF  }
0x146: {  	s28 =	sshrl.u32 s23, $0x3;
	s25 =	sor.u32 $0x1C05, s25;
	s29 =	rddreg [dreg:$0xe]  }
0x147: {  	[hbm:s29], [sflag:s25] =	dma.local [spmem:s28], $0x1400  }
0x148: {  	_ =	swait.ge [sflag:s2], $0x1400  }
0x149: {  	[sflag:s2] =	ssyncset.done $0x0  }
0x14a: {  	s31 =	sshrl.u32 s8, $0x3;
	s29 =	rddreg [dreg:$0xf];
	[sflag:s2] =	ssyncadd.s32 $0xFFFFEC00  }
0x14b: {  	[hbm:s29], [sflag:s25] =	dma.local [spmem:s31], $0x500  }
0x14c: {  	_ =	swait.ge [sflag:s2], $0x500  }
0x14d: {  	s24 =	sadd.s32 $0x1, s24;
	s31 =	rddreg [dreg:$0x10]  }
0x14e: {  	p0 =	sne.s32 s24, s31  }
.Ltmp10:
0x14f: {  	_ = 	snop;
	(pc) =	sbr.rel @p0 .LBB2_1-.Ltmp10, $3  }
0x150: {  	_ =	sdelay $0x1  }
0x151: {  	[sflag:s2] =	ssyncset.done $0x0  }
0x152: {  	s29 =	simm.s32 $0x4E20;
	[sflag:s2] =	ssyncadd.s32 $0xFFFFFB00  }
0x153: {  	_ =	sfence.sel $0x180000  }
0x154: {  	[bflag:$0x0] =	sbarrier.arrive $0xFFFF  }
0x155: {  	_ =	strace $0x90000047  }
0x156: {  	s0 =	stileid.u32;
	[bflag:$0x2] =	sbarrier.arrive $0xFFFF  }
0x157: {  	p0 =	sne.s32 s0, $0x0;
	s0 =	rddreg [dreg:$0x4]  }
0x158: {  	s0 =	sadd.s32 @!p0 $0x100000, s0  }
0x159: {  	[sflag:s0] =	ssyncadd.tile.s32 @!p0 $0x1;
	_ =	shalt  }
.Lfunc_end2:
_tile_overlayer_lowered:
.L_overlay_start_2:
0x15a: {  	(tag) =	ssettag $0x2  }
0x15b: {  	s0 =	rddreg [dreg:$0x0];
	s2 =	stileid.u32  }
0x15c: {  	s1 =	rddreg [dreg:$0x1];
	p0 =	sne.s32 s2, $0x0  }
0x15d: {  	s3 =	rddreg [dreg:$0x2];
	[bflag:$0x3] =	sbarrier.arrive $0xFFFF;
	s2 =	simm.s32 @!p0 $0x1C05  }
0x15e: {  	[timem:s3], [sflag:s2] =	dma.local @!p0 [hbm:s0], s1  }
0x15f: {  	s0 =	simm.s32 @!p0 $0x5  }
0x160: {  	_ =	swait.ge @!p0 [sflag:s0], s1  }
0x161: {  	s1 =	ssub.s32 @!p0 $0x0, s1;
	[sflag:s0] =	ssyncset.done @!p0 $0x0  }
0x162: {  	[sflag:s0] =	ssyncadd.s32 @!p0 s1  }
0x163: {  	[bflag:$0x3] =	sbarrier.arrive $0xFFFF  }
0x164: {  	_ =	shalt  }

// kernel: kernel.9.cloned.1.call-start
scs
__scs_entry_jumppad:
0x0: {  	(pc) =	sbr.rel $0x88, $3  }
0x1: {  	(tag) =	ssettag $0x0;
	lr =	simm.s32 $0x1  }
0x2: {  	[smem:$0x3F9B] =	sst lr;
	_ =	strace $0xD0000000  }
0x3: {  	_ = 	snop  }
0x4: {  	_ = 	snop  }
0x5: {  	_ = 	snop  }
0x6: {  	_ = 	snop  }
0x7: {  	_ = 	snop  }
__scs_overlays_trampoline_lowered:
0x8: {  	[smem:$0x3FAA] =	sst s0  }
0x9: {  	[smem:$0x3FAB] =	sst s1  }
0xa: {  	[smem:$0x3FAC] =	sst s2  }
0xb: {  	[smem:$0x3FAD] =	sst s3  }
0xc: {  	[smem:$0x3FAE] =	sst s4  }
0xd: {  	[smem:$0x3FAF] =	sst s5  }
0xe: {  	[smem:$0x3FB0] =	sst s6  }
0xf: {  	[smem:$0x3FB1] =	sst s7  }
0x10: {  	[smem:$0x3FB2] =	sst s8  }
0x11: {  	[smem:$0x3FB3] =	sst s9;
	s0 =	simm.s32 @!p0 $0x0  }
0x12: {  	s1 =	sld [smem:$0x3F99];
	s0 =	simm.s32 @p0 $0x1  }
0x13: {  	[smem:$0x3FB4] =	sst s0;
	s0 =	simm.s32 @!p1 $0x0  }
0x14: {  	s2 =	sld [smem:$0x3F98];
	s0 =	simm.s32 @p1 $0x1  }
0x15: {  	[smem:$0x3FB5] =	sst s0;
	s0 =	simm.s32 @!p2 $0x0  }
0x16: {  	s3 =	sld [smem:$0x3FDB];
	s0 =	simm.s32 @p2 $0x1  }
0x17: {  	s4 =	simm.s32 $0x1BF5;
	[smem:$0x3FB7] =	sst s0  }
0x18: {  	s0 =	sld [smem:$0x3F9A];
	_ =	swait.ge [sflag:s4], $0x0  }
0x19: {  	s7 =	sld [smem:$0x3F9B]  }
0x1a: {  	s8 =	sadd.s32 $0xFFFFE003, lr  }
0x1b: {  	s9 =	sadd.s32 $0xFFFFFEF7, lr;
	s5 =	simm.s32 $0xFFFFFFFF;
	p2 =	slt.u32 s8, $0xFFFFF086  }
0x1c: {  	p1 =	slt.u32 s9, $0xF7A;
	s5 =	simm.s32 @!p2 $0x0  }
0x1d: {  	s5 =	simm.s32 @p1 $0x1;
	p0 =	seq.s32 s7, s2  }
0x1e: {  	s7 =	smul.u32 @!p0 $0xF7A, s2;
	p2 =	seq.s32 @!p0 s5, $0x0  }
0x1f: {  	s9 =	smul.u32 $0xF7A, s1;
	s8 =	simm.s32 @!p0 $0x1BF5;
	p2 =	por !p2, p0  }
0x20: {  	[sflag:s8] =	ssyncset.s32 @!p0 $0xFFFFF086;
	s6 =	sadd.s32 @!p0 s3, s7;
	s7 =	simm.s32 @!p0 $0x108  }
0x21: {  	s3 =	sadd.s32 s3, s9;
	s6 =	sadd.s32 @!p0 $0x88, s6;
	s7 =	simm.s32 @p2 $0x1082  }
0x22: {  	[simem:s7], [sflag:s8] =	dma.local @!p0 [hbm:s6], $0xF7A  }
0x23: {  	s9 =	sor.u32 $0xD0000000, s2;
	s6 =	simm.s32 $0x108;
	_ =	swait.ge @!p0 [sflag:s8], $0x0  }
0x24: {  	s3 =	sadd.s32 $0x88, s3;
	s6 =	simm.s32 @!p1 $0x1082;
	[sflag:s4] =	ssyncset.s32 $0xFFFFF086  }
0x25: {  	[simem:s6], [sflag:s4] =	dma.local [hbm:s3], $0xF7A  }
0x26: {  	[smem:$0x3F9B] =	sst s1;
	(tag) =	ssettag s2;
	_ =	strace s9  }
0x27: {  	s1 =	sld [smem:$0x3FAB]  }
0x28: {  	s2 =	sld [smem:$0x3FAC]  }
0x29: {  	s4 =	sld [smem:$0x3FAE]  }
0x2a: {  	p0 =	seq.s32 s5, $0x0;
	s5 =	sld [smem:$0x3FAF]  }
0x2b: {  	s6 =	sld [smem:$0x3FB0]  }
0x2c: {  	s7 =	sld [smem:$0x3FB1]  }
0x2d: {  	s3 =	simm.s32 $0x108;
	s8 =	sld [smem:$0x3FB2]  }
0x2e: {  	s3 =	simm.s32 @!p0 $0x1082;
	s9 =	sld [smem:$0x3FB3]  }
0x2f: {  	lr =	sadd.s32 s0, s3;
	s0 =	sld [smem:$0x3FAA]  }
0x30: {  	s3 =	sld [smem:$0x3FAD]  }
0x31: {  	[smem:$0x3FB6] =	sst s10  }
0x32: {  	s10 =	sld [smem:$0x3FB4];
	_ =	sdelay $0x3  }
0x33: {  	p0 =	seq.s32 s10, $0x1;
	s10 =	sld [smem:$0x3FB6];
	_ =	sdelay $0x3  }
0x34: {  	[smem:$0x3FB6] =	sst s10  }
0x35: {  	s10 =	sld [smem:$0x3FB5];
	_ =	sdelay $0x3  }
0x36: {  	p1 =	seq.s32 s10, $0x1;
	s10 =	sld [smem:$0x3FB6];
	_ =	sdelay $0x3  }
0x37: {  	[smem:$0x3FB6] =	sst s10  }
0x38: {  	s10 =	sld [smem:$0x3FB7]  }
0x39: {  	_ = 	snop;
	(pc) =	sbr.ind lr, $3  }
0x3a: {  	_ = 	snop  }
0x3b: {  	_ = 	snop  }
0x3c: {  	p2 =	seq.s32 s10, $0x1;
	s10 =	sld [smem:$0x3FB6]  }
0x3d: {  	_ =	shalt  }
0x3e: {  	_ =	shalt  }
0x3f: {  	_ =	shalt  }
0x40: {  	_ =	shalt  }
0x41: {  	_ =	shalt  }
0x42: {  	_ =	shalt  }
0x43: {  	_ =	shalt  }
0x44: {  	_ =	shalt  }
0x45: {  	_ =	shalt  }
0x46: {  	_ =	shalt  }
0x47: {  	_ =	shalt  }
0x48: {  	_ =	shalt  }
0x49: {  	_ =	shalt  }
0x4a: {  	_ =	shalt  }
0x4b: {  	_ =	shalt  }
0x4c: {  	_ =	shalt  }
0x4d: {  	_ =	shalt  }
0x4e: {  	_ =	shalt  }
0x4f: {  	_ =	shalt  }
0x50: {  	_ =	shalt  }
0x51: {  	_ =	shalt  }
0x52: {  	_ =	shalt  }
0x53: {  	_ =	shalt  }
0x54: {  	_ =	shalt  }
0x55: {  	_ =	shalt  }
0x56: {  	_ =	shalt  }
0x57: {  	_ =	shalt  }
0x58: {  	_ =	shalt  }
0x59: {  	_ =	shalt  }
0x5a: {  	_ =	shalt  }
0x5b: {  	_ =	shalt  }
0x5c: {  	_ =	shalt  }
0x5d: {  	_ =	shalt  }
0x5e: {  	_ =	shalt  }
0x5f: {  	_ =	shalt  }
0x60: {  	_ =	shalt  }
0x61: {  	_ =	shalt  }
0x62: {  	_ =	shalt  }
0x63: {  	_ =	shalt  }
0x64: {  	_ =	shalt  }
0x65: {  	_ =	shalt  }
0x66: {  	_ =	shalt  }
0x67: {  	_ =	shalt  }
0x68: {  	_ =	shalt  }
0x69: {  	_ =	shalt  }
0x6a: {  	_ =	shalt  }
0x6b: {  	_ =	shalt  }
0x6c: {  	_ =	shalt  }
0x6d: {  	_ =	shalt  }
0x6e: {  	_ =	shalt  }
0x6f: {  	_ =	shalt  }
0x70: {  	_ =	shalt  }
0x71: {  	_ =	shalt  }
0x72: {  	_ =	shalt  }
0x73: {  	_ =	shalt  }
0x74: {  	_ =	shalt  }
0x75: {  	_ =	shalt  }
0x76: {  	_ =	shalt  }
0x77: {  	_ =	shalt  }
0x78: {  	_ =	shalt  }
0x79: {  	_ =	shalt  }
0x7a: {  	_ =	shalt  }
0x7b: {  	_ =	shalt  }
0x7c: {  	_ =	shalt  }
0x7d: {  	_ =	shalt  }
0x7e: {  	_ =	shalt  }
0x7f: {  	_ =	shalt  }
0x80: {  	_ =	shalt  }
0x81: {  	_ =	shalt  }
0x82: {  	_ =	shalt  }
0x83: {  	_ =	shalt  }
0x84: {  	_ =	shalt  }
0x85: {  	_ =	shalt  }
0x86: {  	_ =	shalt  }
0x87: {  	_ =	shalt  }
.Lfunc_end0:
.L_simem_size_0:
called_computation.1_lowered:
.L_overlay_start_0:
0x88: {  	s2 =	sld [smem:$0x3FD9]  }
0x89: {  	s3 =	sld [smem:$0x3FFE];
	_ =	sdelay $0x1  }
0x8a: {  	s1 =	srdreg.scid  }
0x8b: {  	s0 =	sand.u32 $0x1, s1  }
0x8c: {  	s17 =	sshll.u32 s0, $0xA;
	s2 =	sadd.s32 s3, s2  }
0x8d: {  	s2 =	sadd.s32 s2, s17  }
0x8e: {  	[smem:$0x3FC2] =	sst s2  }
0x8f: {  	_ = 	snop  }
0x90: {  	(tm) =	ssettm $0x1  }
0x91: {  	s18 =	sld [smem:$0x3FFB];
	_ =	sdelay $0x3  }
0x92: {  	_ =	strace s18  }
0x93: {  	s2 =	sld [smem:$0x3FFC];
	_ =	sdelay $0x3  }
0x94: {  	_ =	strace s2  }
0x95: {  	s2 =	sld [smem:$0x3FFD];
	_ =	sdelay $0x3  }
0x96: {  	_ =	strace s2  }
0x97: {  	_ =	strace $0x8FFFFFFF  }
0x98: {  	s19 =	sld [smem:$0x3FDB];
	_ =	sdelay $0x1  }
0x99: {  	s20 =	simm.s32 $_scs_section_size  }
0x9a: {  	s4 =	simm.s32 $_size__tile_overlayer_lowered;
	s5 =	simm.s32 $_tile_overlayer_lowered  }
0x9b: {  	s6 =	simm.s32 $0x1BFF;
	s21 =	sshll.u32 s5, $0x1;
	s3 =	sadd.s32 s20, s19  }
0x9c: {  	s22 =	simm.s32 $0x0;
	s4 =	sshll.u32 s4, $0x1;
	s5 =	sadd.s32 s21, s3  }
0x9d: {  	[timem:s22], [sflag:s6] =	dma.local [hbm:s5], s4  }
0x9e: {  	_ =	swait.ge [sflag:s6], s4  }
0x9f: {  	s4 =	ssub.s32 $0x0, s4;
	[sflag:s6] =	ssyncset.done $0x0  }
0xa0: {  	[sflag:s6] =	ssyncadd.s32 s4;
	_ =	sdelay $0x1  }
0xa1: {  	s23 =	simm.s32 $0x1B8B  }
0xa2: {  	_ =	swait.ge [sflag:s23], $0x1  }
0xa3: {  	[sflag:s23] =	ssyncset.done $0x0  }
0xa4: {  	[sflag:s23] =	ssyncadd.s32 $0xFFFFFFFF  }
0xa5: {  	s4 =	sld [smem:$0x0]  }
0xa6: {  	s5 =	sand.u32 $0xFFFFFFFE, s1  }
0xa7: {  	p0 =	sne.s32 s1, s5  }
0xa8: {  	s5 =	sshll.u32 @p0 s5, $0xE  }
0xa9: {  	s5 =	sadd.s32 @p0 $0x11B8D, s5;
	s6 =	sshll.u32 @p0 s4, $0x11  }
0xaa: {  	s5 =	sor.u32 @p0 s6, s5  }
0xab: {  	[sflag:s5] =	ssyncadd.remote.s32 @p0 $0x1;
	_ =	sdelay $0x1  }
0xac: {  	s5 =	simm.s32 @p0 $0x1B8D  }
0xad: {  	_ =	swait.eq @p0 [sflag:s5], $0x1  }
0xae: {  	[sflag:s5] =	ssyncadd.s32 @p0 $0xFFFFFFFF  }
0xaf: {  	s6 =	sshll.u32 @!p0 s1, $0xE  }
0xb0: {  	s6 =	sor.u32 @!p0 $0x4000, s6;
	s5 =	simm.s32 @!p0 $0x1B8D  }
0xb1: {  	s4 =	sshll.u32 @!p0 s4, $0x11;
	s6 =	sadd.s32 @!p0 $0x11B8D, s6;
	_ =	swait.eq @!p0 [sflag:s5], $0x1  }
0xb2: {  	s4 =	sor.u32 @!p0 s4, s6;
	[sflag:s5] =	ssyncadd.s32 @!p0 $0xFFFFFFFF  }
0xb3: {  	s25 =	simm.s32 $0x1B8E;
	s24 =	sld [smem:$0x3FFE];
	[sflag:s4] =	ssyncadd.remote.s32 @!p0 $0x1  }
0xb4: {  	s26 =	simm.s32 $execute0_lowered;
	[smem:$0x3FD2] =	sst s25  }
0xb5: {  	s5 =	sshll.u32 s26, $0x1;
	_ =	strace $0x80000049;
	[dreg:$0x1] =	wrdreg $0xFFFFFFFF  }
0xb6: {  	s28 =	simm.s32 $_size_execute0_lowered;
	s3 =	sadd.s32 s3, s5;
	[dreg:$0x0] =	wrdreg $0x0  }
0xb7: {  	s5 =	sshll.u32 s28, $0x1;
	[dreg:$0x2] =	wrdreg s3  }
0xb8: {  	[dreg:$0x3] =	wrdreg s5  }
0xb9: {  	[dreg:$0x4] =	wrdreg $0xC0  }
0xba: {  	_ =	task [dreg:s22], $0x5FFFF  }
0xbb: {  	[dreg:$0x1] =	wrdreg $0xFFFFFFFF  }
0xbc: {  	[dreg:$0x0] =	wrdreg $0x60  }
0xbd: {  	[dreg:$0x2] =	wrdreg s24  }
0xbe: {  	[dreg:$0x3] =	wrdreg $0x67200  }
0xbf: {  	[dreg:$0x4] =	wrdreg $0xA  }
0xc0: {  	_ =	task.clear_ibuf [dreg:s22], $0x5FFFF;
	_ =	strace $0x90000049  }
0xc1: {  	s29 =	simm.s32 $0xA;
	_ =	strace $0x8000004B  }
0xc2: {  	_ =	swait.ge [sflag:s29], $0x1  }
0xc3: {  	[sflag:s29] =	ssyncadd.s32 $0xFFFFFFFF  }
0xc4: {  	_ =	strace $0x9000004B  }
0xc5: {  	_ =	sfence  }
0xc6: {  	s30 =	sld [smem:$0x0];
	_ =	sdelay $0x2  }
0xc7: {  	s31 =	sshll.u32 s1, $0xD;
	s1 =	sshrl.u32 s1, $0x2  }
0xc8: {  	s4 =	sand.u32 $0x4000, s31;
	s1 =	sadd.s32 s1, s30  }
0xc9: {  	s0 =	sor.u32 s4, s0;
	s1 =	sshll.u32 s1, $0x11  }
0xca: {  	s0 =	sor.u32 s1, s0  }
0xcb: {  	s0 =	sadd.s32 $0x8F2B, s0  }
0xcc: {  	[sflag:s0] =	ssyncadd.remote.s32 $0x1  }
0xcd: {  	_ =	sfence.sel $0xFFFF  }
0xce: {  	[dreg:$0x0] =	wrdreg $0xFFFFFFFF;
	(pc) =	sbr.abs _section_cstart, $3  }
0xcf: {  	[dreg:$0x1] =	wrdreg $0xFFFFFFFF  }
0xd0: {  	_ =	task.clear_ibuf [dreg:s22], $0x2FFFF;
	_ =	strace $0x9FFFFFFF  }
0xd1: {  	(tm) =	ssettm $0x7FFFFFFF  }
tec
execute0_lowered:
.L_overlay_start_1:
0x0: {  	(tag) =	ssettag $0x1  }
0x1: {  	s0 =	rddreg [dreg:$0x0]  }
0x2: {  	s1 =	srdreg.scid;
	s12 =	stileid.u32  }
0x3: {  	s2 =	rddreg [dreg:$0x1];
	s3 =	simm.s32 $0x0;
	s4 =	smul.u32 $0x2800, s12  }
0x4: {  	s28 =	simm.s32 $0x4E20;
	s29 =	simm.s32 $0x5320;
	s6 =	smul.u32 $0x4E20, s12  }
0x5: {  	s30 =	simm.s32 $0x6220;
	s1 =	sand.u32 $0x1, s1;
	s15 =	smul.u32 $0xA000, s12  }
0x6: {  	s31 =	simm.s32 $0x1;
	[smem:$0x7FF] =	sst s3;
	s5 =	smul.u32 $0x28000, s1  }
0x7: {  	s8 =	sadd.s32 $0x534A00, s0;
	s7 =	ssub.s32 $0x2, s1;
	s13 =	smul.u32 $0x2710, s1  }
0x8: {  	_ =	strace $0x8000004A;
	s1 =	smul.u32 $0x9C40, s1;
	s9 =	sshrl.u32 s7, $0x1  }
0x9: {  	s10 =	sshrl.u32 s6, $0x3;
	s18 =	sshrl.u32 s15, $0x2;
	s5 =	sadd.s32 s4, s5  }
0xa: {  	s11 =	ssub.s32 s7, s9;
	[dreg:$0x3] =	wrdreg s13;
	s14 =	sadd.s32 $0x50, s13  }
0xb: {  	s9 =	sadd.s32 s4, s2;
	s19 =	sadd.s32 s18, s2;
	s26 =	sshrl.u32 s1, $0x2  }
0xc: {  	s1 =	simm.s32 $0x50;
	[dreg:$0x4] =	wrdreg s14;
	s20 =	sadd.s32 $0x500, s19  }
0xd: {  	s5 =	sshrl.u32 s5, $0x3;
	s21 =	sadd.s32 $0xA00, s19;
	[dreg:$0x7] =	wrdreg s20  }
0xe: {  	s22 =	sadd.s32 $0xF00, s19;
	s23 =	sadd.s32 $0x1400, s19;
	[dreg:$0x8] =	wrdreg s21  }
0xf: {  	s24 =	sadd.s32 $0x1900, s19;
	s25 =	sadd.s32 $0x1E00, s19;
	[dreg:$0x9] =	wrdreg s22  }
0x10: {  	s5 =	sadd.s32 s5, s0;
	s0 =	sadd.s32 s0, s10;
	[dreg:$0xa] =	wrdreg s23  }
0x11: {  	s10 =	sadd.s32 s13, s6;
	s6 =	sadd.s32 s6, s14;
	[dreg:$0xb] =	wrdreg s24  }
0x12: {  	[dreg:$0xc] =	wrdreg s25;
	s20 =	smax.u32 s11, $0x1;
	s11 =	sadd.s32 $0x190, s26  }
0x13: {  	s26 =	simm.s32 $0x5;
	s0 =	sadd.s32 $0x16C80, s0;
	s16 =	sshll.u32 s10, $0x1  }
0x14: {  	s17 =	sshll.u32 s6, $0x1;
	s6 =	simm.s32 $0x3;
	[dreg:$0x5] =	wrdreg s0  }
.Ltmp0:
0x15: {  	s7 =	sadd.s32 s8, s16;
	s0 =	sadd.s32 s8, s17;
	(pc) =	sbr.rel .LBB2_1-.Ltmp0, $4  }
0x16: {  	s16 =	sadd.s32 $0x2300, s19;
	s19 =	sadd.s32 $0x52A00, s5;
	s5 =	simm.s32 $0x4  }
0x17: {  	s8 =	simm.s32 $0x0;
	[dreg:$0x6] =	wrdreg s0;
	s17 =	sadd.s32 $0x140, s7  }
0x18: {  	s18 =	sadd.s32 $0x1E0, s7;
	s21 =	sadd.s32 $0x460, s7;
	s23 =	sadd.s32 $0x3C0, s7  }
0x19: {  	v0 =	vimm.f32 $0.0e+00;
	s24 =	sadd.s32 $0x320, s7;
	s25 =	sadd.s32 $0x280, s7;
	s0 =	simm.s32 $0x2  }
.LBB2_8:
0x1a: {  	_ =	swait.ge [sflag:s5], $0x500  }
0x1b: {  	[sflag:s5] =	ssyncset.done $0x0  }
0x1c: {  	[sflag:s5] =	ssyncadd.s32 $0xFFFFFB00  }
0x1d: {  	s4 =	stileid.u32;
	_ =	swait.ge [sflag:s31], $0x500  }
0x1e: {  	s10 =	sshrl.u32 s9, $0x3;
	s8 =	sadd.s32 $0x1, s8;
	[sflag:s31] =	ssyncset.done $0x0  }
0x1f: {  	s4 =	sshll.u32 s4, $0x6;
	p0 =	sne.s32 s8, s20;
	[sflag:s31] =	ssyncadd.s32 $0xFFFFFB00  }
.Ltmp1:
0x20: {  	s4 =	sor.u32 $0x1C05, s4;
	[bflag:$0x0] =	sbarrier.arrive $0xFFFF;
	(pc) =	sbr.rel @!p0 .LBB2_9-.Ltmp1, $4  }
0x21: {  	[hbm:s19], [sflag:s4] =	dma.local [spmem:s10], $0x500  }
0x22: {  	_ =	swait.ge [sflag:s26], $0x500  }
0x23: {  	[sflag:s26] =	ssyncset.done $0x0  }
0x24: {  	[sflag:s26] =	ssyncadd.s32 $0xFFFFFB00  }
.LBB2_1:
0x25: {  	s4 =	rddreg [dreg:$0x5]  }
0x26: {  	[tilespmem:s3], [sflag:$0x5] =	stream.linear.gather [hbm4b:s4+s3], $0x4E20, $0x38;
	[tilespmem:$0x8F20] =	vst v63  }
0x27: {  	_ =	swait.ge [sflag:s26], $0x4E20  }
0x28: {  	[sflag:s26] =	ssyncset.done $0x0  }
0x29: {  	[sflag:s26] =	ssyncadd.s32 $0xFFFFB1E0  }
0x2a: {  	[tilespmem:s28], [sflag:$0x1] =	stream.linear.gather [hbm4b:s7+s3], $0x500, $0x38;
	[tilespmem:$0x8F20] =	vst v63  }
0x2b: {  	s10 =	simm.s32 $0x0;
	s4 =	simm.s32 $0x40;
	s22 =	rddreg [dreg:$0x6]  }
0x2c: {  	[tilespmem:s29], [sflag:$0x2] =	stream.linear.gather [hbm4b:s22+s3], $0x500, $0x38;
	[tilespmem:$0x8F20] =	vst v63  }
.LBB2_2:
0x2d: {  	p0 =	sne.s32 s4, $0x13C0;
	[tilespmem:s10+$0x6220] =	vst v0;
	s10 =	smov.u32 s4;
	s4 =	sadd.s32 $0x40, s4  }
.Ltmp2:
0x2e: {  	(pc) =	sbr.rel @p0 .LBB2_2-.Ltmp2, $2  }
0x2f: {  	_ =	sdelay $0x2  }
0x30: {  	s10 =	sshra.s32 s10, $0x2  }
0x31: {  	[tilespmem:s10+$0x6220] =	vst v0  }
0x32: {  	[spmem:s9] =	stream.linear.scatter [tilespmem:s30], [sflag:$0x5], $0x500, $0x38;
	[tilespmem:$0x8F20] =	vst v63  }
0x33: {  	_ =	swait.ge [sflag:s26], $0x500  }
0x34: {  	[sflag:s26] =	ssyncset.done $0x0  }
0x35: {  	s4 =	rddreg [dreg:$0x7];
	[sflag:s26] =	ssyncadd.s32 $0xFFFFFB00  }
0x36: {  	[spmem:s4] =	stream.linear.scatter [tilespmem:s30], [sflag:$0x5], $0x500, $0x38;
	[tilespmem:$0x8F20] =	vst v63  }
0x37: {  	_ =	swait.ge [sflag:s26], $0x500  }
0x38: {  	[sflag:s26] =	ssyncset.done $0x0  }
0x39: {  	s14 =	rddreg [dreg:$0x8];
	[sflag:s26] =	ssyncadd.s32 $0xFFFFFB00  }
0x3a: {  	[spmem:s14] =	stream.linear.scatter [tilespmem:s30], [sflag:$0x5], $0x500, $0x38;
	[tilespmem:$0x8F20] =	vst v63  }
0x3b: {  	_ =	swait.ge [sflag:s26], $0x500  }
0x3c: {  	[sflag:s26] =	ssyncset.done $0x0  }
0x3d: {  	s15 =	rddreg [dreg:$0x9];
	[sflag:s26] =	ssyncadd.s32 $0xFFFFFB00  }
0x3e: {  	[spmem:s15] =	stream.linear.scatter [tilespmem:s30], [sflag:$0x5], $0x500, $0x38;
	[tilespmem:$0x8F20] =	vst v63  }
0x3f: {  	_ =	swait.ge [sflag:s26], $0x500  }
0x40: {  	[sflag:s26] =	ssyncset.done $0x0  }
0x41: {  	s22 =	rddreg [dreg:$0xa];
	[sflag:s26] =	ssyncadd.s32 $0xFFFFFB00  }
0x42: {  	[spmem:s22] =	stream.linear.scatter [tilespmem:s30], [sflag:$0x5], $0x500, $0x38;
	[tilespmem:$0x8F20] =	vst v63  }
0x43: {  	_ =	swait.ge [sflag:s26], $0x500  }
0x44: {  	[sflag:s26] =	ssyncset.done $0x0  }
0x45: {  	s10 =	rddreg [dreg:$0xb];
	[sflag:s26] =	ssyncadd.s32 $0xFFFFFB00  }
0x46: {  	[spmem:s10] =	stream.linear.scatter [tilespmem:s30], [sflag:$0x5], $0x500, $0x38;
	[tilespmem:$0x8F20] =	vst v63  }
0x47: {  	_ =	swait.ge [sflag:s26], $0x500  }
0x48: {  	[sflag:s26] =	ssyncset.done $0x0  }
0x49: {  	s12 =	rddreg [dreg:$0xc];
	[sflag:s26] =	ssyncadd.s32 $0xFFFFFB00  }
0x4a: {  	[spmem:s12] =	stream.linear.scatter [tilespmem:s30], [sflag:$0x5], $0x500, $0x38;
	[tilespmem:$0x8F20] =	vst v63  }
0x4b: {  	_ =	swait.ge [sflag:s26], $0x500  }
0x4c: {  	[sflag:s26] =	ssyncset.done $0x0  }
0x4d: {  	[sflag:s26] =	ssyncadd.s32 $0xFFFFFB00  }
0x4e: {  	[spmem:s16] =	stream.linear.scatter [tilespmem:s30], [sflag:$0x5], $0x500, $0x38;
	[tilespmem:$0x8F20] =	vst v63  }
0x4f: {  	_ =	swait.ge [sflag:s26], $0x500  }
0x50: {  	[sflag:s26] =	ssyncset.done $0x0  }
0x51: {  	[sflag:s26] =	ssyncadd.s32 $0xFFFFFB00  }
0x52: {  	[bflag:$0x0] =	sbarrier.arrive $0xFFFF  }
0x53: {  	_ =	swait.ge [sflag:s31], $0x500  }
0x54: {  	[sflag:s31] =	ssyncset.done $0x0  }
0x55: {  	s13 =	rddreg [dreg:$0x3];
	[sflag:s31] =	ssyncadd.s32 $0xFFFFFB00  }
0x56: {  	[spmem:s2] =	stream.indirect.scatter.add.f32 [tilespmem:s28], [sflag:$0x1], $0x10, s13, s1, $0xb8;
	[tilespmem:$0x8F20] =	vst v63  }
0x57: {  	s4 =	simm.s32 $0x0;
	s14 =	simm.s32 $0x5820  }
0x58: {  	[tilespmem:s14], [sflag:$0x3] =	stream.linear.gather [hbm4b:s17+s4], $0x500, $0x38;
	[tilespmem:$0x8F20] =	vst v63  }
0x59: {  	_ =	swait.ge [sflag:s0], $0x500  }
0x5a: {  	[sflag:s0] =	ssyncset.done $0x0  }
.Ltmp3:
0x5b: {  	s15 =	rddreg [dreg:$0x4];
	[sflag:s0] =	ssyncadd.s32 $0xFFFFFB00;
	(pc) =	sbr.rel .LBB2_4-.Ltmp3, $4  }
0x5c: {  	[spmem:s2] =	stream.indirect.scatter.add.f32 [tilespmem:s29], [sflag:$0x2], $0x10, s15, s1, $0xb8;
	[tilespmem:$0x8F20] =	vst v63  }
0x5d: {  	s22 =	simm.s32 $0x5D20  }
0x5e: {  	[tilespmem:s22], [sflag:$0x4] =	stream.linear.gather [hbm4b:s18+s4], $0x500, $0x38;
	[tilespmem:$0x8F20] =	vst v63  }
0x5f: {  	s10 =	simm.s32 $0x3;
	s12 =	simm.s32 $0x0;
	s22 =	smov.u32 s11  }
.LBB2_5:
0x60: {  	s13 =	sadd.s32 s4, s24  }
0x61: {  	[tilespmem:s29], [sflag:$0x2] =	stream.linear.gather [hbm4b:s13+s3], $0x500, $0x38;
	[tilespmem:$0x8F20] =	vst v63  }
.LBB2_7:
0x62: {  	_ =	swait.ge [sflag:s31], $0x500  }
0x63: {  	[sflag:s31] =	ssyncset.done $0x0  }
0x64: {  	s13 =	sadd.s32 $0xFFFFFFB0, s22;
	[sflag:s31] =	ssyncadd.s32 $0xFFFFFB00  }
0x65: {  	[spmem:s2] =	stream.indirect.scatter.add.f32 [tilespmem:s28], [sflag:$0x1], $0x10, s13, s1, $0xb8;
	[tilespmem:$0x8F20] =	vst v63  }
0x66: {  	p0 =	sgt.u32 s12, $0x1D;
	_ =	swait.ge [sflag:s6], $0x500  }
0x67: {  	s14 =	simm.s32 @!p0 $0x0;
	[sflag:s6] =	ssyncset.done $0x0  }
0x68: {  	s15 =	simm.s32 @!p0 $0x5820;
	s13 =	sadd.s32 @!p0 s4, s23;
	[sflag:s6] =	ssyncadd.s32 $0xFFFFFB00  }
0x69: {  	[tilespmem:s15], [sflag:$0x3] =	stream.linear.gather @!p0 [hbm4b:s13+s14], $0x500, $0x38;
	[tilespmem:$0x8F20] =	vst v63  }
0x6a: {  	s13 =	simm.s32 @!p0 $0x2  }
0x6b: {  	_ =	swait.ge @!p0 [sflag:s13], $0x500  }
0x6c: {  	[sflag:s13] =	ssyncset.done @!p0 $0x0  }
0x6d: {  	s15 =	simm.s32 @!p0 $0x5320;
	[sflag:s13] =	ssyncadd.s32 @!p0 $0xFFFFFB00;
	s13 =	simm.s32 @!p0 $0x50  }
0x6e: {  	[spmem:s2] =	stream.indirect.scatter.add.f32 @!p0 [tilespmem:s15], [sflag:$0x2], $0x10, s22, s13, $0xb8;
	[tilespmem:$0x8F20] =	vst v63  }
0x6f: {  	s13 =	simm.s32 @!p0 $0x4  }
0x70: {  	_ =	swait.ge @!p0 [sflag:s13], $0x500  }
0x71: {  	s15 =	simm.s32 @!p0 $0x5D20;
	[sflag:s13] =	ssyncset.done @!p0 $0x0  }
0x72: {  	[sflag:s13] =	ssyncadd.s32 @!p0 $0xFFFFFB00;
	s13 =	sadd.s32 @!p0 s4, s21;
	s4 =	sadd.s32 $0x280, s4  }
0x73: {  	[tilespmem:s15], [sflag:$0x4] =	stream.linear.gather @!p0 [hbm4b:s13+s14], $0x500, $0x38;
	[tilespmem:$0x8F20] =	vst v63  }
0x74: {  	p0 =	sne.s32 s4, $0x5000  }
.Ltmp4:
0x75: {  	_ = 	snop;
	(pc) =	sbr.rel @!p0 .LBB2_8-.Ltmp4, $2  }
0x76: {  	_ =	sdelay $0x2  }
0x77: {  	s12 =	sadd.s32 $0x1, s12;
	s10 =	sadd.s32 $0x4, s10;
	s22 =	sadd.s32 $0x140, s22  }
.LBB2_4:
0x78: {  	s13 =	sadd.s32 $0xFFFFFFFF, s10  }
0x79: {  	p0 =	sgt.u32 s13, $0x7C  }
0x7a: {  	s13 =	simm.s32 @!p0 $0x3  }
0x7b: {  	_ =	swait.ge @!p0 [sflag:s13], $0x500  }
0x7c: {  	s14 =	simm.s32 @!p0 $0x50;
	[sflag:s13] =	ssyncset.done @!p0 $0x0  }
0x7d: {  	s15 =	simm.s32 @!p0 $0x5820;
	[sflag:s13] =	ssyncadd.s32 @!p0 $0xFFFFFB00;
	s13 =	sadd.s32 @!p0 $0xFFFFFF10, s22  }
0x7e: {  	[spmem:s2] =	stream.indirect.scatter.add.f32 @!p0 [tilespmem:s15], [sflag:$0x3], $0x10, s13, s14, $0xb8;
	[tilespmem:$0x8F20] =	vst v63  }
0x7f: {  	s13 =	simm.s32 @!p0 $0x1  }
0x80: {  	_ =	swait.ge @!p0 [sflag:s13], $0x500  }
0x81: {  	s14 =	simm.s32 @!p0 $0x0;
	[sflag:s13] =	ssyncset.done @!p0 $0x0  }
0x82: {  	s15 =	simm.s32 @!p0 $0x4E20;
	[sflag:s13] =	ssyncadd.s32 @!p0 $0xFFFFFB00;
	s13 =	sadd.s32 @!p0 s4, s25  }
0x83: {  	[tilespmem:s15], [sflag:$0x1] =	stream.linear.gather @!p0 [hbm4b:s13+s14], $0x500, $0x38;
	[tilespmem:$0x8F20] =	vst v63  }
0x84: {  	p0 =	sgt.u32 s10, $0x7C  }
0x85: {  	s13 =	simm.s32 @!p0 $0x4  }
0x86: {  	s14 =	simm.s32 @!p0 $0x50;
	_ =	swait.ge @!p0 [sflag:s13], $0x500  }
0x87: {  	s15 =	simm.s32 @!p0 $0x5D20;
	p1 =	sgt.u32 @!p0 s12, $0x1D;
	[sflag:s13] =	ssyncset.done @!p0 $0x0  }
0x88: {  	p1 =	por p0, p1;
	[sflag:s13] =	ssyncadd.s32 @!p0 $0xFFFFFB00;
	s13 =	sadd.s32 @!p0 $0xFFFFFF60, s22  }
0x89: {  	[spmem:s2] =	stream.indirect.scatter.add.f32 @!p0 [tilespmem:s15], [sflag:$0x4], $0x10, s13, s14, $0xb8;
	[tilespmem:$0x8F20] =	vst v63  }
.Ltmp5:
0x8a: {  	_ = 	snop;
	(pc) =	sbr.rel @!p1 .LBB2_5-.Ltmp5, $4  }
0x8b: {  	s13 =	simm.s32 @!p0 $0x2  }
0x8c: {  	_ =	swait.ge @!p0 [sflag:s13], $0x500  }
0x8d: {  	[sflag:s13] =	ssyncset.done @!p0 $0x0  }
0x8e: {  	[sflag:s13] =	ssyncadd.s32 @!p0 $0xFFFFFB00  }
0x8f: {  	p0 =	seq.s32 s4, $0x4D80  }
.Ltmp6:
0x90: {  	_ = 	snop;
	(pc) =	sbr.rel @!p0 .LBB2_7-.Ltmp6, $4  }
.Ltmp7:
0x91: {  	_ = 	snop;
	(pc) =	sbr.rel @p0 .LBB2_8-.Ltmp7, $4  }
0x92: {  	_ = 	snop  }
0x93: {  	_ = 	snop  }
0x94: {  	_ = 	snop  }
0x95: {  	_ = 	snop  }
.LBB2_9:
0x96: {  	_ =	sfence.sel $0x180000  }
0x97: {  	[bflag:$0x0] =	sbarrier.arrive $0xFFFF  }
0x98: {  	_ =	strace $0x9000004A  }
0x99: {  	s0 =	stileid.u32;
	[bflag:$0x2] =	sbarrier.arrive $0xFFFF  }
0x9a: {  	p0 =	sne.s32 s0, $0x0;
	s0 =	rddreg [dreg:$0x2]  }
0x9b: {  	s0 =	sadd.s32 @!p0 $0x100000, s0  }
0x9c: {  	[sflag:s0] =	ssyncadd.tile.s32 @!p0 $0x1;
	_ =	shalt  }
.Lfunc_end2:
_tile_overlayer_lowered:
.L_overlay_start_2:
0x9d: {  	(tag) =	ssettag $0x2  }
0x9e: {  	s0 =	rddreg [dreg:$0x0];
	s2 =	stileid.u32  }
0x9f: {  	s1 =	rddreg [dreg:$0x1];
	p0 =	sne.s32 s2, $0x0  }
0xa0: {  	s3 =	rddreg [dreg:$0x2];
	[bflag:$0x3] =	sbarrier.arrive $0xFFFF;
	s2 =	simm.s32 @!p0 $0x1C05  }
0xa1: {  	[timem:s3], [sflag:s2] =	dma.local @!p0 [hbm:s0], s1  }
0xa2: {  	s0 =	simm.s32 @!p0 $0x5  }
0xa3: {  	_ =	swait.ge @!p0 [sflag:s0], s1  }
0xa4: {  	s1 =	ssub.s32 @!p0 $0x0, s1;
	[sflag:s0] =	ssyncset.done @!p0 $0x0  }
0xa5: {  	[sflag:s0] =	ssyncadd.s32 @!p0 s1  }
0xa6: {  	[bflag:$0x3] =	sbarrier.arrive $0xFFFF  }
0xa7: {  	_ =	shalt  }

</sc_bundles>
